<compile_context>
chip_gen: v7x
topology: tpu7x:2x2x1
jax: 0.10.2.dev20260603
libtpu: 0.0.44.dev20260713+nightly
codegen_flags: <defaults>
</compile_context>

<pallas_src>
import functools

import jax
import jax.numpy as jnp
from jax import lax
from jax.experimental import pallas as pl
from jax.experimental.pallas import tpu as pltpu
from jax.experimental.pallas import tpu_sc as plsc

N = 10000
D = 128
G = 64
E = 320000

NC = 2
NS = 16
NW = NC * NS
CE = 128
CPW = 160
E_PAD = NS * CPW * CE
RPT = 632
TRASH = N
AGG_ROWS = NS * RPT
GRP = 8

def _sc_segsum_body(h_hbm, src_hbm, dst_hbm, out_hbm,
                    sidx, didx, rows0, rows1, agg, semg0, semg1, sems0, sems1):
    c = lax.axis_index("c")
    s = lax.axis_index("s")
    slab = s * CPW
    ngroups = CPW // GRP

    def zfill():
        zv = jnp.zeros((16,), jnp.float32)

        def zbody(r, carry):
            for l in range(D // 16):
                rows0[r, pl.ds(16 * l, 16)] = zv
            return carry

        lax.fori_loop(0, CE, zbody, 0)
        base = s * RPT
        for k in range(RPT // CE):
            pltpu.sync_copy(rows0, agg.at[pl.ds(base + CE * k, CE)])
        pltpu.sync_copy(rows0.at[pl.ds(0, RPT % CE)],
                        agg.at[pl.ds(base + (RPT // CE) * CE, RPT % CE)])

    @pl.when(c == 0)
    def _():
        zfill()
        plsc.subcore_barrier()

    def group(g, carry):
        base = slab + g * GRP
        pltpu.sync_copy(src_hbm.at[pl.ds(base, GRP)], sidx)
        pltpu.sync_copy(dst_hbm.at[pl.ds(base, GRP)], didx)
        pltpu.async_copy(h_hbm.at[sidx.at[0]], rows0, semg0)

        def body(jj, c2):
            j0 = 2 * jj
            j1 = j0 + 1
            jn = jnp.minimum(j0 + 2, GRP - 1)
            pltpu.make_async_copy(h_hbm.at[sidx.at[j0]], rows0, semg0).wait()
            pltpu.async_copy(h_hbm.at[sidx.at[j1]], rows1, semg1)
            pltpu.sync_copy(rows0, agg.at[didx.at[j0]], add=True)
            pltpu.make_async_copy(h_hbm.at[sidx.at[j1]], rows1, semg1).wait()
            pltpu.async_copy(h_hbm.at[sidx.at[jn]], rows0, semg0)
            pltpu.sync_copy(rows1, agg.at[didx.at[j1]], add=True)
            return c2

        lax.fori_loop(0, GRP // 2, body, 0)
        pltpu.make_async_copy(h_hbm.at[sidx.at[GRP - 1]], rows0, semg0).wait()
        return carry

    @pl.when(c == 0)
    def _():
        lax.fori_loop(0, ngroups, group, 0)
        plsc.subcore_barrier()
        pltpu.sync_copy(agg.at[pl.ds(s * RPT, RPT)],
                        out_hbm.at[pl.ds(s * RPT, RPT)])


@functools.cache
def _sc_segsum_kernel():
    mesh = plsc.VectorSubcoreMesh(core_axis_name="c", subcore_axis_name="s",
                                  num_cores=NC, num_subcores=NS)
    return pl.kernel(
        _sc_segsum_body,
        out_type=jax.ShapeDtypeStruct((AGG_ROWS, D), jnp.float32),
        mesh=mesh,
        scratch_types=[
            pltpu.VMEM((GRP, CE), jnp.int32),
            pltpu.VMEM((GRP, CE), jnp.int32),
            pltpu.VMEM((CE, D), jnp.float32),
            pltpu.VMEM((CE, D), jnp.float32),
            pltpu.VMEM_SHARED((AGG_ROWS, D), jnp.float32),
            pltpu.SemaphoreType.DMA,
            pltpu.SemaphoreType.DMA,
            pltpu.SemaphoreType.DMA,
            pltpu.SemaphoreType.DMA,
        ],
    )


def _sc_segsum(h, src_p, dst_p):
    return _sc_segsum_kernel()(h, src_p, dst_p)


BM = 1000
NB = N // BM


def _mlp_body(relu_out, h_ref, agg_ref, w1_ref, b1_ref, w2_ref, b2_ref, o_ref):
    z = h_ref[...] + agg_ref[...]
    y = jnp.dot(z, w1_ref[...], preferred_element_type=jnp.float32) + b1_ref[...]
    y = jnp.maximum(y, 0.0)
    y = jnp.dot(y, w2_ref[...], preferred_element_type=jnp.float32) + b2_ref[...]
    if relu_out:
        y = jnp.maximum(y, 0.0)
    o_ref[...] = y


def _tc_mlp(h, agg, w1, b1, w2, b2, relu_out):
    return pl.pallas_call(
        functools.partial(_mlp_body, relu_out),
        grid=(NB,),
        in_specs=[
            pl.BlockSpec((BM, D), lambda i: (i, 0)),
            pl.BlockSpec((BM, D), lambda i: (i, 0)),
            pl.BlockSpec((D, D), lambda i: (0, 0)),
            pl.BlockSpec((1, D), lambda i: (0, 0)),
            pl.BlockSpec((D, D), lambda i: (0, 0)),
            pl.BlockSpec((1, D), lambda i: (0, 0)),
        ],
        out_specs=pl.BlockSpec((BM, D), lambda i: (i, 0)),
        out_shape=jax.ShapeDtypeStruct((N, D), jnp.float32),
    )(h, agg, w1, b1, w2, b2)


def _final_body(h_ref, agg_ref, w1_ref, b1_ref, w2_ref, b2_ref, batch_ref,
                ego_ref, mw1_ref, mb1_ref, mw2_ref, mb2_ref, o_ref, acc, cnt):
    i = pl.program_id(0)

    @pl.when(i == 0)
    def _():
        acc[...] = jnp.zeros_like(acc)
        cnt[...] = jnp.zeros_like(cnt)

    z = h_ref[...] + agg_ref[...]
    y = jnp.maximum(
        jnp.dot(z, w1_ref[...], preferred_element_type=jnp.float32) + b1_ref[...], 0.0)
    h3 = jnp.dot(y, w2_ref[...], preferred_element_type=jnp.float32) + b2_ref[...]

    bb = batch_ref[0]
    gi = lax.broadcasted_iota(jnp.int32, (G, BM), 0)
    pt = jnp.where(gi == bb, 1.0, 0.0)
    acc[...] += lax.dot_general(pt, h3, (((1,), (0,)), ((), ())),
                                preferred_element_type=jnp.float32)
    cnt[...] += jnp.broadcast_to(jnp.sum(pt, axis=1, keepdims=True), (G, D))

    @pl.when(i == NB - 1)
    def _():
        pooled = acc[...] / jnp.maximum(cnt[...], 1.0)
        e = jnp.maximum(
            jnp.dot(ego_ref[...], mw1_ref[...], preferred_element_type=jnp.float32)
            + mb1_ref[...], 0.0)
        e = jnp.dot(e, mw2_ref[...], preferred_element_type=jnp.float32) + mb2_ref[...]
        o_ref[...] = jnp.concatenate([pooled, e], axis=1)


def _tc_final(h, agg, w1, b1, w2, b2, batch3, ego, mw1, mb1, mw2, mb2):
    return pl.pallas_call(
        _final_body,
        grid=(NB,),
        in_specs=[
            pl.BlockSpec((BM, D), lambda i: (i, 0)),
            pl.BlockSpec((BM, D), lambda i: (i, 0)),
            pl.BlockSpec((D, D), lambda i: (0, 0)),
            pl.BlockSpec((1, D), lambda i: (0, 0)),
            pl.BlockSpec((D, D), lambda i: (0, 0)),
            pl.BlockSpec((1, D), lambda i: (0, 0)),
            pl.BlockSpec((1, 1, BM), lambda i: (i, 0, 0)),
            pl.BlockSpec((G, D), lambda i: (0, 0)),
            pl.BlockSpec((D, D), lambda i: (0, 0)),
            pl.BlockSpec((1, D), lambda i: (0, 0)),
            pl.BlockSpec((D, D), lambda i: (0, 0)),
            pl.BlockSpec((1, D), lambda i: (0, 0)),
        ],
        out_specs=pl.BlockSpec((G, 2 * D), lambda i: (0, 0)),
        out_shape=jax.ShapeDtypeStruct((G, 2 * D), jnp.float32),
        scratch_shapes=[
            pltpu.VMEM((G, D), jnp.float32),
            pltpu.VMEM((G, D), jnp.float32),
        ],
    )(h, agg, w1, b1, w2, b2, batch3, ego, mw1, mb1, mw2, mb2)


def kernel(ego_states, x, edge_index, batch,
           gin0_w1, gin0_b1, gin0_w2, gin0_b2,
           gin1_w1, gin1_b1, gin1_w2, gin1_b2,
           gin2_w1, gin2_b1, gin2_w2, gin2_b2,
           mlp_w1, mlp_b1, mlp_w2, mlp_b2):
    pad = E_PAD - E
    src_p = jnp.concatenate(
        [edge_index[0], jnp.zeros((pad,), jnp.int32)]).reshape(E_PAD // CE, CE)
    dst_p = jnp.concatenate(
        [edge_index[1], jnp.full((pad,), TRASH, jnp.int32)]).reshape(E_PAD // CE, CE)
    batch3 = batch.reshape(NB, 1, BM)

    b = [v.reshape(1, D) for v in
         (gin0_b1, gin0_b2, gin1_b1, gin1_b2, gin2_b1, gin2_b2, mlp_b1, mlp_b2)]

    h = x
    agg = _sc_segsum(h, src_p, dst_p)
    h = _tc_mlp(h, agg, gin0_w1, b[0], gin0_w2, b[1], relu_out=True)
    agg = _sc_segsum(h, src_p, dst_p)
    h = _tc_mlp(h, agg, gin1_w1, b[2], gin1_w2, b[3], relu_out=True)
    agg = _sc_segsum(h, src_p, dst_p)
    return _tc_final(h, agg, gin2_w1, b[4], gin2_w2, b[5], batch3,
                     ego_states, mlp_w1, b[6], mlp_w2, b[7])

# --- scband reference (transcript-rebuilt; emitter-appended) ---
"""Pipeline reference for scband-gcn-28741921145256 (READ-ONLY COPY).

The authoritative reference and input builder live on the scoring server;
editing this copy changes nothing except your own understanding.
"""

import jax, jax.numpy as jnp
import numpy as np

N_NODES = 10000
N_EDGES = 320000
D = 128
N_GRAPHS = 64


def setup_inputs(seed: int = 0) -> dict:
    key = jax.random.key(seed)
    ks = jax.random.split(key, 24)
    inp = {}
    inp['ego_states'] = jax.random.normal(ks[0], (N_GRAPHS, D), dtype=jnp.float32)
    inp['x'] = jax.random.normal(ks[1], (N_NODES, D), dtype=jnp.float32)
    inp['edge_index'] = jax.random.randint(ks[2], (2, N_EDGES), 0, N_NODES, dtype=jnp.int32)
    inp['batch'] = jnp.sort(jax.random.randint(ks[3], (N_NODES,), 0, N_GRAPHS, dtype=jnp.int32))
    # GIN layer params: 3 layers, each GINMLP = Linear(D,D) -> ReLU -> Linear(D,D)
    ki = 4
    for l in range(3):
        inp[f'gin{l}_w1'] = jax.random.normal(ks[ki], (D, D), dtype=jnp.float32) * 0.05; ki += 1
        inp[f'gin{l}_b1'] = jnp.zeros((D,), dtype=jnp.float32)
        inp[f'gin{l}_w2'] = jax.random.normal(ks[ki], (D, D), dtype=jnp.float32) * 0.05; ki += 1
        inp[f'gin{l}_b2'] = jnp.zeros((D,), dtype=jnp.float32)
    # ego-state MLP: Linear(D,128) -> ReLU -> Linear(128,D)
    inp['mlp_w1'] = jax.random.normal(ks[ki], (D, 128), dtype=jnp.float32) * 0.05; ki += 1
    inp['mlp_b1'] = jnp.zeros((128,), dtype=jnp.float32)
    inp['mlp_w2'] = jax.random.normal(ks[ki], (128, D), dtype=jnp.float32) * 0.05; ki += 1
    inp['mlp_b2'] = jnp.zeros((D,), dtype=jnp.float32)
    return inp


def reference(ego_states, x, edge_index, batch,
              gin0_w1, gin0_b1, gin0_w2, gin0_b2,
              gin1_w1, gin1_b1, gin1_w2, gin1_b2,
              gin2_w1, gin2_b1, gin2_w2, gin2_b2,
              mlp_w1, mlp_b1, mlp_w2, mlp_b2):
    src = edge_index[0]
    dst = edge_index[1]

    def gin_conv(h, w1, b1, w2, b2):
        # GINConv with eps=0: MLP((1+eps)*x + sum_{j in N(i)} x_j)
        msgs = jnp.take(h, src, axis=0)
        agg = jax.ops.segment_sum(msgs, dst, num_segments=N_NODES)
        z = h + agg
        z = jnp.maximum(jnp.dot(z, w1) + b1, 0.0)
        z = jnp.dot(z, w2) + b2
        return z

    h = x
    h = gin_conv(h, gin0_w1, gin0_b1, gin0_w2, gin0_b2)
    h = jnp.maximum(h, 0.0)
    h = gin_conv(h, gin1_w1, gin1_b1, gin1_w2, gin1_b2)
    h = jnp.maximum(h, 0.0)
    h = gin_conv(h, gin2_w1, gin2_b1, gin2_w2, gin2_b2)

    # aggr_type == 0: scatter mean over batch ids
    sums = jax.ops.segment_sum(h, batch, num_segments=N_GRAPHS)
    cnts = jax.ops.segment_sum(jnp.ones((N_NODES, 1), dtype=h.dtype), batch, num_segments=N_GRAPHS)
    pooled = sums / jnp.maximum(cnts, 1.0)

    # ego-state MLP
    ego = jnp.maximum(jnp.dot(ego_states, mlp_w1) + mlp_b1, 0.0)
    ego = jnp.dot(ego, mlp_w2) + mlp_b2

    return jnp.concatenate([pooled, ego], axis=-1)

if __name__ == "__main__":
    import jax
    _d = setup_inputs()
    print(jax.jit(kernel)(*tuple(_d.values())))

</pallas_src>

<mosaic_0001>
#map = affine_map<(d0, d1) -> (0, 0)>
module attributes {stable_mosaic.version = 14 : i64} {
  func.func @_sc_segsum_body(%arg0: i32, %arg1: i32, %arg2: memref<10000x128xf32, #tpu.memory_space<hbm>>, %arg3: memref<2560x128xi32, #tpu.memory_space<hbm>>, %arg4: memref<2560x128xi32, #tpu.memory_space<hbm>>, %arg5: memref<10112x128xf32, #tpu.memory_space<hbm>>, %arg6: memref<8x128xi32, #tpu.memory_space<vmem>>, %arg7: memref<8x128xi32, #tpu.memory_space<vmem>>, %arg8: memref<128x128xf32, #tpu.memory_space<vmem>>, %arg9: memref<128x128xf32, #tpu.memory_space<vmem>>, %arg10: memref<10112x128xf32, #tpu.memory_space<vmem_shared>>, %arg11: memref<!tpu.dma_semaphore, #tpu.memory_space<semaphore_mem>>, %arg12: memref<!tpu.dma_semaphore, #tpu.memory_space<semaphore_mem>>, %arg13: memref<!tpu.dma_semaphore, #tpu.memory_space<semaphore_mem>>, %arg14: memref<!tpu.dma_semaphore, #tpu.memory_space<semaphore_mem>>) attributes {dimension_semantics = [#tpu.dimension_semantics<core_parallel>, #tpu.dimension_semantics<subcore_parallel>], iteration_bounds = array<i64: 2, 16>, scalar_prefetch = 0 : i64, scratch_operands = 9 : i64, tpu.core_type = #tpu.core_type<sc_vector_subcore>, window_params = [{transform_indices = #map}, {transform_indices = #map}, {transform_indices = #map}, {transform_indices = #map}]} {
    %mul3A = arith.constant 160 : i32
    %mul3A_0 = arith.muli %arg1, %mul3A : i32
    %eq3A = arith.constant 0 : i32
    %eq3A_1 = arith.cmpi eq, %arg0, %eq3A : i32
    %convert_element_type3A = arith.extui %eq3A_1 : i1 to i32
    %cond3A = arith.constant 0 : i32
    %cond3A_2 = arith.cmpi ne, %convert_element_type3A, %cond3A : i32
    scf.if %cond3A_2 {
      %broadcast_in_dim3A = arith.constant 0.000000e+00 : f32
      %broadcast_in_dim3A_8 = vector.broadcast %broadcast_in_dim3A : f32 to vector<16xf32>
      %scan3A = arith.constant 0 : i32
      %scan3A_9 = arith.constant 0 : i32
      %scan3A_10 = arith.constant 128 : i32
      %scan3A_11 = arith.addi %scan3A_9, %scan3A_10 : i32
      %scan3A_12 = arith.constant 1 : i32
      scf.for %scan3A_25 = %scan3A_9 to %scan3A_11 step %scan3A_12  : i32 {
        %swap3A = arith.index_cast %scan3A_25 : i32 to index
        %swap3A_26 = arith.constant 0 : index
        %swap3A_27 = tpu.vector_load %arg8[%swap3A, %swap3A_26] {strides = array<i32>} : memref<128x128xf32, #tpu.memory_space<vmem>>, vector<1x16xf32>,
        %swap3A_28 = vector.shape_cast %swap3A_27 : vector<1x16xf32> to vector<16xf32>
        %swap3A_29 = vector.shape_cast %broadcast_in_dim3A_8 : vector<16xf32> to vector<1x16xf32>
        tpu.vector_store %arg8[%swap3A, %swap3A_26], %swap3A_29 {strides = array<i32>} : memref<128x128xf32, #tpu.memory_space<vmem>>, vector<1x16xf32>,
        %swap3A_30 = arith.index_cast %scan3A_25 : i32 to index
        %swap3A_31 = arith.constant 16 : index
        %swap3A_32 = tpu.vector_load %arg8[%swap3A_30, %swap3A_31] {strides = array<i32>} : memref<128x128xf32, #tpu.memory_space<vmem>>, vector<1x16xf32>,
        %swap3A_33 = vector.shape_cast %swap3A_32 : vector<1x16xf32> to vector<16xf32>
        %swap3A_34 = vector.shape_cast %broadcast_in_dim3A_8 : vector<16xf32> to vector<1x16xf32>
        tpu.vector_store %arg8[%swap3A_30, %swap3A_31], %swap3A_34 {strides = array<i32>} : memref<128x128xf32, #tpu.memory_space<vmem>>, vector<1x16xf32>,
        %swap3A_35 = arith.index_cast %scan3A_25 : i32 to index
        %swap3A_36 = arith.constant 32 : index
        %swap3A_37 = tpu.vector_load %arg8[%swap3A_35, %swap3A_36] {strides = array<i32>} : memref<128x128xf32, #tpu.memory_space<vmem>>, vector<1x16xf32>,
        %swap3A_38 = vector.shape_cast %swap3A_37 : vector<1x16xf32> to vector<16xf32>
        %swap3A_39 = vector.shape_cast %broadcast_in_dim3A_8 : vector<16xf32> to vector<1x16xf32>
        tpu.vector_store %arg8[%swap3A_35, %swap3A_36], %swap3A_39 {strides = array<i32>} : memref<128x128xf32, #tpu.memory_space<vmem>>, vector<1x16xf32>,
        %swap3A_40 = arith.index_cast %scan3A_25 : i32 to index
        %swap3A_41 = arith.constant 48 : index
        %swap3A_42 = tpu.vector_load %arg8[%swap3A_40, %swap3A_41] {strides = array<i32>} : memref<128x128xf32, #tpu.memory_space<vmem>>, vector<1x16xf32>,
        %swap3A_43 = vector.shape_cast %swap3A_42 : vector<1x16xf32> to vector<16xf32>
        %swap3A_44 = vector.shape_cast %broadcast_in_dim3A_8 : vector<16xf32> to vector<1x16xf32>
        tpu.vector_store %arg8[%swap3A_40, %swap3A_41], %swap3A_44 {strides = array<i32>} : memref<128x128xf32, #tpu.memory_space<vmem>>, vector<1x16xf32>,
        %swap3A_45 = arith.index_cast %scan3A_25 : i32 to index
        %swap3A_46 = arith.constant 64 : index
        %swap3A_47 = tpu.vector_load %arg8[%swap3A_45, %swap3A_46] {strides = array<i32>} : memref<128x128xf32, #tpu.memory_space<vmem>>, vector<1x16xf32>,
        %swap3A_48 = vector.shape_cast %swap3A_47 : vector<1x16xf32> to vector<16xf32>
        %swap3A_49 = vector.shape_cast %broadcast_in_dim3A_8 : vector<16xf32> to vector<1x16xf32>
        tpu.vector_store %arg8[%swap3A_45, %swap3A_46], %swap3A_49 {strides = array<i32>} : memref<128x128xf32, #tpu.memory_space<vmem>>, vector<1x16xf32>,
        %swap3A_50 = arith.index_cast %scan3A_25 : i32 to index
        %swap3A_51 = arith.constant 80 : index
        %swap3A_52 = tpu.vector_load %arg8[%swap3A_50, %swap3A_51] {strides = array<i32>} : memref<128x128xf32, #tpu.memory_space<vmem>>, vector<1x16xf32>,
        %swap3A_53 = vector.shape_cast %swap3A_52 : vector<1x16xf32> to vector<16xf32>
        %swap3A_54 = vector.shape_cast %broadcast_in_dim3A_8 : vector<16xf32> to vector<1x16xf32>
        tpu.vector_store %arg8[%swap3A_50, %swap3A_51], %swap3A_54 {strides = array<i32>} : memref<128x128xf32, #tpu.memory_space<vmem>>, vector<1x16xf32>,
        %swap3A_55 = arith.index_cast %scan3A_25 : i32 to index
        %swap3A_56 = arith.constant 96 : index
        %swap3A_57 = tpu.vector_load %arg8[%swap3A_55, %swap3A_56] {strides = array<i32>} : memref<128x128xf32, #tpu.memory_space<vmem>>, vector<1x16xf32>,
        %swap3A_58 = vector.shape_cast %swap3A_57 : vector<1x16xf32> to vector<16xf32>
        %swap3A_59 = vector.shape_cast %broadcast_in_dim3A_8 : vector<16xf32> to vector<1x16xf32>
        tpu.vector_store %arg8[%swap3A_55, %swap3A_56], %swap3A_59 {strides = array<i32>} : memref<128x128xf32, #tpu.memory_space<vmem>>, vector<1x16xf32>,
        %swap3A_60 = arith.index_cast %scan3A_25 : i32 to index
        %swap3A_61 = arith.constant 112 : index
        %swap3A_62 = tpu.vector_load %arg8[%swap3A_60, %swap3A_61] {strides = array<i32>} : memref<128x128xf32, #tpu.memory_space<vmem>>, vector<1x16xf32>,
        %swap3A_63 = vector.shape_cast %swap3A_62 : vector<1x16xf32> to vector<16xf32>
        %swap3A_64 = vector.shape_cast %broadcast_in_dim3A_8 : vector<16xf32> to vector<1x16xf32>
        tpu.vector_store %arg8[%swap3A_60, %swap3A_61], %swap3A_64 {strides = array<i32>} : memref<128x128xf32, #tpu.memory_space<vmem>>, vector<1x16xf32>,
      }
      %scan3A_13 = arith.constant 128 : i32
      %mul3A_14 = arith.constant 632 : i32
      %mul3A_15 = arith.muli %arg1, %mul3A_14 : i32
      %add3A = arith.constant 0 : i32
      %add3A_16 = arith.addi %mul3A_15, %add3A : i32
      "tpu.region"() ({
        %run_scoped3A = tpu.sem_alloc : memref<!tpu.dma_semaphore, #tpu.memory_space<semaphore_mem>>
        %dma_start3A = arith.constant 0 : i32
        %dma_start3A_25 = tpu.memref_slice %arg10[%add3A_16, %dma_start3A] : memref<10112x128xf32, #tpu.memory_space<vmem_shared>> -> memref<128x128xf32, #tpu.memory_space<vmem_shared>>
        %dma_start3A_26 = arith.constant 0 : i32
        %dma_start3A_27 = tpu.memref_slice %arg10[%add3A_16, %dma_start3A_26] : memref<10112x128xf32, #tpu.memory_space<vmem_shared>> -> memref<128x128xf32, #tpu.memory_space<vmem_shared>>
        tpu.enqueue_dma source(%arg8 : memref<128x128xf32, #tpu.memory_space<vmem>>) target(%dma_start3A_27 : memref<128x128xf32, #tpu.memory_space<vmem_shared>>) target_semaphore(%run_scoped3A : memref<!tpu.dma_semaphore, #tpu.memory_space<semaphore_mem>>)
        %dma_wait3A = arith.constant 0 : i32
        %dma_wait3A_28 = tpu.memref_slice %arg10[%add3A_16, %dma_wait3A] : memref<10112x128xf32, #tpu.memory_space<vmem_shared>> -> memref<128x128xf32, #tpu.memory_space<vmem_shared>>
        %dma_wait3A_29 = arith.constant 0 : i32
        %dma_wait3A_30 = tpu.memref_slice %arg10[%add3A_16, %dma_wait3A_29] : memref<10112x128xf32, #tpu.memory_space<vmem_shared>> -> memref<128x128xf32, #tpu.memory_space<vmem_shared>>
        tpu.wait_dma2 semaphore(%run_scoped3A : memref<!tpu.dma_semaphore, #tpu.memory_space<semaphore_mem>>) src(%arg8 : memref<128x128xf32, #tpu.memory_space<vmem>>) dst(%dma_wait3A_30 : memref<128x128xf32, #tpu.memory_space<vmem_shared>>)
        tpu.yield
      }) : () -> ()
      %add3A_17 = arith.constant 128 : i32
      %add3A_18 = arith.addi %mul3A_15, %add3A_17 : i32
      "tpu.region"() ({
        %run_scoped3A = tpu.sem_alloc : memref<!tpu.dma_semaphore, #tpu.memory_space<semaphore_mem>>
        %dma_start3A = arith.constant 0 : i32
        %dma_start3A_25 = tpu.memref_slice %arg10[%add3A_18, %dma_start3A] : memref<10112x128xf32, #tpu.memory_space<vmem_shared>> -> memref<128x128xf32, #tpu.memory_space<vmem_shared>>
        %dma_start3A_26 = arith.constant 0 : i32
        %dma_start3A_27 = tpu.memref_slice %arg10[%add3A_18, %dma_start3A_26] : memref<10112x128xf32, #tpu.memory_space<vmem_shared>> -> memref<128x128xf32, #tpu.memory_space<vmem_shared>>
        tpu.enqueue_dma source(%arg8 : memref<128x128xf32, #tpu.memory_space<vmem>>) target(%dma_start3A_27 : memref<128x128xf32, #tpu.memory_space<vmem_shared>>) target_semaphore(%run_scoped3A : memref<!tpu.dma_semaphore, #tpu.memory_space<semaphore_mem>>)
        %dma_wait3A = arith.constant 0 : i32
        %dma_wait3A_28 = tpu.memref_slice %arg10[%add3A_18, %dma_wait3A] : memref<10112x128xf32, #tpu.memory_space<vmem_shared>> -> memref<128x128xf32, #tpu.memory_space<vmem_shared>>
        %dma_wait3A_29 = arith.constant 0 : i32
        %dma_wait3A_30 = tpu.memref_slice %arg10[%add3A_18, %dma_wait3A_29] : memref<10112x128xf32, #tpu.memory_space<vmem_shared>> -> memref<128x128xf32, #tpu.memory_space<vmem_shared>>
        tpu.wait_dma2 semaphore(%run_scoped3A : memref<!tpu.dma_semaphore, #tpu.memory_space<semaphore_mem>>) src(%arg8 : memref<128x128xf32, #tpu.memory_space<vmem>>) dst(%dma_wait3A_30 : memref<128x128xf32, #tpu.memory_space<vmem_shared>>)
        tpu.yield
      }) : () -> ()
      %add3A_19 = arith.constant 256 : i32
      %add3A_20 = arith.addi %mul3A_15, %add3A_19 : i32
      "tpu.region"() ({
        %run_scoped3A = tpu.sem_alloc : memref<!tpu.dma_semaphore, #tpu.memory_space<semaphore_mem>>
        %dma_start3A = arith.constant 0 : i32
        %dma_start3A_25 = tpu.memref_slice %arg10[%add3A_20, %dma_start3A] : memref<10112x128xf32, #tpu.memory_space<vmem_shared>> -> memref<128x128xf32, #tpu.memory_space<vmem_shared>>
        %dma_start3A_26 = arith.constant 0 : i32
        %dma_start3A_27 = tpu.memref_slice %arg10[%add3A_20, %dma_start3A_26] : memref<10112x128xf32, #tpu.memory_space<vmem_shared>> -> memref<128x128xf32, #tpu.memory_space<vmem_shared>>
        tpu.enqueue_dma source(%arg8 : memref<128x128xf32, #tpu.memory_space<vmem>>) target(%dma_start3A_27 : memref<128x128xf32, #tpu.memory_space<vmem_shared>>) target_semaphore(%run_scoped3A : memref<!tpu.dma_semaphore, #tpu.memory_space<semaphore_mem>>)
        %dma_wait3A = arith.constant 0 : i32
        %dma_wait3A_28 = tpu.memref_slice %arg10[%add3A_20, %dma_wait3A] : memref<10112x128xf32, #tpu.memory_space<vmem_shared>> -> memref<128x128xf32, #tpu.memory_space<vmem_shared>>
        %dma_wait3A_29 = arith.constant 0 : i32
        %dma_wait3A_30 = tpu.memref_slice %arg10[%add3A_20, %dma_wait3A_29] : memref<10112x128xf32, #tpu.memory_space<vmem_shared>> -> memref<128x128xf32, #tpu.memory_space<vmem_shared>>
        tpu.wait_dma2 semaphore(%run_scoped3A : memref<!tpu.dma_semaphore, #tpu.memory_space<semaphore_mem>>) src(%arg8 : memref<128x128xf32, #tpu.memory_space<vmem>>) dst(%dma_wait3A_30 : memref<128x128xf32, #tpu.memory_space<vmem_shared>>)
        tpu.yield
      }) : () -> ()
      %add3A_21 = arith.constant 384 : i32
      %add3A_22 = arith.addi %mul3A_15, %add3A_21 : i32
      "tpu.region"() ({
        %run_scoped3A = tpu.sem_alloc : memref<!tpu.dma_semaphore, #tpu.memory_space<semaphore_mem>>
        %dma_start3A = arith.constant 0 : i32
        %dma_start3A_25 = tpu.memref_slice %arg10[%add3A_22, %dma_start3A] : memref<10112x128xf32, #tpu.memory_space<vmem_shared>> -> memref<128x128xf32, #tpu.memory_space<vmem_shared>>
        %dma_start3A_26 = arith.constant 0 : i32
        %dma_start3A_27 = tpu.memref_slice %arg10[%add3A_22, %dma_start3A_26] : memref<10112x128xf32, #tpu.memory_space<vmem_shared>> -> memref<128x128xf32, #tpu.memory_space<vmem_shared>>
        tpu.enqueue_dma source(%arg8 : memref<128x128xf32, #tpu.memory_space<vmem>>) target(%dma_start3A_27 : memref<128x128xf32, #tpu.memory_space<vmem_shared>>) target_semaphore(%run_scoped3A : memref<!tpu.dma_semaphore, #tpu.memory_space<semaphore_mem>>)
        %dma_wait3A = arith.constant 0 : i32
        %dma_wait3A_28 = tpu.memref_slice %arg10[%add3A_22, %dma_wait3A] : memref<10112x128xf32, #tpu.memory_space<vmem_shared>> -> memref<128x128xf32, #tpu.memory_space<vmem_shared>>
        %dma_wait3A_29 = arith.constant 0 : i32
        %dma_wait3A_30 = tpu.memref_slice %arg10[%add3A_22, %dma_wait3A_29] : memref<10112x128xf32, #tpu.memory_space<vmem_shared>> -> memref<128x128xf32, #tpu.memory_space<vmem_shared>>
        tpu.wait_dma2 semaphore(%run_scoped3A : memref<!tpu.dma_semaphore, #tpu.memory_space<semaphore_mem>>) src(%arg8 : memref<128x128xf32, #tpu.memory_space<vmem>>) dst(%dma_wait3A_30 : memref<128x128xf32, #tpu.memory_space<vmem_shared>>)
        tpu.yield
      }) : () -> ()
      %add3A_23 = arith.constant 512 : i32
      %add3A_24 = arith.addi %mul3A_15, %add3A_23 : i32
      "tpu.region"() ({
        %run_scoped3A = tpu.sem_alloc : memref<!tpu.dma_semaphore, #tpu.memory_space<semaphore_mem>>
        %dma_start3A = arith.constant 0 : i32
        %dma_start3A_25 = arith.constant 0 : i32
        %dma_start3A_26 = tpu.memref_slice %arg8[%dma_start3A, %dma_start3A_25] : memref<128x128xf32, #tpu.memory_space<vmem>> -> memref<120x128xf32, #tpu.memory_space<vmem>>
        %dma_start3A_27 = arith.constant 0 : i32
        %dma_start3A_28 = tpu.memref_slice %arg10[%add3A_24, %dma_start3A_27] : memref<10112x128xf32, #tpu.memory_space<vmem_shared>> -> memref<120x128xf32, #tpu.memory_space<vmem_shared>>
        %dma_start3A_29 = arith.constant 0 : i32
        %dma_start3A_30 = tpu.memref_slice %arg10[%add3A_24, %dma_start3A_29] : memref<10112x128xf32, #tpu.memory_space<vmem_shared>> -> memref<120x128xf32, #tpu.memory_space<vmem_shared>>
        %dma_start3A_31 = arith.constant 0 : i32
        %dma_start3A_32 = arith.constant 0 : i32
        %dma_start3A_33 = tpu.memref_slice %arg8[%dma_start3A_31, %dma_start3A_32] : memref<128x128xf32, #tpu.memory_space<vmem>> -> memref<120x128xf32, #tpu.memory_space<vmem>>
        tpu.enqueue_dma source(%dma_start3A_33 : memref<120x128xf32, #tpu.memory_space<vmem>>) target(%dma_start3A_30 : memref<120x128xf32, #tpu.memory_space<vmem_shared>>) target_semaphore(%run_scoped3A : memref<!tpu.dma_semaphore, #tpu.memory_space<semaphore_mem>>)
        %dma_wait3A = arith.constant 0 : i32
        %dma_wait3A_34 = arith.constant 0 : i32
        %dma_wait3A_35 = tpu.memref_slice %arg8[%dma_wait3A, %dma_wait3A_34] : memref<128x128xf32, #tpu.memory_space<vmem>> -> memref<120x128xf32, #tpu.memory_space<vmem>>
        %dma_wait3A_36 = arith.constant 0 : i32
        %dma_wait3A_37 = tpu.memref_slice %arg10[%add3A_24, %dma_wait3A_36] : memref<10112x128xf32, #tpu.memory_space<vmem_shared>> -> memref<120x128xf32, #tpu.memory_space<vmem_shared>>
        %dma_wait3A_38 = arith.constant 0 : i32
        %dma_wait3A_39 = tpu.memref_slice %arg10[%add3A_24, %dma_wait3A_38] : memref<10112x128xf32, #tpu.memory_space<vmem_shared>> -> memref<120x128xf32, #tpu.memory_space<vmem_shared>>
        %dma_wait3A_40 = arith.constant 0 : i32
        %dma_wait3A_41 = arith.constant 0 : i32
        %dma_wait3A_42 = tpu.memref_slice %arg8[%dma_wait3A_40, %dma_wait3A_41] : memref<128x128xf32, #tpu.memory_space<vmem>> -> memref<120x128xf32, #tpu.memory_space<vmem>>
        tpu.wait_dma2 semaphore(%run_scoped3A : memref<!tpu.dma_semaphore, #tpu.memory_space<semaphore_mem>>) src(%dma_wait3A_42 : memref<120x128xf32, #tpu.memory_space<vmem>>) dst(%dma_wait3A_39 : memref<120x128xf32, #tpu.memory_space<vmem_shared>>)
        tpu.yield
      }) : () -> ()
      %barrier3A = arith.constant 0 : index
      tpu.barrier barrier_id(%barrier3A)
    } else {
    }
    %eq3A_3 = arith.constant 0 : i32
    %eq3A_4 = arith.cmpi eq, %arg0, %eq3A_3 : i32
    %convert_element_type3A_5 = arith.extui %eq3A_4 : i1 to i32
    %cond3A_6 = arith.constant 0 : i32
    %cond3A_7 = arith.cmpi ne, %convert_element_type3A_5, %cond3A_6 : i32
    scf.if %cond3A_7 {
      %scan3A = arith.constant 0 : i32
      %scan3A_8 = arith.constant 0 : i32
      %scan3A_9 = arith.constant 20 : i32
      %scan3A_10 = arith.addi %scan3A_8, %scan3A_9 : i32
      %scan3A_11 = arith.constant 1 : i32
      scf.for %scan3A_17 = %scan3A_8 to %scan3A_10 step %scan3A_11  : i32 {
        %mul3A_18 = arith.constant 8 : i32
        %mul3A_19 = arith.muli %scan3A_17, %mul3A_18 : i32
        %add3A = arith.addi %mul3A_0, %mul3A_19 : i32
        "tpu.region"() ({
          %run_scoped3A = tpu.sem_alloc : memref<!tpu.dma_semaphore, #tpu.memory_space<semaphore_mem>>
          %dma_start3A_38 = arith.constant 0 : i32
          %dma_start3A_39 = tpu.memref_slice %arg3[%add3A, %dma_start3A_38] : memref<2560x128xi32, #tpu.memory_space<hbm>> -> memref<8x128xi32, #tpu.memory_space<hbm>>
          %dma_start3A_40 = arith.constant 0 : i32
          %dma_start3A_41 = tpu.memref_slice %arg3[%add3A, %dma_start3A_40] : memref<2560x128xi32, #tpu.memory_space<hbm>> -> memref<8x128xi32, #tpu.memory_space<hbm>>
          tpu.enqueue_dma source(%dma_start3A_41 : memref<8x128xi32, #tpu.memory_space<hbm>>) target(%arg6 : memref<8x128xi32, #tpu.memory_space<vmem>>) target_semaphore(%run_scoped3A : memref<!tpu.dma_semaphore, #tpu.memory_space<semaphore_mem>>)
          %dma_wait3A_42 = arith.constant 0 : i32
          %dma_wait3A_43 = tpu.memref_slice %arg3[%add3A, %dma_wait3A_42] : memref<2560x128xi32, #tpu.memory_space<hbm>> -> memref<8x128xi32, #tpu.memory_space<hbm>>
          %dma_wait3A_44 = arith.constant 0 : i32
          %dma_wait3A_45 = tpu.memref_slice %arg3[%add3A, %dma_wait3A_44] : memref<2560x128xi32, #tpu.memory_space<hbm>> -> memref<8x128xi32, #tpu.memory_space<hbm>>
          tpu.wait_dma2 semaphore(%run_scoped3A : memref<!tpu.dma_semaphore, #tpu.memory_space<semaphore_mem>>) src(%dma_wait3A_45 : memref<8x128xi32, #tpu.memory_space<hbm>>) dst(%arg6 : memref<8x128xi32, #tpu.memory_space<vmem>>)
          tpu.yield
        }) : () -> ()
        "tpu.region"() ({
          %run_scoped3A = tpu.sem_alloc : memref<!tpu.dma_semaphore, #tpu.memory_space<semaphore_mem>>
          %dma_start3A_38 = arith.constant 0 : i32
          %dma_start3A_39 = tpu.memref_slice %arg4[%add3A, %dma_start3A_38] : memref<2560x128xi32, #tpu.memory_space<hbm>> -> memref<8x128xi32, #tpu.memory_space<hbm>>
          %dma_start3A_40 = arith.constant 0 : i32
          %dma_start3A_41 = tpu.memref_slice %arg4[%add3A, %dma_start3A_40] : memref<2560x128xi32, #tpu.memory_space<hbm>> -> memref<8x128xi32, #tpu.memory_space<hbm>>
          tpu.enqueue_dma source(%dma_start3A_41 : memref<8x128xi32, #tpu.memory_space<hbm>>) target(%arg7 : memref<8x128xi32, #tpu.memory_space<vmem>>) target_semaphore(%run_scoped3A : memref<!tpu.dma_semaphore, #tpu.memory_space<semaphore_mem>>)
          %dma_wait3A_42 = arith.constant 0 : i32
          %dma_wait3A_43 = tpu.memref_slice %arg4[%add3A, %dma_wait3A_42] : memref<2560x128xi32, #tpu.memory_space<hbm>> -> memref<8x128xi32, #tpu.memory_space<hbm>>
          %dma_wait3A_44 = arith.constant 0 : i32
          %dma_wait3A_45 = tpu.memref_slice %arg4[%add3A, %dma_wait3A_44] : memref<2560x128xi32, #tpu.memory_space<hbm>> -> memref<8x128xi32, #tpu.memory_space<hbm>>
          tpu.wait_dma2 semaphore(%run_scoped3A : memref<!tpu.dma_semaphore, #tpu.memory_space<semaphore_mem>>) src(%dma_wait3A_45 : memref<8x128xi32, #tpu.memory_space<hbm>>) dst(%arg7 : memref<8x128xi32, #tpu.memory_space<vmem>>)
          tpu.yield
        }) : () -> ()
        %dma_start3A = arith.constant 0 : i32
        %dma_start3A_20 = arith.constant 0 : i32
        %dma_start3A_21 = tpu.memref_slice %arg6[%dma_start3A, %dma_start3A_20] : memref<8x128xi32, #tpu.memory_space<vmem>> -> memref<1x128xi32, #tpu.memory_space<vmem>>
        %dma_start3A_22 = tpu.memref_squeeze %dma_start3A_21 : memref<1x128xi32, #tpu.memory_space<vmem>> -> memref<128xi32, #tpu.memory_space<vmem>>
        %dma_start3A_23 = arith.constant 0 : i32
        %dma_start3A_24 = arith.constant 0 : i32
        %dma_start3A_25 = tpu.memref_slice %arg2[%dma_start3A_23, %dma_start3A_24] : memref<10000x128xf32, #tpu.memory_space<hbm>> -> memref<10000x128xf32, #tpu.memory_space<hbm>>
        tpu.enqueue_indirect_dma source(%dma_start3A_25 : memref<10000x128xf32, #tpu.memory_space<hbm>>) target(%arg8 : memref<128x128xf32, #tpu.memory_space<vmem>>) offsets(%dma_start3A_22 : memref<128xi32, #tpu.memory_space<vmem>>) semaphore(%arg11 : memref<!tpu.dma_semaphore, #tpu.memory_space<semaphore_mem>>)
        %scan3A_26 = arith.constant 0 : i32
        %scan3A_27 = arith.constant 0 : i32
        %scan3A_28 = arith.constant 4 : i32
        %scan3A_29 = arith.addi %scan3A_27, %scan3A_28 : i32
        %scan3A_30 = arith.constant 1 : i32
        scf.for %scan3A_38 = %scan3A_27 to %scan3A_29 step %scan3A_30  : i32 {
          %mul3A_39 = arith.constant 2 : i32
          %mul3A_40 = arith.muli %mul3A_39, %scan3A_38 : i32
          %add3A_41 = arith.constant 1 : i32
          %add3A_42 = arith.addi %mul3A_40, %add3A_41 : i32
          %add3A_43 = arith.constant 2 : i32
          %add3A_44 = arith.addi %mul3A_40, %add3A_43 : i32
          %min3A = arith.constant 7 : i32
          %min3A_45 = arith.minsi %add3A_44, %min3A : i32
          %dma_wait3A_46 = arith.constant 0 : i32
          %dma_wait3A_47 = tpu.memref_slice %arg6[%mul3A_40, %dma_wait3A_46] : memref<8x128xi32, #tpu.memory_space<vmem>> -> memref<1x128xi32, #tpu.memory_space<vmem>>
          %dma_wait3A_48 = tpu.memref_squeeze %dma_wait3A_47 : memref<1x128xi32, #tpu.memory_space<vmem>> -> memref<128xi32, #tpu.memory_space<vmem>>
          %dma_wait3A_49 = arith.constant 0 : i32
          %dma_wait3A_50 = arith.constant 0 : i32
          %dma_wait3A_51 = tpu.memref_slice %arg2[%dma_wait3A_49, %dma_wait3A_50] : memref<10000x128xf32, #tpu.memory_space<hbm>> -> memref<10000x128xf32, #tpu.memory_space<hbm>>
          tpu.wait_indirect_dma semaphore(%arg11 : memref<!tpu.dma_semaphore, #tpu.memory_space<semaphore_mem>>) src(%dma_wait3A_51 : memref<10000x128xf32, #tpu.memory_space<hbm>>) dst(%arg8 : memref<128x128xf32, #tpu.memory_space<vmem>>)
          %dma_start3A_52 = arith.constant 0 : i32
          %dma_start3A_53 = tpu.memref_slice %arg6[%add3A_42, %dma_start3A_52] : memref<8x128xi32, #tpu.memory_space<vmem>> -> memref<1x128xi32, #tpu.memory_space<vmem>>
          %dma_start3A_54 = tpu.memref_squeeze %dma_start3A_53 : memref<1x128xi32, #tpu.memory_space<vmem>> -> memref<128xi32, #tpu.memory_space<vmem>>
          %dma_start3A_55 = arith.constant 0 : i32
          %dma_start3A_56 = arith.constant 0 : i32
          %dma_start3A_57 = tpu.memref_slice %arg2[%dma_start3A_55, %dma_start3A_56] : memref<10000x128xf32, #tpu.memory_space<hbm>> -> memref<10000x128xf32, #tpu.memory_space<hbm>>
          tpu.enqueue_indirect_dma source(%dma_start3A_57 : memref<10000x128xf32, #tpu.memory_space<hbm>>) target(%arg9 : memref<128x128xf32, #tpu.memory_space<vmem>>) offsets(%dma_start3A_54 : memref<128xi32, #tpu.memory_space<vmem>>) semaphore(%arg12 : memref<!tpu.dma_semaphore, #tpu.memory_space<semaphore_mem>>)
          "tpu.region"() ({
            %run_scoped3A = tpu.sem_alloc : memref<!tpu.dma_semaphore, #tpu.memory_space<semaphore_mem>>
            %dma_start3A_70 = arith.constant 0 : i32
            %dma_start3A_71 = tpu.memref_slice %arg7[%mul3A_40, %dma_start3A_70] : memref<8x128xi32, #tpu.memory_space<vmem>> -> memref<1x128xi32, #tpu.memory_space<vmem>>
            %dma_start3A_72 = tpu.memref_squeeze %dma_start3A_71 : memref<1x128xi32, #tpu.memory_space<vmem>> -> memref<128xi32, #tpu.memory_space<vmem>>
            %dma_start3A_73 = arith.constant 0 : i32
            %dma_start3A_74 = arith.constant 0 : i32
            %dma_start3A_75 = tpu.memref_slice %arg10[%dma_start3A_73, %dma_start3A_74] : memref<10112x128xf32, #tpu.memory_space<vmem_shared>> -> memref<10112x128xf32, #tpu.memory_space<vmem_shared>>
            tpu.enqueue_indirect_dma source(%arg8 : memref<128x128xf32, #tpu.memory_space<vmem>>) target(%dma_start3A_75 : memref<10112x128xf32, #tpu.memory_space<vmem_shared>>) offsets(%dma_start3A_72 : memref<128xi32, #tpu.memory_space<vmem>>) semaphore(%run_scoped3A : memref<!tpu.dma_semaphore, #tpu.memory_space<semaphore_mem>>) {add = true}
            %dma_wait3A_76 = arith.constant 0 : i32
            %dma_wait3A_77 = tpu.memref_slice %arg7[%mul3A_40, %dma_wait3A_76] : memref<8x128xi32, #tpu.memory_space<vmem>> -> memref<1x128xi32, #tpu.memory_space<vmem>>
            %dma_wait3A_78 = tpu.memref_squeeze %dma_wait3A_77 : memref<1x128xi32, #tpu.memory_space<vmem>> -> memref<128xi32, #tpu.memory_space<vmem>>
            %dma_wait3A_79 = arith.constant 0 : i32
            %dma_wait3A_80 = arith.constant 0 : i32
            %dma_wait3A_81 = tpu.memref_slice %arg10[%dma_wait3A_79, %dma_wait3A_80] : memref<10112x128xf32, #tpu.memory_space<vmem_shared>> -> memref<10112x128xf32, #tpu.memory_space<vmem_shared>>
            tpu.wait_indirect_dma semaphore(%run_scoped3A : memref<!tpu.dma_semaphore, #tpu.memory_space<semaphore_mem>>) src(%arg8 : memref<128x128xf32, #tpu.memory_space<vmem>>) dst(%dma_wait3A_81 : memref<10112x128xf32, #tpu.memory_space<vmem_shared>>)
            tpu.yield
          }) : () -> ()
          %dma_wait3A_58 = arith.constant 0 : i32
          %dma_wait3A_59 = tpu.memref_slice %arg6[%add3A_42, %dma_wait3A_58] : memref<8x128xi32, #tpu.memory_space<vmem>> -> memref<1x128xi32, #tpu.memory_space<vmem>>
          %dma_wait3A_60 = tpu.memref_squeeze %dma_wait3A_59 : memref<1x128xi32, #tpu.memory_space<vmem>> -> memref<128xi32, #tpu.memory_space<vmem>>
          %dma_wait3A_61 = arith.constant 0 : i32
          %dma_wait3A_62 = arith.constant 0 : i32
          %dma_wait3A_63 = tpu.memref_slice %arg2[%dma_wait3A_61, %dma_wait3A_62] : memref<10000x128xf32, #tpu.memory_space<hbm>> -> memref<10000x128xf32, #tpu.memory_space<hbm>>
          tpu.wait_indirect_dma semaphore(%arg12 : memref<!tpu.dma_semaphore, #tpu.memory_space<semaphore_mem>>) src(%dma_wait3A_63 : memref<10000x128xf32, #tpu.memory_space<hbm>>) dst(%arg9 : memref<128x128xf32, #tpu.memory_space<vmem>>)
          %dma_start3A_64 = arith.constant 0 : i32
          %dma_start3A_65 = tpu.memref_slice %arg6[%min3A_45, %dma_start3A_64] : memref<8x128xi32, #tpu.memory_space<vmem>> -> memref<1x128xi32, #tpu.memory_space<vmem>>
          %dma_start3A_66 = tpu.memref_squeeze %dma_start3A_65 : memref<1x128xi32, #tpu.memory_space<vmem>> -> memref<128xi32, #tpu.memory_space<vmem>>
          %dma_start3A_67 = arith.constant 0 : i32
          %dma_start3A_68 = arith.constant 0 : i32
          %dma_start3A_69 = tpu.memref_slice %arg2[%dma_start3A_67, %dma_start3A_68] : memref<10000x128xf32, #tpu.memory_space<hbm>> -> memref<10000x128xf32, #tpu.memory_space<hbm>>
          tpu.enqueue_indirect_dma source(%dma_start3A_69 : memref<10000x128xf32, #tpu.memory_space<hbm>>) target(%arg8 : memref<128x128xf32, #tpu.memory_space<vmem>>) offsets(%dma_start3A_66 : memref<128xi32, #tpu.memory_space<vmem>>) semaphore(%arg11 : memref<!tpu.dma_semaphore, #tpu.memory_space<semaphore_mem>>)
          "tpu.region"() ({
            %run_scoped3A = tpu.sem_alloc : memref<!tpu.dma_semaphore, #tpu.memory_space<semaphore_mem>>
            %dma_start3A_70 = arith.constant 0 : i32
            %dma_start3A_71 = tpu.memref_slice %arg7[%add3A_42, %dma_start3A_70] : memref<8x128xi32, #tpu.memory_space<vmem>> -> memref<1x128xi32, #tpu.memory_space<vmem>>
            %dma_start3A_72 = tpu.memref_squeeze %dma_start3A_71 : memref<1x128xi32, #tpu.memory_space<vmem>> -> memref<128xi32, #tpu.memory_space<vmem>>
            %dma_start3A_73 = arith.constant 0 : i32
            %dma_start3A_74 = arith.constant 0 : i32
            %dma_start3A_75 = tpu.memref_slice %arg10[%dma_start3A_73, %dma_start3A_74] : memref<10112x128xf32, #tpu.memory_space<vmem_shared>> -> memref<10112x128xf32, #tpu.memory_space<vmem_shared>>
            tpu.enqueue_indirect_dma source(%arg9 : memref<128x128xf32, #tpu.memory_space<vmem>>) target(%dma_start3A_75 : memref<10112x128xf32, #tpu.memory_space<vmem_shared>>) offsets(%dma_start3A_72 : memref<128xi32, #tpu.memory_space<vmem>>) semaphore(%run_scoped3A : memref<!tpu.dma_semaphore, #tpu.memory_space<semaphore_mem>>) {add = true}
            %dma_wait3A_76 = arith.constant 0 : i32
            %dma_wait3A_77 = tpu.memref_slice %arg7[%add3A_42, %dma_wait3A_76] : memref<8x128xi32, #tpu.memory_space<vmem>> -> memref<1x128xi32, #tpu.memory_space<vmem>>
            %dma_wait3A_78 = tpu.memref_squeeze %dma_wait3A_77 : memref<1x128xi32, #tpu.memory_space<vmem>> -> memref<128xi32, #tpu.memory_space<vmem>>
            %dma_wait3A_79 = arith.constant 0 : i32
            %dma_wait3A_80 = arith.constant 0 : i32
            %dma_wait3A_81 = tpu.memref_slice %arg10[%dma_wait3A_79, %dma_wait3A_80] : memref<10112x128xf32, #tpu.memory_space<vmem_shared>> -> memref<10112x128xf32, #tpu.memory_space<vmem_shared>>
            tpu.wait_indirect_dma semaphore(%run_scoped3A : memref<!tpu.dma_semaphore, #tpu.memory_space<semaphore_mem>>) src(%arg9 : memref<128x128xf32, #tpu.memory_space<vmem>>) dst(%dma_wait3A_81 : memref<10112x128xf32, #tpu.memory_space<vmem_shared>>)
            tpu.yield
          }) : () -> ()
        }
        %scan3A_31 = arith.constant 4 : i32
        %dma_wait3A = arith.constant 7 : i32
        %dma_wait3A_32 = arith.constant 0 : i32
        %dma_wait3A_33 = tpu.memref_slice %arg6[%dma_wait3A, %dma_wait3A_32] : memref<8x128xi32, #tpu.memory_space<vmem>> -> memref<1x128xi32, #tpu.memory_space<vmem>>
        %dma_wait3A_34 = tpu.memref_squeeze %dma_wait3A_33 : memref<1x128xi32, #tpu.memory_space<vmem>> -> memref<128xi32, #tpu.memory_space<vmem>>
        %dma_wait3A_35 = arith.constant 0 : i32
        %dma_wait3A_36 = arith.constant 0 : i32
        %dma_wait3A_37 = tpu.memref_slice %arg2[%dma_wait3A_35, %dma_wait3A_36] : memref<10000x128xf32, #tpu.memory_space<hbm>> -> memref<10000x128xf32, #tpu.memory_space<hbm>>
        tpu.wait_indirect_dma semaphore(%arg11 : memref<!tpu.dma_semaphore, #tpu.memory_space<semaphore_mem>>) src(%dma_wait3A_37 : memref<10000x128xf32, #tpu.memory_space<hbm>>) dst(%arg8 : memref<128x128xf32, #tpu.memory_space<vmem>>)
      }
      %scan3A_12 = arith.constant 20 : i32
      %barrier3A = arith.constant 0 : index
      tpu.barrier barrier_id(%barrier3A)
      %mul3A_13 = arith.constant 632 : i32
      %mul3A_14 = arith.muli %arg1, %mul3A_13 : i32
      %mul3A_15 = arith.constant 632 : i32
      %mul3A_16 = arith.muli %arg1, %mul3A_15 : i32
      "tpu.region"() ({
        %run_scoped3A = tpu.sem_alloc : memref<!tpu.dma_semaphore, #tpu.memory_space<semaphore_mem>>
        %dma_start3A = arith.constant 0 : i32
        %dma_start3A_17 = tpu.memref_slice %arg5[%mul3A_16, %dma_start3A] : memref<10112x128xf32, #tpu.memory_space<hbm>> -> memref<632x128xf32, #tpu.memory_space<hbm>>
        %dma_start3A_18 = arith.constant 0 : i32
        %dma_start3A_19 = tpu.memref_slice %arg10[%mul3A_14, %dma_start3A_18] : memref<10112x128xf32, #tpu.memory_space<vmem_shared>> -> memref<632x128xf32, #tpu.memory_space<vmem_shared>>
        tpu.enqueue_dma source(%dma_start3A_19 : memref<632x128xf32, #tpu.memory_space<vmem_shared>>) target(%dma_start3A_17 : memref<632x128xf32, #tpu.memory_space<hbm>>) target_semaphore(%run_scoped3A : memref<!tpu.dma_semaphore, #tpu.memory_space<semaphore_mem>>)
        %dma_wait3A = arith.constant 0 : i32
        %dma_wait3A_20 = tpu.memref_slice %arg5[%mul3A_16, %dma_wait3A] : memref<10112x128xf32, #tpu.memory_space<hbm>> -> memref<632x128xf32, #tpu.memory_space<hbm>>
        %dma_wait3A_21 = arith.constant 0 : i32
        %dma_wait3A_22 = tpu.memref_slice %arg10[%mul3A_14, %dma_wait3A_21] : memref<10112x128xf32, #tpu.memory_space<vmem_shared>> -> memref<632x128xf32, #tpu.memory_space<vmem_shared>>
        tpu.wait_dma2 semaphore(%run_scoped3A : memref<!tpu.dma_semaphore, #tpu.memory_space<semaphore_mem>>) src(%dma_wait3A_22 : memref<632x128xf32, #tpu.memory_space<vmem_shared>>) dst(%dma_wait3A_20 : memref<632x128xf32, #tpu.memory_space<hbm>>)
        tpu.yield
      }) : () -> ()
    } else {
    }
    return
  }
}

#map = affine_map<(d0, d1) -> (0, 0)>
module attributes {stable_mosaic.version = 14 : i64} {
  func.func @_sc_segsum_body(%arg0: i32, %arg1: i32, %arg2: memref<10000x128xf32, #tpu.memory_space<hbm>>, %arg3: memref<2560x128xi32, #tpu.memory_space<hbm>>, %arg4: memref<2560x128xi32, #tpu.memory_space<hbm>>, %arg5: memref<10112x128xf32, #tpu.memory_space<hbm>>, %arg6: memref<8x128xi32, #tpu.memory_space<vmem>>, %arg7: memref<8x128xi32, #tpu.memory_space<vmem>>, %arg8: memref<128x128xf32, #tpu.memory_space<vmem>>, %arg9: memref<128x128xf32, #tpu.memory_space<vmem>>, %arg10: memref<10112x128xf32, #tpu.memory_space<vmem_shared>>, %arg11: memref<!tpu.dma_semaphore, #tpu.memory_space<semaphore_mem>>, %arg12: memref<!tpu.dma_semaphore, #tpu.memory_space<semaphore_mem>>, %arg13: memref<!tpu.dma_semaphore, #tpu.memory_space<semaphore_mem>>, %arg14: memref<!tpu.dma_semaphore, #tpu.memory_space<semaphore_mem>>) attributes {dimension_semantics = [#tpu.dimension_semantics<core_parallel>, #tpu.dimension_semantics<subcore_parallel>], iteration_bounds = array<i64: 2, 16>, scalar_prefetch = 0 : i64, scratch_operands = 9 : i64, tpu.core_type = #tpu.core_type<sc_vector_subcore>, window_params = [{transform_indices = #map}, {transform_indices = #map}, {transform_indices = #map}, {transform_indices = #map}]} {
    %mul3A = arith.constant 160 : i32
    %mul3A_0 = arith.muli %arg1, %mul3A : i32
    %eq3A = arith.constant 0 : i32
    %eq3A_1 = arith.cmpi eq, %arg0, %eq3A : i32
    %convert_element_type3A = arith.extui %eq3A_1 : i1 to i32
    %cond3A = arith.constant 0 : i32
    %cond3A_2 = arith.cmpi ne, %convert_element_type3A, %cond3A : i32
    scf.if %cond3A_2 {
      %broadcast_in_dim3A = arith.constant 0.000000e+00 : f32
      %broadcast_in_dim3A_8 = vector.broadcast %broadcast_in_dim3A : f32 to vector<16xf32>
      %scan3A = arith.constant 0 : i32
      %scan3A_9 = arith.constant 0 : i32
      %scan3A_10 = arith.constant 128 : i32
      %scan3A_11 = arith.addi %scan3A_9, %scan3A_10 : i32
      %scan3A_12 = arith.constant 1 : i32
      scf.for %scan3A_25 = %scan3A_9 to %scan3A_11 step %scan3A_12  : i32 {
        %swap3A = arith.index_cast %scan3A_25 : i32 to index
        %swap3A_26 = arith.constant 0 : index
        %swap3A_27 = tpu.vector_load %arg8[%swap3A, %swap3A_26] {strides = array<i32>} : memref<128x128xf32, #tpu.memory_space<vmem>>, vector<1x16xf32>,
        %swap3A_28 = vector.shape_cast %swap3A_27 : vector<1x16xf32> to vector<16xf32>
        %swap3A_29 = vector.shape_cast %broadcast_in_dim3A_8 : vector<16xf32> to vector<1x16xf32>
        tpu.vector_store %arg8[%swap3A, %swap3A_26], %swap3A_29 {strides = array<i32>} : memref<128x128xf32, #tpu.memory_space<vmem>>, vector<1x16xf32>,
        %swap3A_30 = arith.index_cast %scan3A_25 : i32 to index
        %swap3A_31 = arith.constant 16 : index
        %swap3A_32 = tpu.vector_load %arg8[%swap3A_30, %swap3A_31] {strides = array<i32>} : memref<128x128xf32, #tpu.memory_space<vmem>>, vector<1x16xf32>,
        %swap3A_33 = vector.shape_cast %swap3A_32 : vector<1x16xf32> to vector<16xf32>
        %swap3A_34 = vector.shape_cast %broadcast_in_dim3A_8 : vector<16xf32> to vector<1x16xf32>
        tpu.vector_store %arg8[%swap3A_30, %swap3A_31], %swap3A_34 {strides = array<i32>} : memref<128x128xf32, #tpu.memory_space<vmem>>, vector<1x16xf32>,
        %swap3A_35 = arith.index_cast %scan3A_25 : i32 to index
        %swap3A_36 = arith.constant 32 : index
        %swap3A_37 = tpu.vector_load %arg8[%swap3A_35, %swap3A_36] {strides = array<i32>} : memref<128x128xf32, #tpu.memory_space<vmem>>, vector<1x16xf32>,
        %swap3A_38 = vector.shape_cast %swap3A_37 : vector<1x16xf32> to vector<16xf32>
        %swap3A_39 = vector.shape_cast %broadcast_in_dim3A_8 : vector<16xf32> to vector<1x16xf32>
        tpu.vector_store %arg8[%swap3A_35, %swap3A_36], %swap3A_39 {strides = array<i32>} : memref<128x128xf32, #tpu.memory_space<vmem>>, vector<1x16xf32>,
        %swap3A_40 = arith.index_cast %scan3A_25 : i32 to index
        %swap3A_41 = arith.constant 48 : index
        %swap3A_42 = tpu.vector_load %arg8[%swap3A_40, %swap3A_41] {strides = array<i32>} : memref<128x128xf32, #tpu.memory_space<vmem>>, vector<1x16xf32>,
        %swap3A_43 = vector.shape_cast %swap3A_42 : vector<1x16xf32> to vector<16xf32>
        %swap3A_44 = vector.shape_cast %broadcast_in_dim3A_8 : vector<16xf32> to vector<1x16xf32>
        tpu.vector_store %arg8[%swap3A_40, %swap3A_41], %swap3A_44 {strides = array<i32>} : memref<128x128xf32, #tpu.memory_space<vmem>>, vector<1x16xf32>,
        %swap3A_45 = arith.index_cast %scan3A_25 : i32 to index
        %swap3A_46 = arith.constant 64 : index
        %swap3A_47 = tpu.vector_load %arg8[%swap3A_45, %swap3A_46] {strides = array<i32>} : memref<128x128xf32, #tpu.memory_space<vmem>>, vector<1x16xf32>,
        %swap3A_48 = vector.shape_cast %swap3A_47 : vector<1x16xf32> to vector<16xf32>
        %swap3A_49 = vector.shape_cast %broadcast_in_dim3A_8 : vector<16xf32> to vector<1x16xf32>
        tpu.vector_store %arg8[%swap3A_45, %swap3A_46], %swap3A_49 {strides = array<i32>} : memref<128x128xf32, #tpu.memory_space<vmem>>, vector<1x16xf32>,
        %swap3A_50 = arith.index_cast %scan3A_25 : i32 to index
        %swap3A_51 = arith.constant 80 : index
        %swap3A_52 = tpu.vector_load %arg8[%swap3A_50, %swap3A_51] {strides = array<i32>} : memref<128x128xf32, #tpu.memory_space<vmem>>, vector<1x16xf32>,
        %swap3A_53 = vector.shape_cast %swap3A_52 : vector<1x16xf32> to vector<16xf32>
        %swap3A_54 = vector.shape_cast %broadcast_in_dim3A_8 : vector<16xf32> to vector<1x16xf32>
        tpu.vector_store %arg8[%swap3A_50, %swap3A_51], %swap3A_54 {strides = array<i32>} : memref<128x128xf32, #tpu.memory_space<vmem>>, vector<1x16xf32>,
        %swap3A_55 = arith.index_cast %scan3A_25 : i32 to index
        %swap3A_56 = arith.constant 96 : index
        %swap3A_57 = tpu.vector_load %arg8[%swap3A_55, %swap3A_56] {strides = array<i32>} : memref<128x128xf32, #tpu.memory_space<vmem>>, vector<1x16xf32>,
        %swap3A_58 = vector.shape_cast %swap3A_57 : vector<1x16xf32> to vector<16xf32>
        %swap3A_59 = vector.shape_cast %broadcast_in_dim3A_8 : vector<16xf32> to vector<1x16xf32>
        tpu.vector_store %arg8[%swap3A_55, %swap3A_56], %swap3A_59 {strides = array<i32>} : memref<128x128xf32, #tpu.memory_space<vmem>>, vector<1x16xf32>,
        %swap3A_60 = arith.index_cast %scan3A_25 : i32 to index
        %swap3A_61 = arith.constant 112 : index
        %swap3A_62 = tpu.vector_load %arg8[%swap3A_60, %swap3A_61] {strides = array<i32>} : memref<128x128xf32, #tpu.memory_space<vmem>>, vector<1x16xf32>,
        %swap3A_63 = vector.shape_cast %swap3A_62 : vector<1x16xf32> to vector<16xf32>
        %swap3A_64 = vector.shape_cast %broadcast_in_dim3A_8 : vector<16xf32> to vector<1x16xf32>
        tpu.vector_store %arg8[%swap3A_60, %swap3A_61], %swap3A_64 {strides = array<i32>} : memref<128x128xf32, #tpu.memory_space<vmem>>, vector<1x16xf32>,
      }
      %scan3A_13 = arith.constant 128 : i32
      %mul3A_14 = arith.constant 632 : i32
      %mul3A_15 = arith.muli %arg1, %mul3A_14 : i32
      %add3A = arith.constant 0 : i32
      %add3A_16 = arith.addi %mul3A_15, %add3A : i32
      "tpu.region"() ({
        %run_scoped3A = tpu.sem_alloc : memref<!tpu.dma_semaphore, #tpu.memory_space<semaphore_mem>>
        %dma_start3A = arith.constant 0 : i32
        %dma_start3A_25 = tpu.memref_slice %arg10[%add3A_16, %dma_start3A] : memref<10112x128xf32, #tpu.memory_space<vmem_shared>> -> memref<128x128xf32, #tpu.memory_space<vmem_shared>>
        %dma_start3A_26 = arith.constant 0 : i32
        %dma_start3A_27 = tpu.memref_slice %arg10[%add3A_16, %dma_start3A_26] : memref<10112x128xf32, #tpu.memory_space<vmem_shared>> -> memref<128x128xf32, #tpu.memory_space<vmem_shared>>
        tpu.enqueue_dma source(%arg8 : memref<128x128xf32, #tpu.memory_space<vmem>>) target(%dma_start3A_27 : memref<128x128xf32, #tpu.memory_space<vmem_shared>>) target_semaphore(%run_scoped3A : memref<!tpu.dma_semaphore, #tpu.memory_space<semaphore_mem>>)
        %dma_wait3A = arith.constant 0 : i32
        %dma_wait3A_28 = tpu.memref_slice %arg10[%add3A_16, %dma_wait3A] : memref<10112x128xf32, #tpu.memory_space<vmem_shared>> -> memref<128x128xf32, #tpu.memory_space<vmem_shared>>
        %dma_wait3A_29 = arith.constant 0 : i32
        %dma_wait3A_30 = tpu.memref_slice %arg10[%add3A_16, %dma_wait3A_29] : memref<10112x128xf32, #tpu.memory_space<vmem_shared>> -> memref<128x128xf32, #tpu.memory_space<vmem_shared>>
        tpu.wait_dma2 semaphore(%run_scoped3A : memref<!tpu.dma_semaphore, #tpu.memory_space<semaphore_mem>>) src(%arg8 : memref<128x128xf32, #tpu.memory_space<vmem>>) dst(%dma_wait3A_30 : memref<128x128xf32, #tpu.memory_space<vmem_shared>>)
        tpu.yield
      }) : () -> ()
      %add3A_17 = arith.constant 128 : i32
      %add3A_18 = arith.addi %mul3A_15, %add3A_17 : i32
      "tpu.region"() ({
        %run_scoped3A = tpu.sem_alloc : memref<!tpu.dma_semaphore, #tpu.memory_space<semaphore_mem>>
        %dma_start3A = arith.constant 0 : i32
        %dma_start3A_25 = tpu.memref_slice %arg10[%add3A_18, %dma_start3A] : memref<10112x128xf32, #tpu.memory_space<vmem_shared>> -> memref<128x128xf32, #tpu.memory_space<vmem_shared>>
        %dma_start3A_26 = arith.constant 0 : i32
        %dma_start3A_27 = tpu.memref_slice %arg10[%add3A_18, %dma_start3A_26] : memref<10112x128xf32, #tpu.memory_space<vmem_shared>> -> memref<128x128xf32, #tpu.memory_space<vmem_shared>>
        tpu.enqueue_dma source(%arg8 : memref<128x128xf32, #tpu.memory_space<vmem>>) target(%dma_start3A_27 : memref<128x128xf32, #tpu.memory_space<vmem_shared>>) target_semaphore(%run_scoped3A : memref<!tpu.dma_semaphore, #tpu.memory_space<semaphore_mem>>)
        %dma_wait3A = arith.constant 0 : i32
        %dma_wait3A_28 = tpu.memref_slice %arg10[%add3A_18, %dma_wait3A] : memref<10112x128xf32, #tpu.memory_space<vmem_shared>> -> memref<128x128xf32, #tpu.memory_space<vmem_shared>>
        %dma_wait3A_29 = arith.constant 0 : i32
        %dma_wait3A_30 = tpu.memref_slice %arg10[%add3A_18, %dma_wait3A_29] : memref<10112x128xf32, #tpu.memory_space<vmem_shared>> -> memref<128x128xf32, #tpu.memory_space<vmem_shared>>
        tpu.wait_dma2 semaphore(%run_scoped3A : memref<!tpu.dma_semaphore, #tpu.memory_space<semaphore_mem>>) src(%arg8 : memref<128x128xf32, #tpu.memory_space<vmem>>) dst(%dma_wait3A_30 : memref<128x128xf32, #tpu.memory_space<vmem_shared>>)
        tpu.yield
      }) : () -> ()
      %add3A_19 = arith.constant 256 : i32
      %add3A_20 = arith.addi %mul3A_15, %add3A_19 : i32
      "tpu.region"() ({
        %run_scoped3A = tpu.sem_alloc : memref<!tpu.dma_semaphore, #tpu.memory_space<semaphore_mem>>
        %dma_start3A = arith.constant 0 : i32
        %dma_start3A_25 = tpu.memref_slice %arg10[%add3A_20, %dma_start3A] : memref<10112x128xf32, #tpu.memory_space<vmem_shared>> -> memref<128x128xf32, #tpu.memory_space<vmem_shared>>
        %dma_start3A_26 = arith.constant 0 : i32
        %dma_start3A_27 = tpu.memref_slice %arg10[%add3A_20, %dma_start3A_26] : memref<10112x128xf32, #tpu.memory_space<vmem_shared>> -> memref<128x128xf32, #tpu.memory_space<vmem_shared>>
        tpu.enqueue_dma source(%arg8 : memref<128x128xf32, #tpu.memory_space<vmem>>) target(%dma_start3A_27 : memref<128x128xf32, #tpu.memory_space<vmem_shared>>) target_semaphore(%run_scoped3A : memref<!tpu.dma_semaphore, #tpu.memory_space<semaphore_mem>>)
        %dma_wait3A = arith.constant 0 : i32
        %dma_wait3A_28 = tpu.memref_slice %arg10[%add3A_20, %dma_wait3A] : memref<10112x128xf32, #tpu.memory_space<vmem_shared>> -> memref<128x128xf32, #tpu.memory_space<vmem_shared>>
        %dma_wait3A_29 = arith.constant 0 : i32
        %dma_wait3A_30 = tpu.memref_slice %arg10[%add3A_20, %dma_wait3A_29] : memref<10112x128xf32, #tpu.memory_space<vmem_shared>> -> memref<128x128xf32, #tpu.memory_space<vmem_shared>>
        tpu.wait_dma2 semaphore(%run_scoped3A : memref<!tpu.dma_semaphore, #tpu.memory_space<semaphore_mem>>) src(%arg8 : memref<128x128xf32, #tpu.memory_space<vmem>>) dst(%dma_wait3A_30 : memref<128x128xf32, #tpu.memory_space<vmem_shared>>)
        tpu.yield
      }) : () -> ()
      %add3A_21 = arith.constant 384 : i32
      %add3A_22 = arith.addi %mul3A_15, %add3A_21 : i32
      "tpu.region"() ({
        %run_scoped3A = tpu.sem_alloc : memref<!tpu.dma_semaphore, #tpu.memory_space<semaphore_mem>>
        %dma_start3A = arith.constant 0 : i32
        %dma_start3A_25 = tpu.memref_slice %arg10[%add3A_22, %dma_start3A] : memref<10112x128xf32, #tpu.memory_space<vmem_shared>> -> memref<128x128xf32, #tpu.memory_space<vmem_shared>>
        %dma_start3A_26 = arith.constant 0 : i32
        %dma_start3A_27 = tpu.memref_slice %arg10[%add3A_22, %dma_start3A_26] : memref<10112x128xf32, #tpu.memory_space<vmem_shared>> -> memref<128x128xf32, #tpu.memory_space<vmem_shared>>
        tpu.enqueue_dma source(%arg8 : memref<128x128xf32, #tpu.memory_space<vmem>>) target(%dma_start3A_27 : memref<128x128xf32, #tpu.memory_space<vmem_shared>>) target_semaphore(%run_scoped3A : memref<!tpu.dma_semaphore, #tpu.memory_space<semaphore_mem>>)
        %dma_wait3A = arith.constant 0 : i32
        %dma_wait3A_28 = tpu.memref_slice %arg10[%add3A_22, %dma_wait3A] : memref<10112x128xf32, #tpu.memory_space<vmem_shared>> -> memref<128x128xf32, #tpu.memory_space<vmem_shared>>
        %dma_wait3A_29 = arith.constant 0 : i32
        %dma_wait3A_30 = tpu.memref_slice %arg10[%add3A_22, %dma_wait3A_29] : memref<10112x128xf32, #tpu.memory_space<vmem_shared>> -> memref<128x128xf32, #tpu.memory_space<vmem_shared>>
        tpu.wait_dma2 semaphore(%run_scoped3A : memref<!tpu.dma_semaphore, #tpu.memory_space<semaphore_mem>>) src(%arg8 : memref<128x128xf32, #tpu.memory_space<vmem>>) dst(%dma_wait3A_30 : memref<128x128xf32, #tpu.memory_space<vmem_shared>>)
        tpu.yield
      }) : () -> ()
      %add3A_23 = arith.constant 512 : i32
      %add3A_24 = arith.addi %mul3A_15, %add3A_23 : i32
      "tpu.region"() ({
        %run_scoped3A = tpu.sem_alloc : memref<!tpu.dma_semaphore, #tpu.memory_space<semaphore_mem>>
        %dma_start3A = arith.constant 0 : i32
        %dma_start3A_25 = arith.constant 0 : i32
        %dma_start3A_26 = tpu.memref_slice %arg8[%dma_start3A, %dma_start3A_25] : memref<128x128xf32, #tpu.memory_space<vmem>> -> memref<120x128xf32, #tpu.memory_space<vmem>>
        %dma_start3A_27 = arith.constant 0 : i32
        %dma_start3A_28 = tpu.memref_slice %arg10[%add3A_24, %dma_start3A_27] : memref<10112x128xf32, #tpu.memory_space<vmem_shared>> -> memref<120x128xf32, #tpu.memory_space<vmem_shared>>
        %dma_start3A_29 = arith.constant 0 : i32
        %dma_start3A_30 = tpu.memref_slice %arg10[%add3A_24, %dma_start3A_29] : memref<10112x128xf32, #tpu.memory_space<vmem_shared>> -> memref<120x128xf32, #tpu.memory_space<vmem_shared>>
        %dma_start3A_31 = arith.constant 0 : i32
        %dma_start3A_32 = arith.constant 0 : i32
        %dma_start3A_33 = tpu.memref_slice %arg8[%dma_start3A_31, %dma_start3A_32] : memref<128x128xf32, #tpu.memory_space<vmem>> -> memref<120x128xf32, #tpu.memory_space<vmem>>
        tpu.enqueue_dma source(%dma_start3A_33 : memref<120x128xf32, #tpu.memory_space<vmem>>) target(%dma_start3A_30 : memref<120x128xf32, #tpu.memory_space<vmem_shared>>) target_semaphore(%run_scoped3A : memref<!tpu.dma_semaphore, #tpu.memory_space<semaphore_mem>>)
        %dma_wait3A = arith.constant 0 : i32
        %dma_wait3A_34 = arith.constant 0 : i32
        %dma_wait3A_35 = tpu.memref_slice %arg8[%dma_wait3A, %dma_wait3A_34] : memref<128x128xf32, #tpu.memory_space<vmem>> -> memref<120x128xf32, #tpu.memory_space<vmem>>
        %dma_wait3A_36 = arith.constant 0 : i32
        %dma_wait3A_37 = tpu.memref_slice %arg10[%add3A_24, %dma_wait3A_36] : memref<10112x128xf32, #tpu.memory_space<vmem_shared>> -> memref<120x128xf32, #tpu.memory_space<vmem_shared>>
        %dma_wait3A_38 = arith.constant 0 : i32
        %dma_wait3A_39 = tpu.memref_slice %arg10[%add3A_24, %dma_wait3A_38] : memref<10112x128xf32, #tpu.memory_space<vmem_shared>> -> memref<120x128xf32, #tpu.memory_space<vmem_shared>>
        %dma_wait3A_40 = arith.constant 0 : i32
        %dma_wait3A_41 = arith.constant 0 : i32
        %dma_wait3A_42 = tpu.memref_slice %arg8[%dma_wait3A_40, %dma_wait3A_41] : memref<128x128xf32, #tpu.memory_space<vmem>> -> memref<120x128xf32, #tpu.memory_space<vmem>>
        tpu.wait_dma2 semaphore(%run_scoped3A : memref<!tpu.dma_semaphore, #tpu.memory_space<semaphore_mem>>) src(%dma_wait3A_42 : memref<120x128xf32, #tpu.memory_space<vmem>>) dst(%dma_wait3A_39 : memref<120x128xf32, #tpu.memory_space<vmem_shared>>)
        tpu.yield
      }) : () -> ()
      %barrier3A = arith.constant 0 : index
      tpu.barrier barrier_id(%barrier3A)
    } else {
    }
    %eq3A_3 = arith.constant 0 : i32
    %eq3A_4 = arith.cmpi eq, %arg0, %eq3A_3 : i32
    %convert_element_type3A_5 = arith.extui %eq3A_4 : i1 to i32
    %cond3A_6 = arith.constant 0 : i32
    %cond3A_7 = arith.cmpi ne, %convert_element_type3A_5, %cond3A_6 : i32
    scf.if %cond3A_7 {
      %scan3A = arith.constant 0 : i32
      %scan3A_8 = arith.constant 0 : i32
      %scan3A_9 = arith.constant 20 : i32
      %scan3A_10 = arith.addi %scan3A_8, %scan3A_9 : i32
      %scan3A_11 = arith.constant 1 : i32
      scf.for %scan3A_17 = %scan3A_8 to %scan3A_10 step %scan3A_11  : i32 {
        %mul3A_18 = arith.constant 8 : i32
        %mul3A_19 = arith.muli %scan3A_17, %mul3A_18 : i32
        %add3A = arith.addi %mul3A_0, %mul3A_19 : i32
        "tpu.region"() ({
          %run_scoped3A = tpu.sem_alloc : memref<!tpu.dma_semaphore, #tpu.memory_space<semaphore_mem>>
          %dma_start3A_38 = arith.constant 0 : i32
          %dma_start3A_39 = tpu.memref_slice %arg3[%add3A, %dma_start3A_38] : memref<2560x128xi32, #tpu.memory_space<hbm>> -> memref<8x128xi32, #tpu.memory_space<hbm>>
          %dma_start3A_40 = arith.constant 0 : i32
          %dma_start3A_41 = tpu.memref_slice %arg3[%add3A, %dma_start3A_40] : memref<2560x128xi32, #tpu.memory_space<hbm>> -> memref<8x128xi32, #tpu.memory_space<hbm>>
          tpu.enqueue_dma source(%dma_start3A_41 : memref<8x128xi32, #tpu.memory_space<hbm>>) target(%arg6 : memref<8x128xi32, #tpu.memory_space<vmem>>) target_semaphore(%run_scoped3A : memref<!tpu.dma_semaphore, #tpu.memory_space<semaphore_mem>>)
          %dma_wait3A_42 = arith.constant 0 : i32
          %dma_wait3A_43 = tpu.memref_slice %arg3[%add3A, %dma_wait3A_42] : memref<2560x128xi32, #tpu.memory_space<hbm>> -> memref<8x128xi32, #tpu.memory_space<hbm>>
          %dma_wait3A_44 = arith.constant 0 : i32
          %dma_wait3A_45 = tpu.memref_slice %arg3[%add3A, %dma_wait3A_44] : memref<2560x128xi32, #tpu.memory_space<hbm>> -> memref<8x128xi32, #tpu.memory_space<hbm>>
          tpu.wait_dma2 semaphore(%run_scoped3A : memref<!tpu.dma_semaphore, #tpu.memory_space<semaphore_mem>>) src(%dma_wait3A_45 : memref<8x128xi32, #tpu.memory_space<hbm>>) dst(%arg6 : memref<8x128xi32, #tpu.memory_space<vmem>>)
          tpu.yield
        }) : () -> ()
        "tpu.region"() ({
          %run_scoped3A = tpu.sem_alloc : memref<!tpu.dma_semaphore, #tpu.memory_space<semaphore_mem>>
          %dma_start3A_38 = arith.constant 0 : i32
          %dma_start3A_39 = tpu.memref_slice %arg4[%add3A, %dma_start3A_38] : memref<2560x128xi32, #tpu.memory_space<hbm>> -> memref<8x128xi32, #tpu.memory_space<hbm>>
          %dma_start3A_40 = arith.constant 0 : i32
          %dma_start3A_41 = tpu.memref_slice %arg4[%add3A, %dma_start3A_40] : memref<2560x128xi32, #tpu.memory_space<hbm>> -> memref<8x128xi32, #tpu.memory_space<hbm>>
          tpu.enqueue_dma source(%dma_start3A_41 : memref<8x128xi32, #tpu.memory_space<hbm>>) target(%arg7 : memref<8x128xi32, #tpu.memory_space<vmem>>) target_semaphore(%run_scoped3A : memref<!tpu.dma_semaphore, #tpu.memory_space<semaphore_mem>>)
          %dma_wait3A_42 = arith.constant 0 : i32
          %dma_wait3A_43 = tpu.memref_slice %arg4[%add3A, %dma_wait3A_42] : memref<2560x128xi32, #tpu.memory_space<hbm>> -> memref<8x128xi32, #tpu.memory_space<hbm>>
          %dma_wait3A_44 = arith.constant 0 : i32
          %dma_wait3A_45 = tpu.memref_slice %arg4[%add3A, %dma_wait3A_44] : memref<2560x128xi32, #tpu.memory_space<hbm>> -> memref<8x128xi32, #tpu.memory_space<hbm>>
          tpu.wait_dma2 semaphore(%run_scoped3A : memref<!tpu.dma_semaphore, #tpu.memory_space<semaphore_mem>>) src(%dma_wait3A_45 : memref<8x128xi32, #tpu.memory_space<hbm>>) dst(%arg7 : memref<8x128xi32, #tpu.memory_space<vmem>>)
          tpu.yield
        }) : () -> ()
        %dma_start3A = arith.constant 0 : i32
        %dma_start3A_20 = arith.constant 0 : i32
        %dma_start3A_21 = tpu.memref_slice %arg6[%dma_start3A, %dma_start3A_20] : memref<8x128xi32, #tpu.memory_space<vmem>> -> memref<1x128xi32, #tpu.memory_space<vmem>>
        %dma_start3A_22 = tpu.memref_squeeze %dma_start3A_21 : memref<1x128xi32, #tpu.memory_space<vmem>> -> memref<128xi32, #tpu.memory_space<vmem>>
        %dma_start3A_23 = arith.constant 0 : i32
        %dma_start3A_24 = arith.constant 0 : i32
        %dma_start3A_25 = tpu.memref_slice %arg2[%dma_start3A_23, %dma_start3A_24] : memref<10000x128xf32, #tpu.memory_space<hbm>> -> memref<10000x128xf32, #tpu.memory_space<hbm>>
        tpu.enqueue_indirect_dma source(%dma_start3A_25 : memref<10000x128xf32, #tpu.memory_space<hbm>>) target(%arg8 : memref<128x128xf32, #tpu.memory_space<vmem>>) offsets(%dma_start3A_22 : memref<128xi32, #tpu.memory_space<vmem>>) semaphore(%arg11 : memref<!tpu.dma_semaphore, #tpu.memory_space<semaphore_mem>>)
        %scan3A_26 = arith.constant 0 : i32
        %scan3A_27 = arith.constant 0 : i32
        %scan3A_28 = arith.constant 4 : i32
        %scan3A_29 = arith.addi %scan3A_27, %scan3A_28 : i32
        %scan3A_30 = arith.constant 1 : i32
        scf.for %scan3A_38 = %scan3A_27 to %scan3A_29 step %scan3A_30  : i32 {
          %mul3A_39 = arith.constant 2 : i32
          %mul3A_40 = arith.muli %mul3A_39, %scan3A_38 : i32
          %add3A_41 = arith.constant 1 : i32
          %add3A_42 = arith.addi %mul3A_40, %add3A_41 : i32
          %add3A_43 = arith.constant 2 : i32
          %add3A_44 = arith.addi %mul3A_40, %add3A_43 : i32
          %min3A = arith.constant 7 : i32
          %min3A_45 = arith.minsi %add3A_44, %min3A : i32
          %dma_wait3A_46 = arith.constant 0 : i32
          %dma_wait3A_47 = tpu.memref_slice %arg6[%mul3A_40, %dma_wait3A_46] : memref<8x128xi32, #tpu.memory_space<vmem>> -> memref<1x128xi32, #tpu.memory_space<vmem>>
          %dma_wait3A_48 = tpu.memref_squeeze %dma_wait3A_47 : memref<1x128xi32, #tpu.memory_space<vmem>> -> memref<128xi32, #tpu.memory_space<vmem>>
          %dma_wait3A_49 = arith.constant 0 : i32
          %dma_wait3A_50 = arith.constant 0 : i32
          %dma_wait3A_51 = tpu.memref_slice %arg2[%dma_wait3A_49, %dma_wait3A_50] : memref<10000x128xf32, #tpu.memory_space<hbm>> -> memref<10000x128xf32, #tpu.memory_space<hbm>>
          tpu.wait_indirect_dma semaphore(%arg11 : memref<!tpu.dma_semaphore, #tpu.memory_space<semaphore_mem>>) src(%dma_wait3A_51 : memref<10000x128xf32, #tpu.memory_space<hbm>>) dst(%arg8 : memref<128x128xf32, #tpu.memory_space<vmem>>)
          %dma_start3A_52 = arith.constant 0 : i32
          %dma_start3A_53 = tpu.memref_slice %arg6[%add3A_42, %dma_start3A_52] : memref<8x128xi32, #tpu.memory_space<vmem>> -> memref<1x128xi32, #tpu.memory_space<vmem>>
          %dma_start3A_54 = tpu.memref_squeeze %dma_start3A_53 : memref<1x128xi32, #tpu.memory_space<vmem>> -> memref<128xi32, #tpu.memory_space<vmem>>
          %dma_start3A_55 = arith.constant 0 : i32
          %dma_start3A_56 = arith.constant 0 : i32
          %dma_start3A_57 = tpu.memref_slice %arg2[%dma_start3A_55, %dma_start3A_56] : memref<10000x128xf32, #tpu.memory_space<hbm>> -> memref<10000x128xf32, #tpu.memory_space<hbm>>
          tpu.enqueue_indirect_dma source(%dma_start3A_57 : memref<10000x128xf32, #tpu.memory_space<hbm>>) target(%arg9 : memref<128x128xf32, #tpu.memory_space<vmem>>) offsets(%dma_start3A_54 : memref<128xi32, #tpu.memory_space<vmem>>) semaphore(%arg12 : memref<!tpu.dma_semaphore, #tpu.memory_space<semaphore_mem>>)
          "tpu.region"() ({
            %run_scoped3A = tpu.sem_alloc : memref<!tpu.dma_semaphore, #tpu.memory_space<semaphore_mem>>
            %dma_start3A_70 = arith.constant 0 : i32
            %dma_start3A_71 = tpu.memref_slice %arg7[%mul3A_40, %dma_start3A_70] : memref<8x128xi32, #tpu.memory_space<vmem>> -> memref<1x128xi32, #tpu.memory_space<vmem>>
            %dma_start3A_72 = tpu.memref_squeeze %dma_start3A_71 : memref<1x128xi32, #tpu.memory_space<vmem>> -> memref<128xi32, #tpu.memory_space<vmem>>
            %dma_start3A_73 = arith.constant 0 : i32
            %dma_start3A_74 = arith.constant 0 : i32
            %dma_start3A_75 = tpu.memref_slice %arg10[%dma_start3A_73, %dma_start3A_74] : memref<10112x128xf32, #tpu.memory_space<vmem_shared>> -> memref<10112x128xf32, #tpu.memory_space<vmem_shared>>
            tpu.enqueue_indirect_dma source(%arg8 : memref<128x128xf32, #tpu.memory_space<vmem>>) target(%dma_start3A_75 : memref<10112x128xf32, #tpu.memory_space<vmem_shared>>) offsets(%dma_start3A_72 : memref<128xi32, #tpu.memory_space<vmem>>) semaphore(%run_scoped3A : memref<!tpu.dma_semaphore, #tpu.memory_space<semaphore_mem>>) {add = true}
            %dma_wait3A_76 = arith.constant 0 : i32
            %dma_wait3A_77 = tpu.memref_slice %arg7[%mul3A_40, %dma_wait3A_76] : memref<8x128xi32, #tpu.memory_space<vmem>> -> memref<1x128xi32, #tpu.memory_space<vmem>>
            %dma_wait3A_78 = tpu.memref_squeeze %dma_wait3A_77 : memref<1x128xi32, #tpu.memory_space<vmem>> -> memref<128xi32, #tpu.memory_space<vmem>>
            %dma_wait3A_79 = arith.constant 0 : i32
            %dma_wait3A_80 = arith.constant 0 : i32
            %dma_wait3A_81 = tpu.memref_slice %arg10[%dma_wait3A_79, %dma_wait3A_80] : memref<10112x128xf32, #tpu.memory_space<vmem_shared>> -> memref<10112x128xf32, #tpu.memory_space<vmem_shared>>
            tpu.wait_indirect_dma semaphore(%run_scoped3A : memref<!tpu.dma_semaphore, #tpu.memory_space<semaphore_mem>>) src(%arg8 : memref<128x128xf32, #tpu.memory_space<vmem>>) dst(%dma_wait3A_81 : memref<10112x128xf32, #tpu.memory_space<vmem_shared>>)
            tpu.yield
          }) : () -> ()
          %dma_wait3A_58 = arith.constant 0 : i32
          %dma_wait3A_59 = tpu.memref_slice %arg6[%add3A_42, %dma_wait3A_58] : memref<8x128xi32, #tpu.memory_space<vmem>> -> memref<1x128xi32, #tpu.memory_space<vmem>>
          %dma_wait3A_60 = tpu.memref_squeeze %dma_wait3A_59 : memref<1x128xi32, #tpu.memory_space<vmem>> -> memref<128xi32, #tpu.memory_space<vmem>>
          %dma_wait3A_61 = arith.constant 0 : i32
          %dma_wait3A_62 = arith.constant 0 : i32
          %dma_wait3A_63 = tpu.memref_slice %arg2[%dma_wait3A_61, %dma_wait3A_62] : memref<10000x128xf32, #tpu.memory_space<hbm>> -> memref<10000x128xf32, #tpu.memory_space<hbm>>
          tpu.wait_indirect_dma semaphore(%arg12 : memref<!tpu.dma_semaphore, #tpu.memory_space<semaphore_mem>>) src(%dma_wait3A_63 : memref<10000x128xf32, #tpu.memory_space<hbm>>) dst(%arg9 : memref<128x128xf32, #tpu.memory_space<vmem>>)
          %dma_start3A_64 = arith.constant 0 : i32
          %dma_start3A_65 = tpu.memref_slice %arg6[%min3A_45, %dma_start3A_64] : memref<8x128xi32, #tpu.memory_space<vmem>> -> memref<1x128xi32, #tpu.memory_space<vmem>>
          %dma_start3A_66 = tpu.memref_squeeze %dma_start3A_65 : memref<1x128xi32, #tpu.memory_space<vmem>> -> memref<128xi32, #tpu.memory_space<vmem>>
          %dma_start3A_67 = arith.constant 0 : i32
          %dma_start3A_68 = arith.constant 0 : i32
          %dma_start3A_69 = tpu.memref_slice %arg2[%dma_start3A_67, %dma_start3A_68] : memref<10000x128xf32, #tpu.memory_space<hbm>> -> memref<10000x128xf32, #tpu.memory_space<hbm>>
          tpu.enqueue_indirect_dma source(%dma_start3A_69 : memref<10000x128xf32, #tpu.memory_space<hbm>>) target(%arg8 : memref<128x128xf32, #tpu.memory_space<vmem>>) offsets(%dma_start3A_66 : memref<128xi32, #tpu.memory_space<vmem>>) semaphore(%arg11 : memref<!tpu.dma_semaphore, #tpu.memory_space<semaphore_mem>>)
          "tpu.region"() ({
            %run_scoped3A = tpu.sem_alloc : memref<!tpu.dma_semaphore, #tpu.memory_space<semaphore_mem>>
            %dma_start3A_70 = arith.constant 0 : i32
            %dma_start3A_71 = tpu.memref_slice %arg7[%add3A_42, %dma_start3A_70] : memref<8x128xi32, #tpu.memory_space<vmem>> -> memref<1x128xi32, #tpu.memory_space<vmem>>
            %dma_start3A_72 = tpu.memref_squeeze %dma_start3A_71 : memref<1x128xi32, #tpu.memory_space<vmem>> -> memref<128xi32, #tpu.memory_space<vmem>>
            %dma_start3A_73 = arith.constant 0 : i32
            %dma_start3A_74 = arith.constant 0 : i32
            %dma_start3A_75 = tpu.memref_slice %arg10[%dma_start3A_73, %dma_start3A_74] : memref<10112x128xf32, #tpu.memory_space<vmem_shared>> -> memref<10112x128xf32, #tpu.memory_space<vmem_shared>>
            tpu.enqueue_indirect_dma source(%arg9 : memref<128x128xf32, #tpu.memory_space<vmem>>) target(%dma_start3A_75 : memref<10112x128xf32, #tpu.memory_space<vmem_shared>>) offsets(%dma_start3A_72 : memref<128xi32, #tpu.memory_space<vmem>>) semaphore(%run_scoped3A : memref<!tpu.dma_semaphore, #tpu.memory_space<semaphore_mem>>) {add = true}
            %dma_wait3A_76 = arith.constant 0 : i32
            %dma_wait3A_77 = tpu.memref_slice %arg7[%add3A_42, %dma_wait3A_76] : memref<8x128xi32, #tpu.memory_space<vmem>> -> memref<1x128xi32, #tpu.memory_space<vmem>>
            %dma_wait3A_78 = tpu.memref_squeeze %dma_wait3A_77 : memref<1x128xi32, #tpu.memory_space<vmem>> -> memref<128xi32, #tpu.memory_space<vmem>>
            %dma_wait3A_79 = arith.constant 0 : i32
            %dma_wait3A_80 = arith.constant 0 : i32
            %dma_wait3A_81 = tpu.memref_slice %arg10[%dma_wait3A_79, %dma_wait3A_80] : memref<10112x128xf32, #tpu.memory_space<vmem_shared>> -> memref<10112x128xf32, #tpu.memory_space<vmem_shared>>
            tpu.wait_indirect_dma semaphore(%run_scoped3A : memref<!tpu.dma_semaphore, #tpu.memory_space<semaphore_mem>>) src(%arg9 : memref<128x128xf32, #tpu.memory_space<vmem>>) dst(%dma_wait3A_81 : memref<10112x128xf32, #tpu.memory_space<vmem_shared>>)
            tpu.yield
          }) : () -> ()
        }
        %scan3A_31 = arith.constant 4 : i32
        %dma_wait3A = arith.constant 7 : i32
        %dma_wait3A_32 = arith.constant 0 : i32
        %dma_wait3A_33 = tpu.memref_slice %arg6[%dma_wait3A, %dma_wait3A_32] : memref<8x128xi32, #tpu.memory_space<vmem>> -> memref<1x128xi32, #tpu.memory_space<vmem>>
        %dma_wait3A_34 = tpu.memref_squeeze %dma_wait3A_33 : memref<1x128xi32, #tpu.memory_space<vmem>> -> memref<128xi32, #tpu.memory_space<vmem>>
        %dma_wait3A_35 = arith.constant 0 : i32
        %dma_wait3A_36 = arith.constant 0 : i32
        %dma_wait3A_37 = tpu.memref_slice %arg2[%dma_wait3A_35, %dma_wait3A_36] : memref<10000x128xf32, #tpu.memory_space<hbm>> -> memref<10000x128xf32, #tpu.memory_space<hbm>>
        tpu.wait_indirect_dma semaphore(%arg11 : memref<!tpu.dma_semaphore, #tpu.memory_space<semaphore_mem>>) src(%dma_wait3A_37 : memref<10000x128xf32, #tpu.memory_space<hbm>>) dst(%arg8 : memref<128x128xf32, #tpu.memory_space<vmem>>)
      }
      %scan3A_12 = arith.constant 20 : i32
      %barrier3A = arith.constant 0 : index
      tpu.barrier barrier_id(%barrier3A)
      %mul3A_13 = arith.constant 632 : i32
      %mul3A_14 = arith.muli %arg1, %mul3A_13 : i32
      %mul3A_15 = arith.constant 632 : i32
      %mul3A_16 = arith.muli %arg1, %mul3A_15 : i32
      "tpu.region"() ({
        %run_scoped3A = tpu.sem_alloc : memref<!tpu.dma_semaphore, #tpu.memory_space<semaphore_mem>>
        %dma_start3A = arith.constant 0 : i32
        %dma_start3A_17 = tpu.memref_slice %arg5[%mul3A_16, %dma_start3A] : memref<10112x128xf32, #tpu.memory_space<hbm>> -> memref<632x128xf32, #tpu.memory_space<hbm>>
        %dma_start3A_18 = arith.constant 0 : i32
        %dma_start3A_19 = tpu.memref_slice %arg10[%mul3A_14, %dma_start3A_18] : memref<10112x128xf32, #tpu.memory_space<vmem_shared>> -> memref<632x128xf32, #tpu.memory_space<vmem_shared>>
        tpu.enqueue_dma source(%dma_start3A_19 : memref<632x128xf32, #tpu.memory_space<vmem_shared>>) target(%dma_start3A_17 : memref<632x128xf32, #tpu.memory_space<hbm>>) target_semaphore(%run_scoped3A : memref<!tpu.dma_semaphore, #tpu.memory_space<semaphore_mem>>)
        %dma_wait3A = arith.constant 0 : i32
        %dma_wait3A_20 = tpu.memref_slice %arg5[%mul3A_16, %dma_wait3A] : memref<10112x128xf32, #tpu.memory_space<hbm>> -> memref<632x128xf32, #tpu.memory_space<hbm>>
        %dma_wait3A_21 = arith.constant 0 : i32
        %dma_wait3A_22 = tpu.memref_slice %arg10[%mul3A_14, %dma_wait3A_21] : memref<10112x128xf32, #tpu.memory_space<vmem_shared>> -> memref<632x128xf32, #tpu.memory_space<vmem_shared>>
        tpu.wait_dma2 semaphore(%run_scoped3A : memref<!tpu.dma_semaphore, #tpu.memory_space<semaphore_mem>>) src(%dma_wait3A_22 : memref<632x128xf32, #tpu.memory_space<vmem_shared>>) dst(%dma_wait3A_20 : memref<632x128xf32, #tpu.memory_space<hbm>>)
        tpu.yield
      }) : () -> ()
    } else {
    }
    return
  }
}

#map = affine_map<(d0, d1) -> (0, 0)>
module attributes {stable_mosaic.version = 14 : i64} {
  func.func @_sc_segsum_body(%arg0: i32, %arg1: i32, %arg2: memref<10000x128xf32, #tpu.memory_space<hbm>>, %arg3: memref<2560x128xi32, #tpu.memory_space<hbm>>, %arg4: memref<2560x128xi32, #tpu.memory_space<hbm>>, %arg5: memref<10112x128xf32, #tpu.memory_space<hbm>>, %arg6: memref<8x128xi32, #tpu.memory_space<vmem>>, %arg7: memref<8x128xi32, #tpu.memory_space<vmem>>, %arg8: memref<128x128xf32, #tpu.memory_space<vmem>>, %arg9: memref<128x128xf32, #tpu.memory_space<vmem>>, %arg10: memref<10112x128xf32, #tpu.memory_space<vmem_shared>>, %arg11: memref<!tpu.dma_semaphore, #tpu.memory_space<semaphore_mem>>, %arg12: memref<!tpu.dma_semaphore, #tpu.memory_space<semaphore_mem>>, %arg13: memref<!tpu.dma_semaphore, #tpu.memory_space<semaphore_mem>>, %arg14: memref<!tpu.dma_semaphore, #tpu.memory_space<semaphore_mem>>) attributes {dimension_semantics = [#tpu.dimension_semantics<core_parallel>, #tpu.dimension_semantics<subcore_parallel>], iteration_bounds = array<i64: 2, 16>, scalar_prefetch = 0 : i64, scratch_operands = 9 : i64, tpu.core_type = #tpu.core_type<sc_vector_subcore>, window_params = [{transform_indices = #map}, {transform_indices = #map}, {transform_indices = #map}, {transform_indices = #map}]} {
    %mul3A = arith.constant 160 : i32
    %mul3A_0 = arith.muli %arg1, %mul3A : i32
    %eq3A = arith.constant 0 : i32
    %eq3A_1 = arith.cmpi eq, %arg0, %eq3A : i32
    %convert_element_type3A = arith.extui %eq3A_1 : i1 to i32
    %cond3A = arith.constant 0 : i32
    %cond3A_2 = arith.cmpi ne, %convert_element_type3A, %cond3A : i32
    scf.if %cond3A_2 {
      %broadcast_in_dim3A = arith.constant 0.000000e+00 : f32
      %broadcast_in_dim3A_8 = vector.broadcast %broadcast_in_dim3A : f32 to vector<16xf32>
      %scan3A = arith.constant 0 : i32
      %scan3A_9 = arith.constant 0 : i32
      %scan3A_10 = arith.constant 128 : i32
      %scan3A_11 = arith.addi %scan3A_9, %scan3A_10 : i32
      %scan3A_12 = arith.constant 1 : i32
      scf.for %scan3A_25 = %scan3A_9 to %scan3A_11 step %scan3A_12  : i32 {
        %swap3A = arith.index_cast %scan3A_25 : i32 to index
        %swap3A_26 = arith.constant 0 : index
        %swap3A_27 = tpu.vector_load %arg8[%swap3A, %swap3A_26] {strides = array<i32>} : memref<128x128xf32, #tpu.memory_space<vmem>>, vector<1x16xf32>,
        %swap3A_28 = vector.shape_cast %swap3A_27 : vector<1x16xf32> to vector<16xf32>
        %swap3A_29 = vector.shape_cast %broadcast_in_dim3A_8 : vector<16xf32> to vector<1x16xf32>
        tpu.vector_store %arg8[%swap3A, %swap3A_26], %swap3A_29 {strides = array<i32>} : memref<128x128xf32, #tpu.memory_space<vmem>>, vector<1x16xf32>,
        %swap3A_30 = arith.index_cast %scan3A_25 : i32 to index
        %swap3A_31 = arith.constant 16 : index
        %swap3A_32 = tpu.vector_load %arg8[%swap3A_30, %swap3A_31] {strides = array<i32>} : memref<128x128xf32, #tpu.memory_space<vmem>>, vector<1x16xf32>,
        %swap3A_33 = vector.shape_cast %swap3A_32 : vector<1x16xf32> to vector<16xf32>
        %swap3A_34 = vector.shape_cast %broadcast_in_dim3A_8 : vector<16xf32> to vector<1x16xf32>
        tpu.vector_store %arg8[%swap3A_30, %swap3A_31], %swap3A_34 {strides = array<i32>} : memref<128x128xf32, #tpu.memory_space<vmem>>, vector<1x16xf32>,
        %swap3A_35 = arith.index_cast %scan3A_25 : i32 to index
        %swap3A_36 = arith.constant 32 : index
        %swap3A_37 = tpu.vector_load %arg8[%swap3A_35, %swap3A_36] {strides = array<i32>} : memref<128x128xf32, #tpu.memory_space<vmem>>, vector<1x16xf32>,
        %swap3A_38 = vector.shape_cast %swap3A_37 : vector<1x16xf32> to vector<16xf32>
        %swap3A_39 = vector.shape_cast %broadcast_in_dim3A_8 : vector<16xf32> to vector<1x16xf32>
        tpu.vector_store %arg8[%swap3A_35, %swap3A_36], %swap3A_39 {strides = array<i32>} : memref<128x128xf32, #tpu.memory_space<vmem>>, vector<1x16xf32>,
        %swap3A_40 = arith.index_cast %scan3A_25 : i32 to index
        %swap3A_41 = arith.constant 48 : index
        %swap3A_42 = tpu.vector_load %arg8[%swap3A_40, %swap3A_41] {strides = array<i32>} : memref<128x128xf32, #tpu.memory_space<vmem>>, vector<1x16xf32>,
        %swap3A_43 = vector.shape_cast %swap3A_42 : vector<1x16xf32> to vector<16xf32>
        %swap3A_44 = vector.shape_cast %broadcast_in_dim3A_8 : vector<16xf32> to vector<1x16xf32>
        tpu.vector_store %arg8[%swap3A_40, %swap3A_41], %swap3A_44 {strides = array<i32>} : memref<128x128xf32, #tpu.memory_space<vmem>>, vector<1x16xf32>,
        %swap3A_45 = arith.index_cast %scan3A_25 : i32 to index
        %swap3A_46 = arith.constant 64 : index
        %swap3A_47 = tpu.vector_load %arg8[%swap3A_45, %swap3A_46] {strides = array<i32>} : memref<128x128xf32, #tpu.memory_space<vmem>>, vector<1x16xf32>,
        %swap3A_48 = vector.shape_cast %swap3A_47 : vector<1x16xf32> to vector<16xf32>
        %swap3A_49 = vector.shape_cast %broadcast_in_dim3A_8 : vector<16xf32> to vector<1x16xf32>
        tpu.vector_store %arg8[%swap3A_45, %swap3A_46], %swap3A_49 {strides = array<i32>} : memref<128x128xf32, #tpu.memory_space<vmem>>, vector<1x16xf32>,
        %swap3A_50 = arith.index_cast %scan3A_25 : i32 to index
        %swap3A_51 = arith.constant 80 : index
        %swap3A_52 = tpu.vector_load %arg8[%swap3A_50, %swap3A_51] {strides = array<i32>} : memref<128x128xf32, #tpu.memory_space<vmem>>, vector<1x16xf32>,
        %swap3A_53 = vector.shape_cast %swap3A_52 : vector<1x16xf32> to vector<16xf32>
        %swap3A_54 = vector.shape_cast %broadcast_in_dim3A_8 : vector<16xf32> to vector<1x16xf32>
        tpu.vector_store %arg8[%swap3A_50, %swap3A_51], %swap3A_54 {strides = array<i32>} : memref<128x128xf32, #tpu.memory_space<vmem>>, vector<1x16xf32>,
        %swap3A_55 = arith.index_cast %scan3A_25 : i32 to index
        %swap3A_56 = arith.constant 96 : index
        %swap3A_57 = tpu.vector_load %arg8[%swap3A_55, %swap3A_56] {strides = array<i32>} : memref<128x128xf32, #tpu.memory_space<vmem>>, vector<1x16xf32>,
        %swap3A_58 = vector.shape_cast %swap3A_57 : vector<1x16xf32> to vector<16xf32>
        %swap3A_59 = vector.shape_cast %broadcast_in_dim3A_8 : vector<16xf32> to vector<1x16xf32>
        tpu.vector_store %arg8[%swap3A_55, %swap3A_56], %swap3A_59 {strides = array<i32>} : memref<128x128xf32, #tpu.memory_space<vmem>>, vector<1x16xf32>,
        %swap3A_60 = arith.index_cast %scan3A_25 : i32 to index
        %swap3A_61 = arith.constant 112 : index
        %swap3A_62 = tpu.vector_load %arg8[%swap3A_60, %swap3A_61] {strides = array<i32>} : memref<128x128xf32, #tpu.memory_space<vmem>>, vector<1x16xf32>,
        %swap3A_63 = vector.shape_cast %swap3A_62 : vector<1x16xf32> to vector<16xf32>
        %swap3A_64 = vector.shape_cast %broadcast_in_dim3A_8 : vector<16xf32> to vector<1x16xf32>
        tpu.vector_store %arg8[%swap3A_60, %swap3A_61], %swap3A_64 {strides = array<i32>} : memref<128x128xf32, #tpu.memory_space<vmem>>, vector<1x16xf32>,
      }
      %scan3A_13 = arith.constant 128 : i32
      %mul3A_14 = arith.constant 632 : i32
      %mul3A_15 = arith.muli %arg1, %mul3A_14 : i32
      %add3A = arith.constant 0 : i32
      %add3A_16 = arith.addi %mul3A_15, %add3A : i32
      "tpu.region"() ({
        %run_scoped3A = tpu.sem_alloc : memref<!tpu.dma_semaphore, #tpu.memory_space<semaphore_mem>>
        %dma_start3A = arith.constant 0 : i32
        %dma_start3A_25 = tpu.memref_slice %arg10[%add3A_16, %dma_start3A] : memref<10112x128xf32, #tpu.memory_space<vmem_shared>> -> memref<128x128xf32, #tpu.memory_space<vmem_shared>>
        %dma_start3A_26 = arith.constant 0 : i32
        %dma_start3A_27 = tpu.memref_slice %arg10[%add3A_16, %dma_start3A_26] : memref<10112x128xf32, #tpu.memory_space<vmem_shared>> -> memref<128x128xf32, #tpu.memory_space<vmem_shared>>
        tpu.enqueue_dma source(%arg8 : memref<128x128xf32, #tpu.memory_space<vmem>>) target(%dma_start3A_27 : memref<128x128xf32, #tpu.memory_space<vmem_shared>>) target_semaphore(%run_scoped3A : memref<!tpu.dma_semaphore, #tpu.memory_space<semaphore_mem>>)
        %dma_wait3A = arith.constant 0 : i32
        %dma_wait3A_28 = tpu.memref_slice %arg10[%add3A_16, %dma_wait3A] : memref<10112x128xf32, #tpu.memory_space<vmem_shared>> -> memref<128x128xf32, #tpu.memory_space<vmem_shared>>
        %dma_wait3A_29 = arith.constant 0 : i32
        %dma_wait3A_30 = tpu.memref_slice %arg10[%add3A_16, %dma_wait3A_29] : memref<10112x128xf32, #tpu.memory_space<vmem_shared>> -> memref<128x128xf32, #tpu.memory_space<vmem_shared>>
        tpu.wait_dma2 semaphore(%run_scoped3A : memref<!tpu.dma_semaphore, #tpu.memory_space<semaphore_mem>>) src(%arg8 : memref<128x128xf32, #tpu.memory_space<vmem>>) dst(%dma_wait3A_30 : memref<128x128xf32, #tpu.memory_space<vmem_shared>>)
        tpu.yield
      }) : () -> ()
      %add3A_17 = arith.constant 128 : i32
      %add3A_18 = arith.addi %mul3A_15, %add3A_17 : i32
      "tpu.region"() ({
        %run_scoped3A = tpu.sem_alloc : memref<!tpu.dma_semaphore, #tpu.memory_space<semaphore_mem>>
        %dma_start3A = arith.constant 0 : i32
        %dma_start3A_25 = tpu.memref_slice %arg10[%add3A_18, %dma_start3A] : memref<10112x128xf32, #tpu.memory_space<vmem_shared>> -> memref<128x128xf32, #tpu.memory_space<vmem_shared>>
        %dma_start3A_26 = arith.constant 0 : i32
        %dma_start3A_27 = tpu.memref_slice %arg10[%add3A_18, %dma_start3A_26] : memref<10112x128xf32, #tpu.memory_space<vmem_shared>> -> memref<128x128xf32, #tpu.memory_space<vmem_shared>>
        tpu.enqueue_dma source(%arg8 : memref<128x128xf32, #tpu.memory_space<vmem>>) target(%dma_start3A_27 : memref<128x128xf32, #tpu.memory_space<vmem_shared>>) target_semaphore(%run_scoped3A : memref<!tpu.dma_semaphore, #tpu.memory_space<semaphore_mem>>)
        %dma_wait3A = arith.constant 0 : i32
        %dma_wait3A_28 = tpu.memref_slice %arg10[%add3A_18, %dma_wait3A] : memref<10112x128xf32, #tpu.memory_space<vmem_shared>> -> memref<128x128xf32, #tpu.memory_space<vmem_shared>>
        %dma_wait3A_29 = arith.constant 0 : i32
        %dma_wait3A_30 = tpu.memref_slice %arg10[%add3A_18, %dma_wait3A_29] : memref<10112x128xf32, #tpu.memory_space<vmem_shared>> -> memref<128x128xf32, #tpu.memory_space<vmem_shared>>
        tpu.wait_dma2 semaphore(%run_scoped3A : memref<!tpu.dma_semaphore, #tpu.memory_space<semaphore_mem>>) src(%arg8 : memref<128x128xf32, #tpu.memory_space<vmem>>) dst(%dma_wait3A_30 : memref<128x128xf32, #tpu.memory_space<vmem_shared>>)
        tpu.yield
      }) : () -> ()
      %add3A_19 = arith.constant 256 : i32
      %add3A_20 = arith.addi %mul3A_15, %add3A_19 : i32
      "tpu.region"() ({
        %run_scoped3A = tpu.sem_alloc : memref<!tpu.dma_semaphore, #tpu.memory_space<semaphore_mem>>
        %dma_start3A = arith.constant 0 : i32
        %dma_start3A_25 = tpu.memref_slice %arg10[%add3A_20, %dma_start3A] : memref<10112x128xf32, #tpu.memory_space<vmem_shared>> -> memref<128x128xf32, #tpu.memory_space<vmem_shared>>
        %dma_start3A_26 = arith.constant 0 : i32
        %dma_start3A_27 = tpu.memref_slice %arg10[%add3A_20, %dma_start3A_26] : memref<10112x128xf32, #tpu.memory_space<vmem_shared>> -> memref<128x128xf32, #tpu.memory_space<vmem_shared>>
        tpu.enqueue_dma source(%arg8 : memref<128x128xf32, #tpu.memory_space<vmem>>) target(%dma_start3A_27 : memref<128x128xf32, #tpu.memory_space<vmem_shared>>) target_semaphore(%run_scoped3A : memref<!tpu.dma_semaphore, #tpu.memory_space<semaphore_mem>>)
        %dma_wait3A = arith.constant 0 : i32
        %dma_wait3A_28 = tpu.memref_slice %arg10[%add3A_20, %dma_wait3A] : memref<10112x128xf32, #tpu.memory_space<vmem_shared>> -> memref<128x128xf32, #tpu.memory_space<vmem_shared>>
        %dma_wait3A_29 = arith.constant 0 : i32
        %dma_wait3A_30 = tpu.memref_slice %arg10[%add3A_20, %dma_wait3A_29] : memref<10112x128xf32, #tpu.memory_space<vmem_shared>> -> memref<128x128xf32, #tpu.memory_space<vmem_shared>>
        tpu.wait_dma2 semaphore(%run_scoped3A : memref<!tpu.dma_semaphore, #tpu.memory_space<semaphore_mem>>) src(%arg8 : memref<128x128xf32, #tpu.memory_space<vmem>>) dst(%dma_wait3A_30 : memref<128x128xf32, #tpu.memory_space<vmem_shared>>)
        tpu.yield
      }) : () -> ()
      %add3A_21 = arith.constant 384 : i32
      %add3A_22 = arith.addi %mul3A_15, %add3A_21 : i32
      "tpu.region"() ({
        %run_scoped3A = tpu.sem_alloc : memref<!tpu.dma_semaphore, #tpu.memory_space<semaphore_mem>>
        %dma_start3A = arith.constant 0 : i32
        %dma_start3A_25 = tpu.memref_slice %arg10[%add3A_22, %dma_start3A] : memref<10112x128xf32, #tpu.memory_space<vmem_shared>> -> memref<128x128xf32, #tpu.memory_space<vmem_shared>>
        %dma_start3A_26 = arith.constant 0 : i32
        %dma_start3A_27 = tpu.memref_slice %arg10[%add3A_22, %dma_start3A_26] : memref<10112x128xf32, #tpu.memory_space<vmem_shared>> -> memref<128x128xf32, #tpu.memory_space<vmem_shared>>
        tpu.enqueue_dma source(%arg8 : memref<128x128xf32, #tpu.memory_space<vmem>>) target(%dma_start3A_27 : memref<128x128xf32, #tpu.memory_space<vmem_shared>>) target_semaphore(%run_scoped3A : memref<!tpu.dma_semaphore, #tpu.memory_space<semaphore_mem>>)
        %dma_wait3A = arith.constant 0 : i32
        %dma_wait3A_28 = tpu.memref_slice %arg10[%add3A_22, %dma_wait3A] : memref<10112x128xf32, #tpu.memory_space<vmem_shared>> -> memref<128x128xf32, #tpu.memory_space<vmem_shared>>
        %dma_wait3A_29 = arith.constant 0 : i32
        %dma_wait3A_30 = tpu.memref_slice %arg10[%add3A_22, %dma_wait3A_29] : memref<10112x128xf32, #tpu.memory_space<vmem_shared>> -> memref<128x128xf32, #tpu.memory_space<vmem_shared>>
        tpu.wait_dma2 semaphore(%run_scoped3A : memref<!tpu.dma_semaphore, #tpu.memory_space<semaphore_mem>>) src(%arg8 : memref<128x128xf32, #tpu.memory_space<vmem>>) dst(%dma_wait3A_30 : memref<128x128xf32, #tpu.memory_space<vmem_shared>>)
        tpu.yield
      }) : () -> ()
      %add3A_23 = arith.constant 512 : i32
      %add3A_24 = arith.addi %mul3A_15, %add3A_23 : i32
      "tpu.region"() ({
        %run_scoped3A = tpu.sem_alloc : memref<!tpu.dma_semaphore, #tpu.memory_space<semaphore_mem>>
        %dma_start3A = arith.constant 0 : i32
        %dma_start3A_25 = arith.constant 0 : i32
        %dma_start3A_26 = tpu.memref_slice %arg8[%dma_start3A, %dma_start3A_25] : memref<128x128xf32, #tpu.memory_space<vmem>> -> memref<120x128xf32, #tpu.memory_space<vmem>>
        %dma_start3A_27 = arith.constant 0 : i32
        %dma_start3A_28 = tpu.memref_slice %arg10[%add3A_24, %dma_start3A_27] : memref<10112x128xf32, #tpu.memory_space<vmem_shared>> -> memref<120x128xf32, #tpu.memory_space<vmem_shared>>
        %dma_start3A_29 = arith.constant 0 : i32
        %dma_start3A_30 = tpu.memref_slice %arg10[%add3A_24, %dma_start3A_29] : memref<10112x128xf32, #tpu.memory_space<vmem_shared>> -> memref<120x128xf32, #tpu.memory_space<vmem_shared>>
        %dma_start3A_31 = arith.constant 0 : i32
        %dma_start3A_32 = arith.constant 0 : i32
        %dma_start3A_33 = tpu.memref_slice %arg8[%dma_start3A_31, %dma_start3A_32] : memref<128x128xf32, #tpu.memory_space<vmem>> -> memref<120x128xf32, #tpu.memory_space<vmem>>
        tpu.enqueue_dma source(%dma_start3A_33 : memref<120x128xf32, #tpu.memory_space<vmem>>) target(%dma_start3A_30 : memref<120x128xf32, #tpu.memory_space<vmem_shared>>) target_semaphore(%run_scoped3A : memref<!tpu.dma_semaphore, #tpu.memory_space<semaphore_mem>>)
        %dma_wait3A = arith.constant 0 : i32
        %dma_wait3A_34 = arith.constant 0 : i32
        %dma_wait3A_35 = tpu.memref_slice %arg8[%dma_wait3A, %dma_wait3A_34] : memref<128x128xf32, #tpu.memory_space<vmem>> -> memref<120x128xf32, #tpu.memory_space<vmem>>
        %dma_wait3A_36 = arith.constant 0 : i32
        %dma_wait3A_37 = tpu.memref_slice %arg10[%add3A_24, %dma_wait3A_36] : memref<10112x128xf32, #tpu.memory_space<vmem_shared>> -> memref<120x128xf32, #tpu.memory_space<vmem_shared>>
        %dma_wait3A_38 = arith.constant 0 : i32
        %dma_wait3A_39 = tpu.memref_slice %arg10[%add3A_24, %dma_wait3A_38] : memref<10112x128xf32, #tpu.memory_space<vmem_shared>> -> memref<120x128xf32, #tpu.memory_space<vmem_shared>>
        %dma_wait3A_40 = arith.constant 0 : i32
        %dma_wait3A_41 = arith.constant 0 : i32
        %dma_wait3A_42 = tpu.memref_slice %arg8[%dma_wait3A_40, %dma_wait3A_41] : memref<128x128xf32, #tpu.memory_space<vmem>> -> memref<120x128xf32, #tpu.memory_space<vmem>>
        tpu.wait_dma2 semaphore(%run_scoped3A : memref<!tpu.dma_semaphore, #tpu.memory_space<semaphore_mem>>) src(%dma_wait3A_42 : memref<120x128xf32, #tpu.memory_space<vmem>>) dst(%dma_wait3A_39 : memref<120x128xf32, #tpu.memory_space<vmem_shared>>)
        tpu.yield
      }) : () -> ()
      %barrier3A = arith.constant 0 : index
      tpu.barrier barrier_id(%barrier3A)
    } else {
    }
    %eq3A_3 = arith.constant 0 : i32
    %eq3A_4 = arith.cmpi eq, %arg0, %eq3A_3 : i32
    %convert_element_type3A_5 = arith.extui %eq3A_4 : i1 to i32
    %cond3A_6 = arith.constant 0 : i32
    %cond3A_7 = arith.cmpi ne, %convert_element_type3A_5, %cond3A_6 : i32
    scf.if %cond3A_7 {
      %scan3A = arith.constant 0 : i32
      %scan3A_8 = arith.constant 0 : i32
      %scan3A_9 = arith.constant 20 : i32
      %scan3A_10 = arith.addi %scan3A_8, %scan3A_9 : i32
      %scan3A_11 = arith.constant 1 : i32
      scf.for %scan3A_17 = %scan3A_8 to %scan3A_10 step %scan3A_11  : i32 {
        %mul3A_18 = arith.constant 8 : i32
        %mul3A_19 = arith.muli %scan3A_17, %mul3A_18 : i32
        %add3A = arith.addi %mul3A_0, %mul3A_19 : i32
        "tpu.region"() ({
          %run_scoped3A = tpu.sem_alloc : memref<!tpu.dma_semaphore, #tpu.memory_space<semaphore_mem>>
          %dma_start3A_38 = arith.constant 0 : i32
          %dma_start3A_39 = tpu.memref_slice %arg3[%add3A, %dma_start3A_38] : memref<2560x128xi32, #tpu.memory_space<hbm>> -> memref<8x128xi32, #tpu.memory_space<hbm>>
          %dma_start3A_40 = arith.constant 0 : i32
          %dma_start3A_41 = tpu.memref_slice %arg3[%add3A, %dma_start3A_40] : memref<2560x128xi32, #tpu.memory_space<hbm>> -> memref<8x128xi32, #tpu.memory_space<hbm>>
          tpu.enqueue_dma source(%dma_start3A_41 : memref<8x128xi32, #tpu.memory_space<hbm>>) target(%arg6 : memref<8x128xi32, #tpu.memory_space<vmem>>) target_semaphore(%run_scoped3A : memref<!tpu.dma_semaphore, #tpu.memory_space<semaphore_mem>>)
          %dma_wait3A_42 = arith.constant 0 : i32
          %dma_wait3A_43 = tpu.memref_slice %arg3[%add3A, %dma_wait3A_42] : memref<2560x128xi32, #tpu.memory_space<hbm>> -> memref<8x128xi32, #tpu.memory_space<hbm>>
          %dma_wait3A_44 = arith.constant 0 : i32
          %dma_wait3A_45 = tpu.memref_slice %arg3[%add3A, %dma_wait3A_44] : memref<2560x128xi32, #tpu.memory_space<hbm>> -> memref<8x128xi32, #tpu.memory_space<hbm>>
          tpu.wait_dma2 semaphore(%run_scoped3A : memref<!tpu.dma_semaphore, #tpu.memory_space<semaphore_mem>>) src(%dma_wait3A_45 : memref<8x128xi32, #tpu.memory_space<hbm>>) dst(%arg6 : memref<8x128xi32, #tpu.memory_space<vmem>>)
          tpu.yield
        }) : () -> ()
        "tpu.region"() ({
          %run_scoped3A = tpu.sem_alloc : memref<!tpu.dma_semaphore, #tpu.memory_space<semaphore_mem>>
          %dma_start3A_38 = arith.constant 0 : i32
          %dma_start3A_39 = tpu.memref_slice %arg4[%add3A, %dma_start3A_38] : memref<2560x128xi32, #tpu.memory_space<hbm>> -> memref<8x128xi32, #tpu.memory_space<hbm>>
          %dma_start3A_40 = arith.constant 0 : i32
          %dma_start3A_41 = tpu.memref_slice %arg4[%add3A, %dma_start3A_40] : memref<2560x128xi32, #tpu.memory_space<hbm>> -> memref<8x128xi32, #tpu.memory_space<hbm>>
          tpu.enqueue_dma source(%dma_start3A_41 : memref<8x128xi32, #tpu.memory_space<hbm>>) target(%arg7 : memref<8x128xi32, #tpu.memory_space<vmem>>) target_semaphore(%run_scoped3A : memref<!tpu.dma_semaphore, #tpu.memory_space<semaphore_mem>>)
          %dma_wait3A_42 = arith.constant 0 : i32
          %dma_wait3A_43 = tpu.memref_slice %arg4[%add3A, %dma_wait3A_42] : memref<2560x128xi32, #tpu.memory_space<hbm>> -> memref<8x128xi32, #tpu.memory_space<hbm>>
          %dma_wait3A_44 = arith.constant 0 : i32
          %dma_wait3A_45 = tpu.memref_slice %arg4[%add3A, %dma_wait3A_44] : memref<2560x128xi32, #tpu.memory_space<hbm>> -> memref<8x128xi32, #tpu.memory_space<hbm>>
          tpu.wait_dma2 semaphore(%run_scoped3A : memref<!tpu.dma_semaphore, #tpu.memory_space<semaphore_mem>>) src(%dma_wait3A_45 : memref<8x128xi32, #tpu.memory_space<hbm>>) dst(%arg7 : memref<8x128xi32, #tpu.memory_space<vmem>>)
          tpu.yield
        }) : () -> ()
        %dma_start3A = arith.constant 0 : i32
        %dma_start3A_20 = arith.constant 0 : i32
        %dma_start3A_21 = tpu.memref_slice %arg6[%dma_start3A, %dma_start3A_20] : memref<8x128xi32, #tpu.memory_space<vmem>> -> memref<1x128xi32, #tpu.memory_space<vmem>>
        %dma_start3A_22 = tpu.memref_squeeze %dma_start3A_21 : memref<1x128xi32, #tpu.memory_space<vmem>> -> memref<128xi32, #tpu.memory_space<vmem>>
        %dma_start3A_23 = arith.constant 0 : i32
        %dma_start3A_24 = arith.constant 0 : i32
        %dma_start3A_25 = tpu.memref_slice %arg2[%dma_start3A_23, %dma_start3A_24] : memref<10000x128xf32, #tpu.memory_space<hbm>> -> memref<10000x128xf32, #tpu.memory_space<hbm>>
        tpu.enqueue_indirect_dma source(%dma_start3A_25 : memref<10000x128xf32, #tpu.memory_space<hbm>>) target(%arg8 : memref<128x128xf32, #tpu.memory_space<vmem>>) offsets(%dma_start3A_22 : memref<128xi32, #tpu.memory_space<vmem>>) semaphore(%arg11 : memref<!tpu.dma_semaphore, #tpu.memory_space<semaphore_mem>>)
        %scan3A_26 = arith.constant 0 : i32
        %scan3A_27 = arith.constant 0 : i32
        %scan3A_28 = arith.constant 4 : i32
        %scan3A_29 = arith.addi %scan3A_27, %scan3A_28 : i32
        %scan3A_30 = arith.constant 1 : i32
        scf.for %scan3A_38 = %scan3A_27 to %scan3A_29 step %scan3A_30  : i32 {
          %mul3A_39 = arith.constant 2 : i32
          %mul3A_40 = arith.muli %mul3A_39, %scan3A_38 : i32
          %add3A_41 = arith.constant 1 : i32
          %add3A_42 = arith.addi %mul3A_40, %add3A_41 : i32
          %add3A_43 = arith.constant 2 : i32
          %add3A_44 = arith.addi %mul3A_40, %add3A_43 : i32
          %min3A = arith.constant 7 : i32
          %min3A_45 = arith.minsi %add3A_44, %min3A : i32
          %dma_wait3A_46 = arith.constant 0 : i32
          %dma_wait3A_47 = tpu.memref_slice %arg6[%mul3A_40, %dma_wait3A_46] : memref<8x128xi32, #tpu.memory_space<vmem>> -> memref<1x128xi32, #tpu.memory_space<vmem>>
          %dma_wait3A_48 = tpu.memref_squeeze %dma_wait3A_47 : memref<1x128xi32, #tpu.memory_space<vmem>> -> memref<128xi32, #tpu.memory_space<vmem>>
          %dma_wait3A_49 = arith.constant 0 : i32
          %dma_wait3A_50 = arith.constant 0 : i32
          %dma_wait3A_51 = tpu.memref_slice %arg2[%dma_wait3A_49, %dma_wait3A_50] : memref<10000x128xf32, #tpu.memory_space<hbm>> -> memref<10000x128xf32, #tpu.memory_space<hbm>>
          tpu.wait_indirect_dma semaphore(%arg11 : memref<!tpu.dma_semaphore, #tpu.memory_space<semaphore_mem>>) src(%dma_wait3A_51 : memref<10000x128xf32, #tpu.memory_space<hbm>>) dst(%arg8 : memref<128x128xf32, #tpu.memory_space<vmem>>)
          %dma_start3A_52 = arith.constant 0 : i32
          %dma_start3A_53 = tpu.memref_slice %arg6[%add3A_42, %dma_start3A_52] : memref<8x128xi32, #tpu.memory_space<vmem>> -> memref<1x128xi32, #tpu.memory_space<vmem>>
          %dma_start3A_54 = tpu.memref_squeeze %dma_start3A_53 : memref<1x128xi32, #tpu.memory_space<vmem>> -> memref<128xi32, #tpu.memory_space<vmem>>
          %dma_start3A_55 = arith.constant 0 : i32
          %dma_start3A_56 = arith.constant 0 : i32
          %dma_start3A_57 = tpu.memref_slice %arg2[%dma_start3A_55, %dma_start3A_56] : memref<10000x128xf32, #tpu.memory_space<hbm>> -> memref<10000x128xf32, #tpu.memory_space<hbm>>
          tpu.enqueue_indirect_dma source(%dma_start3A_57 : memref<10000x128xf32, #tpu.memory_space<hbm>>) target(%arg9 : memref<128x128xf32, #tpu.memory_space<vmem>>) offsets(%dma_start3A_54 : memref<128xi32, #tpu.memory_space<vmem>>) semaphore(%arg12 : memref<!tpu.dma_semaphore, #tpu.memory_space<semaphore_mem>>)
          "tpu.region"() ({
            %run_scoped3A = tpu.sem_alloc : memref<!tpu.dma_semaphore, #tpu.memory_space<semaphore_mem>>
            %dma_start3A_70 = arith.constant 0 : i32
            %dma_start3A_71 = tpu.memref_slice %arg7[%mul3A_40, %dma_start3A_70] : memref<8x128xi32, #tpu.memory_space<vmem>> -> memref<1x128xi32, #tpu.memory_space<vmem>>
            %dma_start3A_72 = tpu.memref_squeeze %dma_start3A_71 : memref<1x128xi32, #tpu.memory_space<vmem>> -> memref<128xi32, #tpu.memory_space<vmem>>
            %dma_start3A_73 = arith.constant 0 : i32
            %dma_start3A_74 = arith.constant 0 : i32
            %dma_start3A_75 = tpu.memref_slice %arg10[%dma_start3A_73, %dma_start3A_74] : memref<10112x128xf32, #tpu.memory_space<vmem_shared>> -> memref<10112x128xf32, #tpu.memory_space<vmem_shared>>
            tpu.enqueue_indirect_dma source(%arg8 : memref<128x128xf32, #tpu.memory_space<vmem>>) target(%dma_start3A_75 : memref<10112x128xf32, #tpu.memory_space<vmem_shared>>) offsets(%dma_start3A_72 : memref<128xi32, #tpu.memory_space<vmem>>) semaphore(%run_scoped3A : memref<!tpu.dma_semaphore, #tpu.memory_space<semaphore_mem>>) {add = true}
            %dma_wait3A_76 = arith.constant 0 : i32
            %dma_wait3A_77 = tpu.memref_slice %arg7[%mul3A_40, %dma_wait3A_76] : memref<8x128xi32, #tpu.memory_space<vmem>> -> memref<1x128xi32, #tpu.memory_space<vmem>>
            %dma_wait3A_78 = tpu.memref_squeeze %dma_wait3A_77 : memref<1x128xi32, #tpu.memory_space<vmem>> -> memref<128xi32, #tpu.memory_space<vmem>>
            %dma_wait3A_79 = arith.constant 0 : i32
            %dma_wait3A_80 = arith.constant 0 : i32
            %dma_wait3A_81 = tpu.memref_slice %arg10[%dma_wait3A_79, %dma_wait3A_80] : memref<10112x128xf32, #tpu.memory_space<vmem_shared>> -> memref<10112x128xf32, #tpu.memory_space<vmem_shared>>
            tpu.wait_indirect_dma semaphore(%run_scoped3A : memref<!tpu.dma_semaphore, #tpu.memory_space<semaphore_mem>>) src(%arg8 : memref<128x128xf32, #tpu.memory_space<vmem>>) dst(%dma_wait3A_81 : memref<10112x128xf32, #tpu.memory_space<vmem_shared>>)
            tpu.yield
          }) : () -> ()
          %dma_wait3A_58 = arith.constant 0 : i32
          %dma_wait3A_59 = tpu.memref_slice %arg6[%add3A_42, %dma_wait3A_58] : memref<8x128xi32, #tpu.memory_space<vmem>> -> memref<1x128xi32, #tpu.memory_space<vmem>>
          %dma_wait3A_60 = tpu.memref_squeeze %dma_wait3A_59 : memref<1x128xi32, #tpu.memory_space<vmem>> -> memref<128xi32, #tpu.memory_space<vmem>>
          %dma_wait3A_61 = arith.constant 0 : i32
          %dma_wait3A_62 = arith.constant 0 : i32
          %dma_wait3A_63 = tpu.memref_slice %arg2[%dma_wait3A_61, %dma_wait3A_62] : memref<10000x128xf32, #tpu.memory_space<hbm>> -> memref<10000x128xf32, #tpu.memory_space<hbm>>
          tpu.wait_indirect_dma semaphore(%arg12 : memref<!tpu.dma_semaphore, #tpu.memory_space<semaphore_mem>>) src(%dma_wait3A_63 : memref<10000x128xf32, #tpu.memory_space<hbm>>) dst(%arg9 : memref<128x128xf32, #tpu.memory_space<vmem>>)
          %dma_start3A_64 = arith.constant 0 : i32
          %dma_start3A_65 = tpu.memref_slice %arg6[%min3A_45, %dma_start3A_64] : memref<8x128xi32, #tpu.memory_space<vmem>> -> memref<1x128xi32, #tpu.memory_space<vmem>>
          %dma_start3A_66 = tpu.memref_squeeze %dma_start3A_65 : memref<1x128xi32, #tpu.memory_space<vmem>> -> memref<128xi32, #tpu.memory_space<vmem>>
          %dma_start3A_67 = arith.constant 0 : i32
          %dma_start3A_68 = arith.constant 0 : i32
          %dma_start3A_69 = tpu.memref_slice %arg2[%dma_start3A_67, %dma_start3A_68] : memref<10000x128xf32, #tpu.memory_space<hbm>> -> memref<10000x128xf32, #tpu.memory_space<hbm>>
          tpu.enqueue_indirect_dma source(%dma_start3A_69 : memref<10000x128xf32, #tpu.memory_space<hbm>>) target(%arg8 : memref<128x128xf32, #tpu.memory_space<vmem>>) offsets(%dma_start3A_66 : memref<128xi32, #tpu.memory_space<vmem>>) semaphore(%arg11 : memref<!tpu.dma_semaphore, #tpu.memory_space<semaphore_mem>>)
          "tpu.region"() ({
            %run_scoped3A = tpu.sem_alloc : memref<!tpu.dma_semaphore, #tpu.memory_space<semaphore_mem>>
            %dma_start3A_70 = arith.constant 0 : i32
            %dma_start3A_71 = tpu.memref_slice %arg7[%add3A_42, %dma_start3A_70] : memref<8x128xi32, #tpu.memory_space<vmem>> -> memref<1x128xi32, #tpu.memory_space<vmem>>
            %dma_start3A_72 = tpu.memref_squeeze %dma_start3A_71 : memref<1x128xi32, #tpu.memory_space<vmem>> -> memref<128xi32, #tpu.memory_space<vmem>>
            %dma_start3A_73 = arith.constant 0 : i32
            %dma_start3A_74 = arith.constant 0 : i32
            %dma_start3A_75 = tpu.memref_slice %arg10[%dma_start3A_73, %dma_start3A_74] : memref<10112x128xf32, #tpu.memory_space<vmem_shared>> -> memref<10112x128xf32, #tpu.memory_space<vmem_shared>>
            tpu.enqueue_indirect_dma source(%arg9 : memref<128x128xf32, #tpu.memory_space<vmem>>) target(%dma_start3A_75 : memref<10112x128xf32, #tpu.memory_space<vmem_shared>>) offsets(%dma_start3A_72 : memref<128xi32, #tpu.memory_space<vmem>>) semaphore(%run_scoped3A : memref<!tpu.dma_semaphore, #tpu.memory_space<semaphore_mem>>) {add = true}
            %dma_wait3A_76 = arith.constant 0 : i32
            %dma_wait3A_77 = tpu.memref_slice %arg7[%add3A_42, %dma_wait3A_76] : memref<8x128xi32, #tpu.memory_space<vmem>> -> memref<1x128xi32, #tpu.memory_space<vmem>>
            %dma_wait3A_78 = tpu.memref_squeeze %dma_wait3A_77 : memref<1x128xi32, #tpu.memory_space<vmem>> -> memref<128xi32, #tpu.memory_space<vmem>>
            %dma_wait3A_79 = arith.constant 0 : i32
            %dma_wait3A_80 = arith.constant 0 : i32
            %dma_wait3A_81 = tpu.memref_slice %arg10[%dma_wait3A_79, %dma_wait3A_80] : memref<10112x128xf32, #tpu.memory_space<vmem_shared>> -> memref<10112x128xf32, #tpu.memory_space<vmem_shared>>
            tpu.wait_indirect_dma semaphore(%run_scoped3A : memref<!tpu.dma_semaphore, #tpu.memory_space<semaphore_mem>>) src(%arg9 : memref<128x128xf32, #tpu.memory_space<vmem>>) dst(%dma_wait3A_81 : memref<10112x128xf32, #tpu.memory_space<vmem_shared>>)
            tpu.yield
          }) : () -> ()
        }
        %scan3A_31 = arith.constant 4 : i32
        %dma_wait3A = arith.constant 7 : i32
        %dma_wait3A_32 = arith.constant 0 : i32
        %dma_wait3A_33 = tpu.memref_slice %arg6[%dma_wait3A, %dma_wait3A_32] : memref<8x128xi32, #tpu.memory_space<vmem>> -> memref<1x128xi32, #tpu.memory_space<vmem>>
        %dma_wait3A_34 = tpu.memref_squeeze %dma_wait3A_33 : memref<1x128xi32, #tpu.memory_space<vmem>> -> memref<128xi32, #tpu.memory_space<vmem>>
        %dma_wait3A_35 = arith.constant 0 : i32
        %dma_wait3A_36 = arith.constant 0 : i32
        %dma_wait3A_37 = tpu.memref_slice %arg2[%dma_wait3A_35, %dma_wait3A_36] : memref<10000x128xf32, #tpu.memory_space<hbm>> -> memref<10000x128xf32, #tpu.memory_space<hbm>>
        tpu.wait_indirect_dma semaphore(%arg11 : memref<!tpu.dma_semaphore, #tpu.memory_space<semaphore_mem>>) src(%dma_wait3A_37 : memref<10000x128xf32, #tpu.memory_space<hbm>>) dst(%arg8 : memref<128x128xf32, #tpu.memory_space<vmem>>)
      }
      %scan3A_12 = arith.constant 20 : i32
      %barrier3A = arith.constant 0 : index
      tpu.barrier barrier_id(%barrier3A)
      %mul3A_13 = arith.constant 632 : i32
      %mul3A_14 = arith.muli %arg1, %mul3A_13 : i32
      %mul3A_15 = arith.constant 632 : i32
      %mul3A_16 = arith.muli %arg1, %mul3A_15 : i32
      "tpu.region"() ({
        %run_scoped3A = tpu.sem_alloc : memref<!tpu.dma_semaphore, #tpu.memory_space<semaphore_mem>>
        %dma_start3A = arith.constant 0 : i32
        %dma_start3A_17 = tpu.memref_slice %arg5[%mul3A_16, %dma_start3A] : memref<10112x128xf32, #tpu.memory_space<hbm>> -> memref<632x128xf32, #tpu.memory_space<hbm>>
        %dma_start3A_18 = arith.constant 0 : i32
        %dma_start3A_19 = tpu.memref_slice %arg10[%mul3A_14, %dma_start3A_18] : memref<10112x128xf32, #tpu.memory_space<vmem_shared>> -> memref<632x128xf32, #tpu.memory_space<vmem_shared>>
        tpu.enqueue_dma source(%dma_start3A_19 : memref<632x128xf32, #tpu.memory_space<vmem_shared>>) target(%dma_start3A_17 : memref<632x128xf32, #tpu.memory_space<hbm>>) target_semaphore(%run_scoped3A : memref<!tpu.dma_semaphore, #tpu.memory_space<semaphore_mem>>)
        %dma_wait3A = arith.constant 0 : i32
        %dma_wait3A_20 = tpu.memref_slice %arg5[%mul3A_16, %dma_wait3A] : memref<10112x128xf32, #tpu.memory_space<hbm>> -> memref<632x128xf32, #tpu.memory_space<hbm>>
        %dma_wait3A_21 = arith.constant 0 : i32
        %dma_wait3A_22 = tpu.memref_slice %arg10[%mul3A_14, %dma_wait3A_21] : memref<10112x128xf32, #tpu.memory_space<vmem_shared>> -> memref<632x128xf32, #tpu.memory_space<vmem_shared>>
        tpu.wait_dma2 semaphore(%run_scoped3A : memref<!tpu.dma_semaphore, #tpu.memory_space<semaphore_mem>>) src(%dma_wait3A_22 : memref<632x128xf32, #tpu.memory_space<vmem_shared>>) dst(%dma_wait3A_20 : memref<632x128xf32, #tpu.memory_space<hbm>>)
        tpu.yield
      }) : () -> ()
    } else {
    }
    return
  }
}

module attributes {stable_mosaic.version = 14 : i64} {
  func.func @_mlp_body(%arg0: i32, %arg1: memref<1000x128xf32, #tpu.memory_space<vmem>>, %arg2: memref<1000x128xf32, #tpu.memory_space<vmem>>, %arg3: memref<128x128xf32, #tpu.memory_space<vmem>>, %arg4: memref<1x128xf32, #tpu.memory_space<vmem>>, %arg5: memref<128x128xf32, #tpu.memory_space<vmem>>, %arg6: memref<1x128xf32, #tpu.memory_space<vmem>>, %arg7: memref<1000x128xf32, #tpu.memory_space<vmem>>) attributes {dimension_semantics = [#tpu.dimension_semantics<arbitrary>], iteration_bounds = array<i64: 10>, scalar_prefetch = 0 : i64, scratch_operands = 0 : i64, tpu.core_type = #tpu.core_type<tc>, window_params = [{transform_indices = @transform_0, window_bounds = array<i64: 1000, 128>}, {transform_indices = @transform_1, window_bounds = array<i64: 1000, 128>}, {pipeline_mode = #tpu.pipeline_mode<synchronous>, transform_indices = @transform_2, window_bounds = array<i64: 128, 128>}, {pipeline_mode = #tpu.pipeline_mode<synchronous>, transform_indices = @transform_3, window_bounds = array<i64: 1, 128>}, {pipeline_mode = #tpu.pipeline_mode<synchronous>, transform_indices = @transform_4, window_bounds = array<i64: 128, 128>}, {pipeline_mode = #tpu.pipeline_mode<synchronous>, transform_indices = @transform_5, window_bounds = array<i64: 1, 128>}, {transform_indices = @transform_6, window_bounds = array<i64: 1000, 128>}]} {
    %get3A = arith.constant 0 : index
    %get3A_0 = arith.constant 0 : index
    %get3A_1 = vector.load %arg1[%get3A, %get3A_0] : memref<1000x128xf32, #tpu.memory_space<vmem>>, vector<1000x128xf32>
    %get3A_2 = arith.constant 0 : index
    %get3A_3 = arith.constant 0 : index
    %get3A_4 = vector.load %arg2[%get3A_2, %get3A_3] : memref<1000x128xf32, #tpu.memory_space<vmem>>, vector<1000x128xf32>
    %add3A = arith.addf %get3A_1, %get3A_4 : vector<1000x128xf32>
    %get3A_5 = arith.constant 0 : index
    %get3A_6 = arith.constant 0 : index
    %get3A_7 = vector.load %arg3[%get3A_5, %get3A_6] : memref<128x128xf32, #tpu.memory_space<vmem>>, vector<128x128xf32>
    %dot_general3A = arith.constant dense<0.000000e+00> : vector<1000x128xf32>
    %dot_general3A_8 = tpu.matmul %add3A, %get3A_7, %dot_general3A {dimension_numbers = #tpu.dot_dimension_numbers<[1], [0], [0], [1], [0, 0, 1, 1], [], []>, transpose_lhs_hint = false} : vector<1000x128xf32>, vector<128x128xf32>, vector<1000x128xf32> -> vector<1000x128xf32>
    %get3A_9 = arith.constant 0 : index
    %get3A_10 = arith.constant 0 : index
    %get3A_11 = vector.load %arg4[%get3A_9, %get3A_10] : memref<1x128xf32, #tpu.memory_space<vmem>>, vector<1x128xf32>
    %add3A_12 = vector.broadcast %get3A_11 : vector<1x128xf32> to vector<1000x128xf32>
    %add3A_13 = arith.addf %dot_general3A_8, %add3A_12 : vector<1000x128xf32>
    %max3A = arith.constant 0.000000e+00 : f32
    %max3A_14 = vector.broadcast %max3A : f32 to vector<1000x128xf32>
    %max3A_15 = arith.maximumf %add3A_13, %max3A_14 : vector<1000x128xf32>
    %get3A_16 = arith.constant 0 : index
    %get3A_17 = arith.constant 0 : index
    %get3A_18 = vector.load %arg5[%get3A_16, %get3A_17] : memref<128x128xf32, #tpu.memory_space<vmem>>, vector<128x128xf32>
    %dot_general3A_19 = arith.constant dense<0.000000e+00> : vector<1000x128xf32>
    %dot_general3A_20 = tpu.matmul %max3A_15, %get3A_18, %dot_general3A_19 {dimension_numbers = #tpu.dot_dimension_numbers<[1], [0], [0], [1], [0, 0, 1, 1], [], []>, transpose_lhs_hint = false} : vector<1000x128xf32>, vector<128x128xf32>, vector<1000x128xf32> -> vector<1000x128xf32>
    %get3A_21 = arith.constant 0 : index
    %get3A_22 = arith.constant 0 : index
    %get3A_23 = vector.load %arg6[%get3A_21, %get3A_22] : memref<1x128xf32, #tpu.memory_space<vmem>>, vector<1x128xf32>
    %add3A_24 = vector.broadcast %get3A_23 : vector<1x128xf32> to vector<1000x128xf32>
    %add3A_25 = arith.addf %dot_general3A_20, %add3A_24 : vector<1000x128xf32>
    %max3A_26 = arith.constant 0.000000e+00 : f32
    %max3A_27 = vector.broadcast %max3A_26 : f32 to vector<1000x128xf32>
    %max3A_28 = arith.maximumf %add3A_25, %max3A_27 : vector<1000x128xf32>
    %swap3A = arith.constant 0 : index
    %swap3A_29 = arith.constant 0 : index
    %swap3A_30 = vector.load %arg7[%swap3A, %swap3A_29] : memref<1000x128xf32, #tpu.memory_space<vmem>>, vector<1000x128xf32>
    tpu.vector_store %arg7[%swap3A, %swap3A_29], %max3A_28 {strides = array<i32>} : memref<1000x128xf32, #tpu.memory_space<vmem>>, vector<1000x128xf32>,
    return
  }
  func.func @transform_0(%arg0: i32) -> (i32, i32) {
    %c0_i32 = arith.constant 0 : i32
    %c0_i32_0 = arith.constant 0 : i32
    return %arg0, %c0_i32 : i32, i32
  }
  func.func @transform_1(%arg0: i32) -> (i32, i32) {
    %c0_i32 = arith.constant 0 : i32
    %c0_i32_0 = arith.constant 0 : i32
    return %arg0, %c0_i32 : i32, i32
  }
  func.func @transform_2(%arg0: i32) -> (i32, i32) {
    %c0_i32 = arith.constant 0 : i32
    %c0_i32_0 = arith.constant 0 : i32
    %c0_i32_1 = arith.constant 0 : i32
    return %c0_i32, %c0_i32_0 : i32, i32
  }
  func.func @transform_3(%arg0: i32) -> (i32, i32) {
    %c0_i32 = arith.constant 0 : i32
    %c0_i32_0 = arith.constant 0 : i32
    %c0_i32_1 = arith.constant 0 : i32
    return %c0_i32, %c0_i32_0 : i32, i32
  }
  func.func @transform_4(%arg0: i32) -> (i32, i32) {
    %c0_i32 = arith.constant 0 : i32
    %c0_i32_0 = arith.constant 0 : i32
    %c0_i32_1 = arith.constant 0 : i32
    return %c0_i32, %c0_i32_0 : i32, i32
  }
  func.func @transform_5(%arg0: i32) -> (i32, i32) {
    %c0_i32 = arith.constant 0 : i32
    %c0_i32_0 = arith.constant 0 : i32
    %c0_i32_1 = arith.constant 0 : i32
    return %c0_i32, %c0_i32_0 : i32, i32
  }
  func.func @transform_6(%arg0: i32) -> (i32, i32) {
    %c0_i32 = arith.constant 0 : i32
    %c0_i32_0 = arith.constant 0 : i32
    return %arg0, %c0_i32 : i32, i32
  }
}

module attributes {stable_mosaic.version = 14 : i64} {
  func.func @_final_body(%arg0: i32, %arg1: memref<1000x128xf32, #tpu.memory_space<vmem>>, %arg2: memref<1000x128xf32, #tpu.memory_space<vmem>>, %arg3: memref<128x128xf32, #tpu.memory_space<vmem>>, %arg4: memref<1x128xf32, #tpu.memory_space<vmem>>, %arg5: memref<128x128xf32, #tpu.memory_space<vmem>>, %arg6: memref<1x128xf32, #tpu.memory_space<vmem>>, %arg7: memref<1x1x1000xi32, #tpu.memory_space<vmem>>, %arg8: memref<64x128xf32, #tpu.memory_space<vmem>>, %arg9: memref<128x128xf32, #tpu.memory_space<vmem>>, %arg10: memref<1x128xf32, #tpu.memory_space<vmem>>, %arg11: memref<128x128xf32, #tpu.memory_space<vmem>>, %arg12: memref<1x128xf32, #tpu.memory_space<vmem>>, %arg13: memref<64x256xf32, #tpu.memory_space<vmem>>, %arg14: memref<64x128xf32, #tpu.memory_space<vmem>>, %arg15: memref<64x128xf32, #tpu.memory_space<vmem>>) attributes {dimension_semantics = [#tpu.dimension_semantics<arbitrary>], iteration_bounds = array<i64: 10>, scalar_prefetch = 0 : i64, scratch_operands = 2 : i64, tpu.core_type = #tpu.core_type<tc>, window_params = [{transform_indices = @transform_0, window_bounds = array<i64: 1000, 128>}, {transform_indices = @transform_1, window_bounds = array<i64: 1000, 128>}, {pipeline_mode = #tpu.pipeline_mode<synchronous>, transform_indices = @transform_2, window_bounds = array<i64: 128, 128>}, {pipeline_mode = #tpu.pipeline_mode<synchronous>, transform_indices = @transform_3, window_bounds = array<i64: 1, 128>}, {pipeline_mode = #tpu.pipeline_mode<synchronous>, transform_indices = @transform_4, window_bounds = array<i64: 128, 128>}, {pipeline_mode = #tpu.pipeline_mode<synchronous>, transform_indices = @transform_5, window_bounds = array<i64: 1, 128>}, {transform_indices = @transform_6, window_bounds = array<i64: 1, 1, 1000>}, {pipeline_mode = #tpu.pipeline_mode<synchronous>, transform_indices = @transform_7, window_bounds = array<i64: 64, 128>}, {pipeline_mode = #tpu.pipeline_mode<synchronous>, transform_indices = @transform_8, window_bounds = array<i64: 128, 128>}, {pipeline_mode = #tpu.pipeline_mode<synchronous>, transform_indices = @transform_9, window_bounds = array<i64: 1, 128>}, {pipeline_mode = #tpu.pipeline_mode<synchronous>, transform_indices = @transform_10, window_bounds = array<i64: 128, 128>}, {pipeline_mode = #tpu.pipeline_mode<synchronous>, transform_indices = @transform_11, window_bounds = array<i64: 1, 128>}, {pipeline_mode = #tpu.pipeline_mode<synchronous>, transform_indices = @transform_12, window_bounds = array<i64: 64, 256>}]} {
    %eq3A = arith.constant 0 : i32
    %eq3A_0 = arith.cmpi eq, %arg0, %eq3A : i32
    %convert_element_type3A = arith.extui %eq3A_0 : i1 to i32
    %cond3A = arith.constant 0 : i32
    %cond3A_1 = arith.cmpi ne, %convert_element_type3A, %cond3A : i32
    scf.if %cond3A_1 {
      %broadcast_in_dim3A_61 = arith.constant 0.000000e+00 : f32
      %broadcast_in_dim3A_62 = vector.broadcast %broadcast_in_dim3A_61 : f32 to vector<64x128xf32>
      %swap3A_63 = arith.constant 0 : index
      %swap3A_64 = arith.constant 0 : index
      %swap3A_65 = vector.load %arg14[%swap3A_63, %swap3A_64] : memref<64x128xf32, #tpu.memory_space<vmem>>, vector<64x128xf32>
      tpu.vector_store %arg14[%swap3A_63, %swap3A_64], %broadcast_in_dim3A_62 {strides = array<i32>} : memref<64x128xf32, #tpu.memory_space<vmem>>, vector<64x128xf32>,
      %broadcast_in_dim3A_66 = arith.constant 0.000000e+00 : f32
      %broadcast_in_dim3A_67 = vector.broadcast %broadcast_in_dim3A_66 : f32 to vector<64x128xf32>
      %swap3A_68 = arith.constant 0 : index
      %swap3A_69 = arith.constant 0 : index
      %swap3A_70 = vector.load %arg15[%swap3A_68, %swap3A_69] : memref<64x128xf32, #tpu.memory_space<vmem>>, vector<64x128xf32>
      tpu.vector_store %arg15[%swap3A_68, %swap3A_69], %broadcast_in_dim3A_67 {strides = array<i32>} : memref<64x128xf32, #tpu.memory_space<vmem>>, vector<64x128xf32>,
    } else {
    }
    %get3A = arith.constant 0 : index
    %get3A_2 = arith.constant 0 : index
    %get3A_3 = vector.load %arg1[%get3A, %get3A_2] : memref<1000x128xf32, #tpu.memory_space<vmem>>, vector<1000x128xf32>
    %get3A_4 = arith.constant 0 : index
    %get3A_5 = arith.constant 0 : index
    %get3A_6 = vector.load %arg2[%get3A_4, %get3A_5] : memref<1000x128xf32, #tpu.memory_space<vmem>>, vector<1000x128xf32>
    %add3A = arith.addf %get3A_3, %get3A_6 : vector<1000x128xf32>
    %get3A_7 = arith.constant 0 : index
    %get3A_8 = arith.constant 0 : index
    %get3A_9 = vector.load %arg3[%get3A_7, %get3A_8] : memref<128x128xf32, #tpu.memory_space<vmem>>, vector<128x128xf32>
    %dot_general3A = arith.constant dense<0.000000e+00> : vector<1000x128xf32>
    %dot_general3A_10 = tpu.matmul %add3A, %get3A_9, %dot_general3A {dimension_numbers = #tpu.dot_dimension_numbers<[1], [0], [0], [1], [0, 0, 1, 1], [], []>, transpose_lhs_hint = false} : vector<1000x128xf32>, vector<128x128xf32>, vector<1000x128xf32> -> vector<1000x128xf32>
    %get3A_11 = arith.constant 0 : index
    %get3A_12 = arith.constant 0 : index
    %get3A_13 = vector.load %arg4[%get3A_11, %get3A_12] : memref<1x128xf32, #tpu.memory_space<vmem>>, vector<1x128xf32>
    %add3A_14 = vector.broadcast %get3A_13 : vector<1x128xf32> to vector<1000x128xf32>
    %add3A_15 = arith.addf %dot_general3A_10, %add3A_14 : vector<1000x128xf32>
    %max3A = arith.constant 0.000000e+00 : f32
    %max3A_16 = vector.broadcast %max3A : f32 to vector<1000x128xf32>
    %max3A_17 = arith.maximumf %add3A_15, %max3A_16 : vector<1000x128xf32>
    %get3A_18 = arith.constant 0 : index
    %get3A_19 = arith.constant 0 : index
    %get3A_20 = vector.load %arg5[%get3A_18, %get3A_19] : memref<128x128xf32, #tpu.memory_space<vmem>>, vector<128x128xf32>
    %dot_general3A_21 = arith.constant dense<0.000000e+00> : vector<1000x128xf32>
    %dot_general3A_22 = tpu.matmul %max3A_17, %get3A_20, %dot_general3A_21 {dimension_numbers = #tpu.dot_dimension_numbers<[1], [0], [0], [1], [0, 0, 1, 1], [], []>, transpose_lhs_hint = false} : vector<1000x128xf32>, vector<128x128xf32>, vector<1000x128xf32> -> vector<1000x128xf32>
    %get3A_23 = arith.constant 0 : index
    %get3A_24 = arith.constant 0 : index
    %get3A_25 = vector.load %arg6[%get3A_23, %get3A_24] : memref<1x128xf32, #tpu.memory_space<vmem>>, vector<1x128xf32>
    %add3A_26 = vector.broadcast %get3A_25 : vector<1x128xf32> to vector<1000x128xf32>
    %add3A_27 = arith.addf %dot_general3A_22, %add3A_26 : vector<1000x128xf32>
    %get3A_28 = arith.constant 0 : index
    %get3A_29 = arith.constant 0 : index
    %get3A_30 = arith.constant 0 : index
    %get3A_31 = vector.load %arg7[%get3A_28, %get3A_29, %get3A_30] : memref<1x1x1000xi32, #tpu.memory_space<vmem>>, vector<1x1x1000xi32>
    %get3A_32 = vector.shape_cast %get3A_31 : vector<1x1x1000xi32> to vector<1x1000xi32>
    %iota3A = tpu.iota {dimensions = array<i32: 0>} : vector<64x1000xi32>
    %eq3A_33 = vector.broadcast %get3A_32 : vector<1x1000xi32> to vector<64x1000xi32>
    %eq3A_34 = arith.cmpi eq, %iota3A, %eq3A_33 : vector<64x1000xi32>
    %jit3A = arith.constant 1.000000e+00 : f32
    %jit3A_35 = arith.constant 0.000000e+00 : f32
    %broadcast_in_dim3A = vector.broadcast %jit3A : f32 to vector<64x1000xf32>
    %broadcast_in_dim3A_36 = vector.broadcast %jit3A_35 : f32 to vector<64x1000xf32>
    %select_n3A = arith.select %eq3A_34, %broadcast_in_dim3A, %broadcast_in_dim3A_36 : vector<64x1000xi1>, vector<64x1000xf32>
    %get3A_37 = arith.constant 0 : index
    %get3A_38 = arith.constant 0 : index
    %get3A_39 = vector.load %arg14[%get3A_37, %get3A_38] : memref<64x128xf32, #tpu.memory_space<vmem>>, vector<64x128xf32>
    %dot_general3A_40 = arith.constant dense<0.000000e+00> : vector<64x128xf32>
    %dot_general3A_41 = tpu.matmul %select_n3A, %add3A_27, %dot_general3A_40 {dimension_numbers = #tpu.dot_dimension_numbers<[1], [0], [0], [1], [0, 0, 1, 1], [], []>, transpose_lhs_hint = false} : vector<64x1000xf32>, vector<1000x128xf32>, vector<64x128xf32> -> vector<64x128xf32>
    %add3A_42 = arith.addf %get3A_39, %dot_general3A_41 : vector<64x128xf32>
    %swap3A = arith.constant 0 : index
    %swap3A_43 = arith.constant 0 : index
    %swap3A_44 = vector.load %arg14[%swap3A, %swap3A_43] : memref<64x128xf32, #tpu.memory_space<vmem>>, vector<64x128xf32>
    tpu.vector_store %arg14[%swap3A, %swap3A_43], %add3A_42 {strides = array<i32>} : memref<64x128xf32, #tpu.memory_space<vmem>>, vector<64x128xf32>,
    %get3A_45 = arith.constant 0 : index
    %get3A_46 = arith.constant 0 : index
    %get3A_47 = vector.load %arg15[%get3A_45, %get3A_46] : memref<64x128xf32, #tpu.memory_space<vmem>>, vector<64x128xf32>
    %reduce_sum3A = arith.constant dense<0.000000e+00> : vector<64xf32>
    %reduce_sum3A_48 = vector.multi_reduction <add>, %select_n3A, %reduce_sum3A [1] : vector<64x1000xf32> to vector<64xf32>
    %broadcast_in_dim3A_49 = vector.shape_cast %reduce_sum3A_48 : vector<64xf32> to vector<64x1xf32>
    %broadcast_in_dim3A_50 = vector.shape_cast %broadcast_in_dim3A_49 : vector<64x1xf32> to vector<64x1xf32>
    %broadcast_in_dim3A_51 = vector.broadcast %broadcast_in_dim3A_50 : vector<64x1xf32> to vector<64x128xf32>
    %add3A_52 = arith.addf %get3A_47, %broadcast_in_dim3A_51 : vector<64x128xf32>
    %swap3A_53 = arith.constant 0 : index
    %swap3A_54 = arith.constant 0 : index
    %swap3A_55 = vector.load %arg15[%swap3A_53, %swap3A_54] : memref<64x128xf32, #tpu.memory_space<vmem>>, vector<64x128xf32>
    tpu.vector_store %arg15[%swap3A_53, %swap3A_54], %add3A_52 {strides = array<i32>} : memref<64x128xf32, #tpu.memory_space<vmem>>, vector<64x128xf32>,
    %eq3A_56 = arith.constant 9 : i32
    %eq3A_57 = arith.cmpi eq, %arg0, %eq3A_56 : i32
    %convert_element_type3A_58 = arith.extui %eq3A_57 : i1 to i32
    %cond3A_59 = arith.constant 0 : i32
    %cond3A_60 = arith.cmpi ne, %convert_element_type3A_58, %cond3A_59 : i32
    scf.if %cond3A_60 {
      %get3A_61 = arith.constant 0 : index
      %get3A_62 = arith.constant 0 : index
      %get3A_63 = vector.load %arg14[%get3A_61, %get3A_62] : memref<64x128xf32, #tpu.memory_space<vmem>>, vector<64x128xf32>
      %get3A_64 = arith.constant 0 : index
      %get3A_65 = arith.constant 0 : index
      %get3A_66 = vector.load %arg15[%get3A_64, %get3A_65] : memref<64x128xf32, #tpu.memory_space<vmem>>, vector<64x128xf32>
      %max3A_67 = arith.constant 1.000000e+00 : f32
      %max3A_68 = vector.broadcast %max3A_67 : f32 to vector<64x128xf32>
      %max3A_69 = arith.maximumf %get3A_66, %max3A_68 : vector<64x128xf32>
      %div3A = arith.divf %get3A_63, %max3A_69 : vector<64x128xf32>
      %get3A_70 = arith.constant 0 : index
      %get3A_71 = arith.constant 0 : index
      %get3A_72 = vector.load %arg8[%get3A_70, %get3A_71] : memref<64x128xf32, #tpu.memory_space<vmem>>, vector<64x128xf32>
      %get3A_73 = arith.constant 0 : index
      %get3A_74 = arith.constant 0 : index
      %get3A_75 = vector.load %arg9[%get3A_73, %get3A_74] : memref<128x128xf32, #tpu.memory_space<vmem>>, vector<128x128xf32>
      %dot_general3A_76 = arith.constant dense<0.000000e+00> : vector<64x128xf32>
      %dot_general3A_77 = tpu.matmul %get3A_72, %get3A_75, %dot_general3A_76 {dimension_numbers = #tpu.dot_dimension_numbers<[1], [0], [0], [1], [0, 0, 1, 1], [], []>, transpose_lhs_hint = false} : vector<64x128xf32>, vector<128x128xf32>, vector<64x128xf32> -> vector<64x128xf32>
      %get3A_78 = arith.constant 0 : index
      %get3A_79 = arith.constant 0 : index
      %get3A_80 = vector.load %arg10[%get3A_78, %get3A_79] : memref<1x128xf32, #tpu.memory_space<vmem>>, vector<1x128xf32>
      %add3A_81 = vector.broadcast %get3A_80 : vector<1x128xf32> to vector<64x128xf32>
      %add3A_82 = arith.addf %dot_general3A_77, %add3A_81 : vector<64x128xf32>
      %max3A_83 = arith.constant 0.000000e+00 : f32
      %max3A_84 = vector.broadcast %max3A_83 : f32 to vector<64x128xf32>
      %max3A_85 = arith.maximumf %add3A_82, %max3A_84 : vector<64x128xf32>
      %get3A_86 = arith.constant 0 : index
      %get3A_87 = arith.constant 0 : index
      %get3A_88 = vector.load %arg11[%get3A_86, %get3A_87] : memref<128x128xf32, #tpu.memory_space<vmem>>, vector<128x128xf32>
      %dot_general3A_89 = arith.constant dense<0.000000e+00> : vector<64x128xf32>
      %dot_general3A_90 = tpu.matmul %max3A_85, %get3A_88, %dot_general3A_89 {dimension_numbers = #tpu.dot_dimension_numbers<[1], [0], [0], [1], [0, 0, 1, 1], [], []>, transpose_lhs_hint = false} : vector<64x128xf32>, vector<128x128xf32>, vector<64x128xf32> -> vector<64x128xf32>
      %get3A_91 = arith.constant 0 : index
      %get3A_92 = arith.constant 0 : index
      %get3A_93 = vector.load %arg12[%get3A_91, %get3A_92] : memref<1x128xf32, #tpu.memory_space<vmem>>, vector<1x128xf32>
      %add3A_94 = vector.broadcast %get3A_93 : vector<1x128xf32> to vector<64x128xf32>
      %add3A_95 = arith.addf %dot_general3A_90, %add3A_94 : vector<64x128xf32>
      %concatenate3A = tpu.concatenate %div3A, %add3A_95 in 1 : vector<64x128xf32>, vector<64x128xf32> -> vector<64x256xf32>
      %swap3A_96 = arith.constant 0 : index
      %swap3A_97 = arith.constant 0 : index
      %swap3A_98 = vector.load %arg13[%swap3A_96, %swap3A_97] : memref<64x256xf32, #tpu.memory_space<vmem>>, vector<64x256xf32>
      tpu.vector_store %arg13[%swap3A_96, %swap3A_97], %concatenate3A {strides = array<i32>} : memref<64x256xf32, #tpu.memory_space<vmem>>, vector<64x256xf32>,
    } else {
    }
    return
  }
  func.func @transform_0(%arg0: i32) -> (i32, i32) {
    %c0_i32 = arith.constant 0 : i32
    %c0_i32_0 = arith.constant 0 : i32
    return %arg0, %c0_i32 : i32, i32
  }
  func.func @transform_1(%arg0: i32) -> (i32, i32) {
    %c0_i32 = arith.constant 0 : i32
    %c0_i32_0 = arith.constant 0 : i32
    return %arg0, %c0_i32 : i32, i32
  }
  func.func @transform_2(%arg0: i32) -> (i32, i32) {
    %c0_i32 = arith.constant 0 : i32
    %c0_i32_0 = arith.constant 0 : i32
    %c0_i32_1 = arith.constant 0 : i32
    return %c0_i32, %c0_i32_0 : i32, i32
  }
  func.func @transform_3(%arg0: i32) -> (i32, i32) {
    %c0_i32 = arith.constant 0 : i32
    %c0_i32_0 = arith.constant 0 : i32
    %c0_i32_1 = arith.constant 0 : i32
    return %c0_i32, %c0_i32_0 : i32, i32
  }
  func.func @transform_4(%arg0: i32) -> (i32, i32) {
    %c0_i32 = arith.constant 0 : i32
    %c0_i32_0 = arith.constant 0 : i32
    %c0_i32_1 = arith.constant 0 : i32
    return %c0_i32, %c0_i32_0 : i32, i32
  }
  func.func @transform_5(%arg0: i32) -> (i32, i32) {
    %c0_i32 = arith.constant 0 : i32
    %c0_i32_0 = arith.constant 0 : i32
    %c0_i32_1 = arith.constant 0 : i32
    return %c0_i32, %c0_i32_0 : i32, i32
  }
  func.func @transform_6(%arg0: i32) -> (i32, i32, i32) {
    %c0_i32 = arith.constant 0 : i32
    %c0_i32_0 = arith.constant 0 : i32
    %c0_i32_1 = arith.constant 0 : i32
    return %arg0, %c0_i32, %c0_i32_0 : i32, i32, i32
  }
  func.func @transform_7(%arg0: i32) -> (i32, i32) {
    %c0_i32 = arith.constant 0 : i32
    %c0_i32_0 = arith.constant 0 : i32
    %c0_i32_1 = arith.constant 0 : i32
    return %c0_i32, %c0_i32_0 : i32, i32
  }
  func.func @transform_8(%arg0: i32) -> (i32, i32) {
    %c0_i32 = arith.constant 0 : i32
    %c0_i32_0 = arith.constant 0 : i32
    %c0_i32_1 = arith.constant 0 : i32
    return %c0_i32, %c0_i32_0 : i32, i32
  }
  func.func @transform_9(%arg0: i32) -> (i32, i32) {
    %c0_i32 = arith.constant 0 : i32
    %c0_i32_0 = arith.constant 0 : i32
    %c0_i32_1 = arith.constant 0 : i32
    return %c0_i32, %c0_i32_0 : i32, i32
  }
  func.func @transform_10(%arg0: i32) -> (i32, i32) {
    %c0_i32 = arith.constant 0 : i32
    %c0_i32_0 = arith.constant 0 : i32
    %c0_i32_1 = arith.constant 0 : i32
    return %c0_i32, %c0_i32_0 : i32, i32
  }
  func.func @transform_11(%arg0: i32) -> (i32, i32) {
    %c0_i32 = arith.constant 0 : i32
    %c0_i32_0 = arith.constant 0 : i32
    %c0_i32_1 = arith.constant 0 : i32
    return %c0_i32, %c0_i32_0 : i32, i32
  }
  func.func @transform_12(%arg0: i32) -> (i32, i32) {
    %c0_i32 = arith.constant 0 : i32
    %c0_i32_0 = arith.constant 0 : i32
    %c0_i32_1 = arith.constant 0 : i32
    return %c0_i32, %c0_i32_0 : i32, i32
  }
}

</mosaic_0001>

<sc_bundles>
// kernel: kernel.11.cloned.1.call-start
scs
__scs_entry_jumppad:
0x0: {  	(pc) =	sbr.rel $0x88, $3  }
0x1: {  	(tag) =	ssettag $0x0;
	lr =	simm.s32 $0x1  }
0x2: {  	[smem:$0x3F8D] =	sst lr;
	_ =	strace $0xD0000000  }
0x3: {  	_ = 	snop  }
0x4: {  	_ = 	snop  }
0x5: {  	_ = 	snop  }
0x6: {  	_ = 	snop  }
0x7: {  	_ = 	snop  }
__scs_overlays_trampoline_lowered:
0x8: {  	[smem:$0x3F9C] =	sst s0  }
0x9: {  	[smem:$0x3F9D] =	sst s1  }
0xa: {  	[smem:$0x3F9E] =	sst s2  }
0xb: {  	[smem:$0x3F9F] =	sst s3  }
0xc: {  	[smem:$0x3FA0] =	sst s4  }
0xd: {  	[smem:$0x3FA1] =	sst s5  }
0xe: {  	[smem:$0x3FA2] =	sst s6  }
0xf: {  	[smem:$0x3FA3] =	sst s7  }
0x10: {  	[smem:$0x3FA4] =	sst s8  }
0x11: {  	[smem:$0x3FA5] =	sst s9;
	s0 =	simm.s32 @!p0 $0x0  }
0x12: {  	s1 =	sld [smem:$0x3F8B];
	s0 =	simm.s32 @p0 $0x1  }
0x13: {  	[smem:$0x3FA6] =	sst s0;
	s0 =	simm.s32 @!p1 $0x0  }
0x14: {  	s2 =	sld [smem:$0x3F8A];
	s0 =	simm.s32 @p1 $0x1  }
0x15: {  	[smem:$0x3FA7] =	sst s0;
	s0 =	simm.s32 @!p2 $0x0  }
0x16: {  	s3 =	sld [smem:$0x3FDB];
	s0 =	simm.s32 @p2 $0x1  }
0x17: {  	s4 =	simm.s32 $0x1BF5;
	[smem:$0x3FA9] =	sst s0  }
0x18: {  	s0 =	sld [smem:$0x3F8C];
	_ =	swait.ge [sflag:s4], $0x0  }
0x19: {  	s7 =	sld [smem:$0x3F8D]  }
0x1a: {  	s8 =	sadd.s32 $0xFFFFE003, lr  }
0x1b: {  	s9 =	sadd.s32 $0xFFFFFEF7, lr;
	s5 =	simm.s32 $0xFFFFFFFF;
	p2 =	slt.u32 s8, $0xFFFFF086  }
0x1c: {  	p1 =	slt.u32 s9, $0xF7A;
	s5 =	simm.s32 @!p2 $0x0  }
0x1d: {  	s5 =	simm.s32 @p1 $0x1;
	p0 =	seq.s32 s7, s2  }
0x1e: {  	s7 =	smul.u32 @!p0 $0xF7A, s2;
	p2 =	seq.s32 @!p0 s5, $0x0  }
0x1f: {  	s9 =	smul.u32 $0xF7A, s1;
	s8 =	simm.s32 @!p0 $0x1BF5;
	p2 =	por !p2, p0  }
0x20: {  	[sflag:s8] =	ssyncset.s32 @!p0 $0xFFFFF086;
	s6 =	sadd.s32 @!p0 s3, s7;
	s7 =	simm.s32 @!p0 $0x108  }
0x21: {  	s3 =	sadd.s32 s3, s9;
	s6 =	sadd.s32 @!p0 $0x88, s6;
	s7 =	simm.s32 @p2 $0x1082  }
0x22: {  	[simem:s7], [sflag:s8] =	dma.local @!p0 [hbm:s6], $0xF7A  }
0x23: {  	s9 =	sor.u32 $0xD0000000, s2;
	s6 =	simm.s32 $0x108;
	_ =	swait.ge @!p0 [sflag:s8], $0x0  }
0x24: {  	s3 =	sadd.s32 $0x88, s3;
	s6 =	simm.s32 @!p1 $0x1082;
	[sflag:s4] =	ssyncset.s32 $0xFFFFF086  }
0x25: {  	[simem:s6], [sflag:s4] =	dma.local [hbm:s3], $0xF7A  }
0x26: {  	[smem:$0x3F8D] =	sst s1;
	(tag) =	ssettag s2;
	_ =	strace s9  }
0x27: {  	s1 =	sld [smem:$0x3F9D]  }
0x28: {  	s2 =	sld [smem:$0x3F9E]  }
0x29: {  	s4 =	sld [smem:$0x3FA0]  }
0x2a: {  	p0 =	seq.s32 s5, $0x0;
	s5 =	sld [smem:$0x3FA1]  }
0x2b: {  	s6 =	sld [smem:$0x3FA2]  }
0x2c: {  	s7 =	sld [smem:$0x3FA3]  }
0x2d: {  	s3 =	simm.s32 $0x108;
	s8 =	sld [smem:$0x3FA4]  }
0x2e: {  	s3 =	simm.s32 @!p0 $0x1082;
	s9 =	sld [smem:$0x3FA5]  }
0x2f: {  	lr =	sadd.s32 s0, s3;
	s0 =	sld [smem:$0x3F9C]  }
0x30: {  	s3 =	sld [smem:$0x3F9F]  }
0x31: {  	[smem:$0x3FA8] =	sst s10  }
0x32: {  	s10 =	sld [smem:$0x3FA6];
	_ =	sdelay $0x3  }
0x33: {  	p0 =	seq.s32 s10, $0x1;
	s10 =	sld [smem:$0x3FA8];
	_ =	sdelay $0x3  }
0x34: {  	[smem:$0x3FA8] =	sst s10  }
0x35: {  	s10 =	sld [smem:$0x3FA7];
	_ =	sdelay $0x3  }
0x36: {  	p1 =	seq.s32 s10, $0x1;
	s10 =	sld [smem:$0x3FA8];
	_ =	sdelay $0x3  }
0x37: {  	[smem:$0x3FA8] =	sst s10  }
0x38: {  	s10 =	sld [smem:$0x3FA9]  }
0x39: {  	_ = 	snop;
	(pc) =	sbr.ind lr, $3  }
0x3a: {  	_ = 	snop  }
0x3b: {  	_ = 	snop  }
0x3c: {  	p2 =	seq.s32 s10, $0x1;
	s10 =	sld [smem:$0x3FA8]  }
0x3d: {  	_ =	shalt  }
0x3e: {  	_ =	shalt  }
0x3f: {  	_ =	shalt  }
0x40: {  	_ =	shalt  }
0x41: {  	_ =	shalt  }
0x42: {  	_ =	shalt  }
0x43: {  	_ =	shalt  }
0x44: {  	_ =	shalt  }
0x45: {  	_ =	shalt  }
0x46: {  	_ =	shalt  }
0x47: {  	_ =	shalt  }
0x48: {  	_ =	shalt  }
0x49: {  	_ =	shalt  }
0x4a: {  	_ =	shalt  }
0x4b: {  	_ =	shalt  }
0x4c: {  	_ =	shalt  }
0x4d: {  	_ =	shalt  }
0x4e: {  	_ =	shalt  }
0x4f: {  	_ =	shalt  }
0x50: {  	_ =	shalt  }
0x51: {  	_ =	shalt  }
0x52: {  	_ =	shalt  }
0x53: {  	_ =	shalt  }
0x54: {  	_ =	shalt  }
0x55: {  	_ =	shalt  }
0x56: {  	_ =	shalt  }
0x57: {  	_ =	shalt  }
0x58: {  	_ =	shalt  }
0x59: {  	_ =	shalt  }
0x5a: {  	_ =	shalt  }
0x5b: {  	_ =	shalt  }
0x5c: {  	_ =	shalt  }
0x5d: {  	_ =	shalt  }
0x5e: {  	_ =	shalt  }
0x5f: {  	_ =	shalt  }
0x60: {  	_ =	shalt  }
0x61: {  	_ =	shalt  }
0x62: {  	_ =	shalt  }
0x63: {  	_ =	shalt  }
0x64: {  	_ =	shalt  }
0x65: {  	_ =	shalt  }
0x66: {  	_ =	shalt  }
0x67: {  	_ =	shalt  }
0x68: {  	_ =	shalt  }
0x69: {  	_ =	shalt  }
0x6a: {  	_ =	shalt  }
0x6b: {  	_ =	shalt  }
0x6c: {  	_ =	shalt  }
0x6d: {  	_ =	shalt  }
0x6e: {  	_ =	shalt  }
0x6f: {  	_ =	shalt  }
0x70: {  	_ =	shalt  }
0x71: {  	_ =	shalt  }
0x72: {  	_ =	shalt  }
0x73: {  	_ =	shalt  }
0x74: {  	_ =	shalt  }
0x75: {  	_ =	shalt  }
0x76: {  	_ =	shalt  }
0x77: {  	_ =	shalt  }
0x78: {  	_ =	shalt  }
0x79: {  	_ =	shalt  }
0x7a: {  	_ =	shalt  }
0x7b: {  	_ =	shalt  }
0x7c: {  	_ =	shalt  }
0x7d: {  	_ =	shalt  }
0x7e: {  	_ =	shalt  }
0x7f: {  	_ =	shalt  }
0x80: {  	_ =	shalt  }
0x81: {  	_ =	shalt  }
0x82: {  	_ =	shalt  }
0x83: {  	_ =	shalt  }
0x84: {  	_ =	shalt  }
0x85: {  	_ =	shalt  }
0x86: {  	_ =	shalt  }
0x87: {  	_ =	shalt  }
.Lfunc_end0:
.L_simem_size_0:
called_computation.1_lowered:
.L_overlay_start_0:
0x88: {  	s2 =	sld [smem:$0x3FD9]  }
0x89: {  	s3 =	sld [smem:$0x3FFE];
	_ =	sdelay $0x1  }
0x8a: {  	s1 =	srdreg.scid  }
0x8b: {  	s0 =	sand.u32 $0x1, s1  }
0x8c: {  	s16 =	sshll.u32 s0, $0xA;
	s2 =	sadd.s32 s3, s2  }
0x8d: {  	s2 =	sadd.s32 s2, s16  }
0x8e: {  	[smem:$0x3FB4] =	sst s2  }
0x8f: {  	_ = 	snop  }
0x90: {  	(tm) =	ssettm $0x1  }
0x91: {  	s17 =	sld [smem:$0x3FFB];
	_ =	sdelay $0x3  }
0x92: {  	_ =	strace s17  }
0x93: {  	s2 =	sld [smem:$0x3FFC];
	_ =	sdelay $0x3  }
0x94: {  	_ =	strace s2  }
0x95: {  	s2 =	sld [smem:$0x3FFD];
	_ =	sdelay $0x3  }
0x96: {  	_ =	strace s2  }
0x97: {  	_ =	strace $0x8FFFFFFF  }
0x98: {  	s18 =	sld [smem:$0x3FDB];
	_ =	sdelay $0x1  }
0x99: {  	s19 =	simm.s32 $_scs_section_size  }
0x9a: {  	s4 =	simm.s32 $_size__tile_overlayer_lowered;
	s5 =	simm.s32 $_tile_overlayer_lowered  }
0x9b: {  	s22 =	simm.s32 $0x1BFF;
	s21 =	sshll.u32 s5, $0x1;
	s2 =	sadd.s32 s19, s18  }
0x9c: {  	s6 =	simm.s32 $0x0;
	s20 =	sshll.u32 s4, $0x1;
	s4 =	sadd.s32 s21, s2  }
0x9d: {  	[timem:s6], [sflag:s22] =	dma.local [hbm:s4], s20  }
0x9e: {  	_ =	swait.ge [sflag:s22], s20  }
0x9f: {  	s3 =	ssub.s32 $0x0, s20;
	[sflag:s22] =	ssyncset.done $0x0  }
0xa0: {  	[sflag:s22] =	ssyncadd.s32 s3;
	_ =	sdelay $0x1  }
0xa1: {  	s23 =	simm.s32 $0x1B8B  }
0xa2: {  	_ =	swait.ge [sflag:s23], $0x1  }
0xa3: {  	[sflag:s23] =	ssyncset.done $0x0  }
0xa4: {  	s25 =	simm.s32 $0x1B8E;
	s24 =	sld [smem:$0x3FFE];
	[sflag:s23] =	ssyncadd.s32 $0xFFFFFFFF  }
0xa5: {  	s26 =	simm.s32 $execute0_lowered;
	[smem:$0x3FD2] =	sst s25  }
0xa6: {  	s4 =	sshll.u32 s26, $0x1;
	_ =	strace $0x80000049;
	[dreg:$0x1] =	wrdreg $0xFFFFFFFF  }
0xa7: {  	s28 =	simm.s32 $_size_execute0_lowered;
	s2 =	sadd.s32 s2, s4;
	[dreg:$0x0] =	wrdreg $0x0  }
0xa8: {  	s4 =	sshll.u32 s28, $0x1;
	[dreg:$0x2] =	wrdreg s2  }
0xa9: {  	[dreg:$0x3] =	wrdreg s4  }
0xaa: {  	[dreg:$0x4] =	wrdreg $0xC0  }
0xab: {  	_ =	task [dreg:s6], $0x5FFFF  }
0xac: {  	[dreg:$0x1] =	wrdreg $0xFFFFFFFF  }
0xad: {  	[dreg:$0x0] =	wrdreg $0x60  }
0xae: {  	[dreg:$0x2] =	wrdreg s24  }
0xaf: {  	[dreg:$0x3] =	wrdreg $0x88000  }
0xb0: {  	[dreg:$0x4] =	wrdreg $0x9  }
0xb1: {  	_ =	task.clear_ibuf [dreg:s6], $0x5FFFF;
	_ =	strace $0x90000049  }
0xb2: {  	s29 =	simm.s32 $0x9;
	_ =	strace $0x8000004B  }
0xb3: {  	_ =	swait.ge [sflag:s29], $0x1  }
0xb4: {  	[sflag:s29] =	ssyncadd.s32 $0xFFFFFFFF  }
0xb5: {  	_ =	strace $0x9000004B  }
0xb6: {  	_ =	sfence  }
0xb7: {  	s30 =	sld [smem:$0x0];
	_ =	sdelay $0x2  }
0xb8: {  	s31 =	sshll.u32 s1, $0xD;
	s1 =	sshrl.u32 s1, $0x2  }
0xb9: {  	s3 =	sand.u32 $0x4000, s31;
	s1 =	sadd.s32 s1, s30  }
0xba: {  	s0 =	sor.u32 s3, s0;
	s1 =	sshll.u32 s1, $0x11  }
0xbb: {  	s0 =	sor.u32 s1, s0  }
0xbc: {  	s0 =	sadd.s32 $0x8F2B, s0  }
0xbd: {  	[sflag:s0] =	ssyncadd.remote.s32 $0x1  }
0xbe: {  	_ =	sfence.sel $0xFFFF  }
0xbf: {  	[dreg:$0x0] =	wrdreg $0xFFFFFFFF;
	(pc) =	sbr.abs _section_cstart, $3  }
0xc0: {  	[dreg:$0x1] =	wrdreg $0xFFFFFFFF  }
0xc1: {  	_ =	task.clear_ibuf [dreg:s6], $0x2FFFF;
	_ =	strace $0x9FFFFFFF  }
0xc2: {  	(tm) =	ssettm $0x7FFFFFFF  }
0xc3: {  	_ =	shalt  }
tec
execute0_lowered:
.L_overlay_start_1:
0x0: {  	(tag) =	ssettag $0x1  }
0x1: {  	s0 =	srdreg.scid  }
0x2: {  	s0 =	sand.u32 $0x1, s0  }
0x3: {  	p0 =	seq.s32 s0, $0x1  }
.Ltmp0:
0x4: {  	_ = 	snop;
	(pc) =	sbr.rel @p0 .LBB2_6-.Ltmp0, $4  }
0x5: {  	s4 =	rddreg [dreg:$0x0]  }
0x6: {  	s2 =	rddreg [dreg:$0x1];
	s1 =	simm.s32 $0x0  }
0x7: {  	[smem:$0x7FF] =	sst s1  }
0x8: {  	s3 =	rddreg [dreg:$0x2];
	s14 =	stileid.u32;
	_ =	strace $0x8000004A  }
0x9: {  	s0 =	smul.u32 $0x4F000, s14  }
0xa: {  	s6 =	smul.u32 $0x2780, s14;
	s5 =	sadd.s32 $0x18000, s4;
	s9 =	sadd.s32 $0xE000, s4  }
0xb: {  	s8 =	sadd.s32 $0x4000, s4;
	s7 =	simm.s32 $0x200;
	s0 =	sshrl.u32 s0, $0x2  }
0xc: {  	s31 =	sadd.s32 s6, s4;
	s6 =	simm.s32 $0x0;
	s3 =	sadd.s32 s0, s2  }
0xd: {  	s0 =	sadd.s32 $0x3F200, s31;
	s13 =	sadd.s32 $0x4000, s3;
	s12 =	sadd.s32 $0x8000, s3  }
0xe: {  	v0 =	vimm.f32 $0.0e+00;
	s11 =	sadd.s32 $0xC000, s3;
	s10 =	sadd.s32 $0x10000, s3;
	[dreg:$0x3] =	wrdreg s0  }
.LBB2_2:
0xf: {  	p0 =	sne.s32 s7, $0xFE00;
	[tilespmem:s6+$0x870] =	vst v0  }
0x10: {  	[tilespmem:s6+$0x800] =	vst v0  }
0x11: {  	[tilespmem:s6+$0x810] =	vst v0  }
.Ltmp1:
0x12: {  	[tilespmem:s6+$0x820] =	vst v0;
	(pc) =	sbr.rel @p0 .LBB2_2-.Ltmp1, $4  }
0x13: {  	[tilespmem:s6+$0x830] =	vst v0  }
0x14: {  	[tilespmem:s6+$0x840] =	vst v0  }
0x15: {  	[tilespmem:s6+$0x850] =	vst v0  }
0x16: {  	[tilespmem:s6+$0x860] =	vst v0;
	s6 =	sshra.s32 s7, $0x2;
	s7 =	sadd.s32 $0x200, s7  }
0x17: {  	[tilespmem:s6+$0x870] =	vst v0  }
0x18: {  	[tilespmem:s6+$0x800] =	vst v0  }
0x19: {  	[tilespmem:s6+$0x810] =	vst v0  }
0x1a: {  	[tilespmem:s6+$0x820] =	vst v0  }
0x1b: {  	[tilespmem:s6+$0x830] =	vst v0  }
0x1c: {  	[tilespmem:s6+$0x840] =	vst v0  }
0x1d: {  	[tilespmem:s6+$0x850] =	vst v0  }
0x1e: {  	[tilespmem:s6+$0x860] =	vst v0;
	s7 =	simm.s32 $0x800;
	s6 =	simm.s32 $0x3  }
0x1f: {  	[spmem:s3] =	stream.linear.scatter [tilespmem:s7], [sflag:$0x3], $0x4000, $0x38;
	[tilespmem:$0x1C400] =	vst v63  }
0x20: {  	_ =	swait.ge [sflag:s6], $0x4000  }
0x21: {  	[sflag:s6] =	ssyncset.done $0x0  }
0x22: {  	[sflag:s6] =	ssyncadd.s32 $0xFFFFC000  }
0x23: {  	[spmem:s13] =	stream.linear.scatter [tilespmem:s7], [sflag:$0x3], $0x4000, $0x38;
	[tilespmem:$0x1C400] =	vst v63  }
0x24: {  	_ =	swait.ge [sflag:s6], $0x4000  }
0x25: {  	[sflag:s6] =	ssyncset.done $0x0  }
0x26: {  	[sflag:s6] =	ssyncadd.s32 $0xFFFFC000  }
0x27: {  	[spmem:s12] =	stream.linear.scatter [tilespmem:s7], [sflag:$0x3], $0x4000, $0x38;
	[tilespmem:$0x1C400] =	vst v63  }
0x28: {  	_ =	swait.ge [sflag:s6], $0x4000  }
0x29: {  	[sflag:s6] =	ssyncset.done $0x0  }
0x2a: {  	[sflag:s6] =	ssyncadd.s32 $0xFFFFC000  }
0x2b: {  	[spmem:s11] =	stream.linear.scatter [tilespmem:s7], [sflag:$0x3], $0x4000, $0x38;
	[tilespmem:$0x1C400] =	vst v63  }
0x2c: {  	_ =	swait.ge [sflag:s6], $0x4000  }
0x2d: {  	[sflag:s6] =	ssyncset.done $0x0  }
0x2e: {  	[sflag:s6] =	ssyncadd.s32 $0xFFFFC000  }
0x2f: {  	[spmem:s10] =	stream.linear.scatter [tilespmem:s7], [sflag:$0x3], $0x3C00, $0x38;
	[tilespmem:$0x1C400] =	vst v63  }
0x30: {  	s0 =	smul.u32 $0xA00, s14;
	_ =	swait.ge [sflag:s6], $0x3C00  }
0x31: {  	[sflag:s6] =	ssyncset.done $0x0  }
0x32: {  	s14 =	sadd.s32 s0, s9;
	[sflag:s6] =	ssyncadd.s32 $0xFFFFC400  }
0x33: {  	s9 =	sadd.s32 $0x0, s14;
	s12 =	simm.s32 $0x0;
	[bflag:$0x0] =	sbarrier.arrive $0xFFFF  }
0x34: {  	[tilespmem:s12], [sflag:$0x3] =	stream.linear.gather [hbm4b:s9+s12], $0x400, $0x38;
	[tilespmem:$0x1C400] =	vst v63  }
0x35: {  	_ =	swait.ge [sflag:s6], $0x400  }
0x36: {  	s15 =	sadd.s32 s0, s8;
	[sflag:s6] =	ssyncset.done $0x0  }
0x37: {  	s0 =	sadd.s32 $0x0, s15;
	s13 =	simm.s32 $0x400;
	[sflag:s6] =	ssyncadd.s32 $0xFFFFFC00  }
0x38: {  	[tilespmem:s13], [sflag:$0x3] =	stream.linear.gather [hbm4b:s0+s12], $0x400, $0x38;
	[tilespmem:$0x1C400] =	vst v63  }
0x39: {  	_ =	swait.ge [sflag:s6], $0x400  }
0x3a: {  	[sflag:s6] =	ssyncset.done $0x0  }
0x3b: {  	s8 =	simm.s32 $0x1;
	s9 =	simm.s32 $0x80;
	[sflag:s6] =	ssyncadd.s32 $0xFFFFFC00  }
0x3c: {  	[tilespmem:s7], [sflag:$0x1] =	stream.indirect.gather [hbm4b:s5+s9], $0x80, s12, s9, $0xb8;
	[tilespmem:$0x1C400] =	vst v63  }
0x3d: {  	_ =	swait.ge [sflag:s8], $0x4000  }
0x3e: {  	[sflag:s8] =	ssyncset.done $0x0  }
0x3f: {  	s10 =	simm.s32 $0x4800;
	[sflag:s8] =	ssyncadd.s32 $0xFFFFC000  }
0x40: {  	[tilespmem:s10], [sflag:$0x2] =	stream.indirect.gather [hbm4b:s5+s9], $0x80, s9, s9, $0xb8;
	[tilespmem:$0x1C400] =	vst v63  }
0x41: {  	_ = 	snop  }
0x42: {  	[spmem:s2] =	stream.indirect.scatter.add.f32 [tilespmem:s7], [sflag:$0x3], $0x80, s13, s9, $0xb8;
	[tilespmem:$0x1C400] =	vst v63  }
0x43: {  	_ =	swait.ge [sflag:s6], $0x4000  }
0x44: {  	[sflag:s6] =	ssyncset.done $0x0  }
0x45: {  	s11 =	simm.s32 $0x2;
	[sflag:s6] =	ssyncadd.s32 $0xFFFFC000  }
0x46: {  	_ =	swait.ge [sflag:s11], $0x4000  }
0x47: {  	[sflag:s11] =	ssyncset.done $0x0  }
0x48: {  	s16 =	simm.s32 $0x100;
	[sflag:s11] =	ssyncadd.s32 $0xFFFFC000  }
0x49: {  	[tilespmem:s7], [sflag:$0x1] =	stream.indirect.gather [hbm4b:s5+s9], $0x80, s16, s9, $0xb8;
	[tilespmem:$0x1C400] =	vst v63  }
0x4a: {  	s17 =	simm.s32 $0x480  }
0x4b: {  	[spmem:s2] =	stream.indirect.scatter.add.f32 [tilespmem:s10], [sflag:$0x3], $0x80, s17, s9, $0xb8;
	[tilespmem:$0x1C400] =	vst v63  }
0x4c: {  	_ =	swait.ge [sflag:s6], $0x4000  }
0x4d: {  	[sflag:s6] =	ssyncset.done $0x0  }
0x4e: {  	[sflag:s6] =	ssyncadd.s32 $0xFFFFC000  }
0x4f: {  	_ =	swait.ge [sflag:s8], $0x4000  }
0x50: {  	[sflag:s8] =	ssyncset.done $0x0  }
0x51: {  	s18 =	simm.s32 $0x180;
	[sflag:s8] =	ssyncadd.s32 $0xFFFFC000  }
0x52: {  	[tilespmem:s10], [sflag:$0x2] =	stream.indirect.gather [hbm4b:s5+s9], $0x80, s18, s9, $0xb8;
	[tilespmem:$0x1C400] =	vst v63  }
0x53: {  	s20 =	simm.s32 $0x500  }
0x54: {  	[spmem:s2] =	stream.indirect.scatter.add.f32 [tilespmem:s7], [sflag:$0x3], $0x80, s20, s9, $0xb8;
	[tilespmem:$0x1C400] =	vst v63  }
0x55: {  	_ =	swait.ge [sflag:s6], $0x4000  }
0x56: {  	[sflag:s6] =	ssyncset.done $0x0  }
0x57: {  	[sflag:s6] =	ssyncadd.s32 $0xFFFFC000  }
0x58: {  	_ =	swait.ge [sflag:s11], $0x4000  }
0x59: {  	[sflag:s11] =	ssyncset.done $0x0  }
0x5a: {  	s21 =	simm.s32 $0x200;
	[sflag:s11] =	ssyncadd.s32 $0xFFFFC000  }
0x5b: {  	[tilespmem:s7], [sflag:$0x1] =	stream.indirect.gather [hbm4b:s5+s9], $0x80, s21, s9, $0xb8;
	[tilespmem:$0x1C400] =	vst v63  }
0x5c: {  	s22 =	simm.s32 $0x580  }
0x5d: {  	[spmem:s2] =	stream.indirect.scatter.add.f32 [tilespmem:s10], [sflag:$0x3], $0x80, s22, s9, $0xb8;
	[tilespmem:$0x1C400] =	vst v63  }
0x5e: {  	_ =	swait.ge [sflag:s6], $0x4000  }
0x5f: {  	[sflag:s6] =	ssyncset.done $0x0  }
0x60: {  	[sflag:s6] =	ssyncadd.s32 $0xFFFFC000  }
0x61: {  	_ =	swait.ge [sflag:s8], $0x4000  }
0x62: {  	[sflag:s8] =	ssyncset.done $0x0  }
0x63: {  	s23 =	simm.s32 $0x280;
	[sflag:s8] =	ssyncadd.s32 $0xFFFFC000  }
0x64: {  	[tilespmem:s10], [sflag:$0x2] =	stream.indirect.gather [hbm4b:s5+s9], $0x80, s23, s9, $0xb8;
	[tilespmem:$0x1C400] =	vst v63  }
0x65: {  	s24 =	simm.s32 $0x600  }
0x66: {  	[spmem:s2] =	stream.indirect.scatter.add.f32 [tilespmem:s7], [sflag:$0x3], $0x80, s24, s9, $0xb8;
	[tilespmem:$0x1C400] =	vst v63  }
0x67: {  	_ =	swait.ge [sflag:s6], $0x4000  }
0x68: {  	[sflag:s6] =	ssyncset.done $0x0  }
0x69: {  	[sflag:s6] =	ssyncadd.s32 $0xFFFFC000  }
0x6a: {  	_ =	swait.ge [sflag:s11], $0x4000  }
0x6b: {  	[sflag:s11] =	ssyncset.done $0x0  }
0x6c: {  	s25 =	simm.s32 $0x300;
	[sflag:s11] =	ssyncadd.s32 $0xFFFFC000  }
0x6d: {  	[tilespmem:s7], [sflag:$0x1] =	stream.indirect.gather [hbm4b:s5+s9], $0x80, s25, s9, $0xb8;
	[tilespmem:$0x1C400] =	vst v63  }
0x6e: {  	s26 =	simm.s32 $0x680  }
0x6f: {  	[spmem:s2] =	stream.indirect.scatter.add.f32 [tilespmem:s10], [sflag:$0x3], $0x80, s26, s9, $0xb8;
	[tilespmem:$0x1C400] =	vst v63  }
0x70: {  	_ =	swait.ge [sflag:s6], $0x4000  }
0x71: {  	[sflag:s6] =	ssyncset.done $0x0  }
0x72: {  	[sflag:s6] =	ssyncadd.s32 $0xFFFFC000  }
0x73: {  	_ =	swait.ge [sflag:s8], $0x4000  }
0x74: {  	[sflag:s8] =	ssyncset.done $0x0  }
0x75: {  	s19 =	simm.s32 $0x380;
	[sflag:s8] =	ssyncadd.s32 $0xFFFFC000  }
0x76: {  	[tilespmem:s10], [sflag:$0x2] =	stream.indirect.gather [hbm4b:s5+s9], $0x80, s19, s9, $0xb8;
	[tilespmem:$0x1C400] =	vst v63  }
0x77: {  	s28 =	simm.s32 $0x700  }
0x78: {  	[spmem:s2] =	stream.indirect.scatter.add.f32 [tilespmem:s7], [sflag:$0x3], $0x80, s28, s9, $0xb8;
	[tilespmem:$0x1C400] =	vst v63  }
0x79: {  	_ =	swait.ge [sflag:s6], $0x4000  }
0x7a: {  	[sflag:s6] =	ssyncset.done $0x0  }
0x7b: {  	[sflag:s6] =	ssyncadd.s32 $0xFFFFC000  }
0x7c: {  	_ =	swait.ge [sflag:s11], $0x4000  }
0x7d: {  	[sflag:s11] =	ssyncset.done $0x0  }
0x7e: {  	[sflag:s11] =	ssyncadd.s32 $0xFFFFC000  }
0x7f: {  	[tilespmem:s7], [sflag:$0x1] =	stream.indirect.gather [hbm4b:s5+s9], $0x80, s19, s9, $0xb8;
	[tilespmem:$0x1C400] =	vst v63  }
0x80: {  	s29 =	simm.s32 $0x780  }
0x81: {  	[spmem:s2] =	stream.indirect.scatter.add.f32 [tilespmem:s10], [sflag:$0x3], $0x80, s29, s9, $0xb8;
	[tilespmem:$0x1C400] =	vst v63  }
0x82: {  	_ =	swait.ge [sflag:s6], $0x4000  }
0x83: {  	[sflag:s6] =	ssyncset.done $0x0  }
0x84: {  	[sflag:s6] =	ssyncadd.s32 $0xFFFFC000  }
0x85: {  	_ =	swait.ge [sflag:s8], $0x4000  }
0x86: {  	s30 =	simm.s32 $0x80;
	s31 =	simm.s32 $0x100;
	[sflag:s8] =	ssyncset.done $0x0  }
.LBB2_4:
0x87: {  	s4 =	sadd.s32 s30, s14  }
0x88: {  	[sflag:s8] =	ssyncadd.s32 $0xFFFFC000;
	s1 =	smov.u32 s31;
	s0 =	sadd.s32 $0x80, s31  }
0x89: {  	[tilespmem:s12], [sflag:$0x3] =	stream.linear.gather [hbm4b:s4+s12], $0x400, $0x38;
	[tilespmem:$0x1C400] =	vst v63  }
0x8a: {  	p0 =	sne.s32 s31, $0x980;
	_ =	swait.ge [sflag:s6], $0x400  }
0x8b: {  	[sflag:s6] =	ssyncset.done $0x0  }
0x8c: {  	s4 =	sadd.s32 s30, s15;
	s30 =	smov.u32 s1;
	[sflag:s6] =	ssyncadd.s32 $0xFFFFFC00  }
0x8d: {  	[tilespmem:s13], [sflag:$0x3] =	stream.linear.gather [hbm4b:s4+s12], $0x400, $0x38;
	[tilespmem:$0x1C400] =	vst v63  }
0x8e: {  	_ =	swait.ge [sflag:s6], $0x400  }
0x8f: {  	[sflag:s6] =	ssyncset.done $0x0  }
0x90: {  	[sflag:s6] =	ssyncadd.s32 $0xFFFFFC00  }
0x91: {  	[tilespmem:s7], [sflag:$0x1] =	stream.indirect.gather [hbm4b:s5+s9], $0x80, s12, s9, $0xb8;
	[tilespmem:$0x1C400] =	vst v63  }
0x92: {  	_ =	swait.ge [sflag:s8], $0x4000  }
0x93: {  	[sflag:s8] =	ssyncset.done $0x0  }
0x94: {  	[sflag:s8] =	ssyncadd.s32 $0xFFFFC000  }
0x95: {  	[tilespmem:s10], [sflag:$0x2] =	stream.indirect.gather [hbm4b:s5+s9], $0x80, s9, s9, $0xb8;
	[tilespmem:$0x1C400] =	vst v63  }
0x96: {  	_ = 	snop  }
0x97: {  	[spmem:s2] =	stream.indirect.scatter.add.f32 [tilespmem:s7], [sflag:$0x3], $0x80, s13, s9, $0xb8;
	[tilespmem:$0x1C400] =	vst v63  }
0x98: {  	_ =	swait.ge [sflag:s6], $0x4000  }
0x99: {  	[sflag:s6] =	ssyncset.done $0x0  }
0x9a: {  	[sflag:s6] =	ssyncadd.s32 $0xFFFFC000  }
0x9b: {  	_ =	swait.ge [sflag:s11], $0x4000  }
0x9c: {  	[sflag:s11] =	ssyncset.done $0x0  }
0x9d: {  	[sflag:s11] =	ssyncadd.s32 $0xFFFFC000  }
0x9e: {  	[tilespmem:s7], [sflag:$0x1] =	stream.indirect.gather [hbm4b:s5+s9], $0x80, s16, s9, $0xb8;
	[tilespmem:$0x1C400] =	vst v63  }
0x9f: {  	_ = 	snop  }
0xa0: {  	[spmem:s2] =	stream.indirect.scatter.add.f32 [tilespmem:s10], [sflag:$0x3], $0x80, s17, s9, $0xb8;
	[tilespmem:$0x1C400] =	vst v63  }
0xa1: {  	_ =	swait.ge [sflag:s6], $0x4000  }
0xa2: {  	[sflag:s6] =	ssyncset.done $0x0  }
0xa3: {  	[sflag:s6] =	ssyncadd.s32 $0xFFFFC000  }
0xa4: {  	_ =	swait.ge [sflag:s8], $0x4000  }
0xa5: {  	[sflag:s8] =	ssyncset.done $0x0  }
0xa6: {  	[sflag:s8] =	ssyncadd.s32 $0xFFFFC000  }
0xa7: {  	[tilespmem:s10], [sflag:$0x2] =	stream.indirect.gather [hbm4b:s5+s9], $0x80, s18, s9, $0xb8;
	[tilespmem:$0x1C400] =	vst v63  }
0xa8: {  	_ = 	snop  }
0xa9: {  	[spmem:s2] =	stream.indirect.scatter.add.f32 [tilespmem:s7], [sflag:$0x3], $0x80, s20, s9, $0xb8;
	[tilespmem:$0x1C400] =	vst v63  }
0xaa: {  	_ =	swait.ge [sflag:s6], $0x4000  }
0xab: {  	[sflag:s6] =	ssyncset.done $0x0  }
0xac: {  	[sflag:s6] =	ssyncadd.s32 $0xFFFFC000  }
0xad: {  	_ =	swait.ge [sflag:s11], $0x4000  }
0xae: {  	[sflag:s11] =	ssyncset.done $0x0  }
0xaf: {  	[sflag:s11] =	ssyncadd.s32 $0xFFFFC000  }
0xb0: {  	[tilespmem:s7], [sflag:$0x1] =	stream.indirect.gather [hbm4b:s5+s9], $0x80, s21, s9, $0xb8;
	[tilespmem:$0x1C400] =	vst v63  }
0xb1: {  	_ = 	snop  }
0xb2: {  	[spmem:s2] =	stream.indirect.scatter.add.f32 [tilespmem:s10], [sflag:$0x3], $0x80, s22, s9, $0xb8;
	[tilespmem:$0x1C400] =	vst v63  }
0xb3: {  	_ =	swait.ge [sflag:s6], $0x4000  }
0xb4: {  	[sflag:s6] =	ssyncset.done $0x0  }
0xb5: {  	[sflag:s6] =	ssyncadd.s32 $0xFFFFC000  }
0xb6: {  	_ =	swait.ge [sflag:s8], $0x4000  }
0xb7: {  	[sflag:s8] =	ssyncset.done $0x0  }
0xb8: {  	[sflag:s8] =	ssyncadd.s32 $0xFFFFC000  }
0xb9: {  	[tilespmem:s10], [sflag:$0x2] =	stream.indirect.gather [hbm4b:s5+s9], $0x80, s23, s9, $0xb8;
	[tilespmem:$0x1C400] =	vst v63  }
0xba: {  	_ = 	snop  }
0xbb: {  	[spmem:s2] =	stream.indirect.scatter.add.f32 [tilespmem:s7], [sflag:$0x3], $0x80, s24, s9, $0xb8;
	[tilespmem:$0x1C400] =	vst v63  }
0xbc: {  	_ =	swait.ge [sflag:s6], $0x4000  }
0xbd: {  	[sflag:s6] =	ssyncset.done $0x0  }
0xbe: {  	[sflag:s6] =	ssyncadd.s32 $0xFFFFC000  }
0xbf: {  	_ =	swait.ge [sflag:s11], $0x4000  }
0xc0: {  	[sflag:s11] =	ssyncset.done $0x0  }
0xc1: {  	[sflag:s11] =	ssyncadd.s32 $0xFFFFC000  }
0xc2: {  	[tilespmem:s7], [sflag:$0x1] =	stream.indirect.gather [hbm4b:s5+s9], $0x80, s25, s9, $0xb8;
	[tilespmem:$0x1C400] =	vst v63  }
0xc3: {  	_ = 	snop  }
0xc4: {  	[spmem:s2] =	stream.indirect.scatter.add.f32 [tilespmem:s10], [sflag:$0x3], $0x80, s26, s9, $0xb8;
	[tilespmem:$0x1C400] =	vst v63  }
0xc5: {  	_ =	swait.ge [sflag:s6], $0x4000  }
0xc6: {  	[sflag:s6] =	ssyncset.done $0x0  }
0xc7: {  	[sflag:s6] =	ssyncadd.s32 $0xFFFFC000  }
0xc8: {  	_ =	swait.ge [sflag:s8], $0x4000  }
0xc9: {  	[sflag:s8] =	ssyncset.done $0x0  }
0xca: {  	[sflag:s8] =	ssyncadd.s32 $0xFFFFC000  }
0xcb: {  	[tilespmem:s10], [sflag:$0x2] =	stream.indirect.gather [hbm4b:s5+s9], $0x80, s19, s9, $0xb8;
	[tilespmem:$0x1C400] =	vst v63  }
0xcc: {  	_ = 	snop  }
0xcd: {  	[spmem:s2] =	stream.indirect.scatter.add.f32 [tilespmem:s7], [sflag:$0x3], $0x80, s28, s9, $0xb8;
	[tilespmem:$0x1C400] =	vst v63  }
0xce: {  	_ =	swait.ge [sflag:s6], $0x4000  }
0xcf: {  	[sflag:s6] =	ssyncset.done $0x0  }
0xd0: {  	[sflag:s6] =	ssyncadd.s32 $0xFFFFC000  }
0xd1: {  	_ =	swait.ge [sflag:s11], $0x4000  }
0xd2: {  	[sflag:s11] =	ssyncset.done $0x0  }
0xd3: {  	[sflag:s11] =	ssyncadd.s32 $0xFFFFC000  }
0xd4: {  	[tilespmem:s7], [sflag:$0x1] =	stream.indirect.gather [hbm4b:s5+s9], $0x80, s19, s9, $0xb8;
	[tilespmem:$0x1C400] =	vst v63  }
0xd5: {  	_ = 	snop  }
0xd6: {  	[spmem:s2] =	stream.indirect.scatter.add.f32 [tilespmem:s10], [sflag:$0x3], $0x80, s29, s9, $0xb8;
	[tilespmem:$0x1C400] =	vst v63  }
.Ltmp2:
0xd7: {  	_ =	swait.ge [sflag:s6], $0x4000;
	(pc) =	sbr.rel @p0 .LBB2_4-.Ltmp2, $4  }
0xd8: {  	[sflag:s6] =	ssyncset.done $0x0  }
0xd9: {  	[sflag:s6] =	ssyncadd.s32 $0xFFFFC000  }
0xda: {  	_ =	swait.ge [sflag:s8], $0x4000  }
0xdb: {  	s31 =	smov.u32 s0;
	[sflag:s8] =	ssyncset.done $0x0  }
0xdc: {  	s0 =	sadd.s32 s30, s14;
	[sflag:s8] =	ssyncadd.s32 $0xFFFFC000  }
0xdd: {  	[tilespmem:s12], [sflag:$0x3] =	stream.linear.gather [hbm4b:s0+s12], $0x400, $0x38;
	[tilespmem:$0x1C400] =	vst v63  }
0xde: {  	_ =	swait.ge [sflag:s6], $0x400  }
0xdf: {  	[sflag:s6] =	ssyncset.done $0x0  }
0xe0: {  	s15 =	sadd.s32 s30, s15;
	[sflag:s6] =	ssyncadd.s32 $0xFFFFFC00  }
0xe1: {  	[tilespmem:s13], [sflag:$0x3] =	stream.linear.gather [hbm4b:s15+s12], $0x400, $0x38;
	[tilespmem:$0x1C400] =	vst v63  }
0xe2: {  	_ =	swait.ge [sflag:s6], $0x400  }
0xe3: {  	[sflag:s6] =	ssyncset.done $0x0  }
0xe4: {  	[sflag:s6] =	ssyncadd.s32 $0xFFFFFC00  }
0xe5: {  	[tilespmem:s7], [sflag:$0x1] =	stream.indirect.gather [hbm4b:s5+s9], $0x80, s12, s9, $0xb8;
	[tilespmem:$0x1C400] =	vst v63  }
0xe6: {  	_ =	swait.ge [sflag:s8], $0x4000  }
0xe7: {  	[sflag:s8] =	ssyncset.done $0x0  }
0xe8: {  	[sflag:s8] =	ssyncadd.s32 $0xFFFFC000  }
0xe9: {  	[tilespmem:s10], [sflag:$0x2] =	stream.indirect.gather [hbm4b:s5+s9], $0x80, s9, s9, $0xb8;
	[tilespmem:$0x1C400] =	vst v63  }
0xea: {  	_ = 	snop  }
0xeb: {  	[spmem:s2] =	stream.indirect.scatter.add.f32 [tilespmem:s7], [sflag:$0x3], $0x80, s13, s9, $0xb8;
	[tilespmem:$0x1C400] =	vst v63  }
0xec: {  	_ =	swait.ge [sflag:s6], $0x4000  }
0xed: {  	[sflag:s6] =	ssyncset.done $0x0  }
0xee: {  	[sflag:s6] =	ssyncadd.s32 $0xFFFFC000  }
0xef: {  	_ =	swait.ge [sflag:s11], $0x4000  }
0xf0: {  	[sflag:s11] =	ssyncset.done $0x0  }
0xf1: {  	[sflag:s11] =	ssyncadd.s32 $0xFFFFC000  }
0xf2: {  	[tilespmem:s7], [sflag:$0x1] =	stream.indirect.gather [hbm4b:s5+s9], $0x80, s16, s9, $0xb8;
	[tilespmem:$0x1C400] =	vst v63  }
0xf3: {  	_ = 	snop  }
0xf4: {  	[spmem:s2] =	stream.indirect.scatter.add.f32 [tilespmem:s10], [sflag:$0x3], $0x80, s17, s9, $0xb8;
	[tilespmem:$0x1C400] =	vst v63  }
0xf5: {  	_ =	swait.ge [sflag:s6], $0x4000  }
0xf6: {  	[sflag:s6] =	ssyncset.done $0x0  }
0xf7: {  	[sflag:s6] =	ssyncadd.s32 $0xFFFFC000  }
0xf8: {  	_ =	swait.ge [sflag:s8], $0x4000  }
0xf9: {  	[sflag:s8] =	ssyncset.done $0x0  }
0xfa: {  	[sflag:s8] =	ssyncadd.s32 $0xFFFFC000  }
0xfb: {  	[tilespmem:s10], [sflag:$0x2] =	stream.indirect.gather [hbm4b:s5+s9], $0x80, s18, s9, $0xb8;
	[tilespmem:$0x1C400] =	vst v63  }
0xfc: {  	_ = 	snop  }
0xfd: {  	[spmem:s2] =	stream.indirect.scatter.add.f32 [tilespmem:s7], [sflag:$0x3], $0x80, s20, s9, $0xb8;
	[tilespmem:$0x1C400] =	vst v63  }
0xfe: {  	_ =	swait.ge [sflag:s6], $0x4000  }
0xff: {  	[sflag:s6] =	ssyncset.done $0x0  }
0x100: {  	[sflag:s6] =	ssyncadd.s32 $0xFFFFC000  }
0x101: {  	_ =	swait.ge [sflag:s11], $0x4000  }
0x102: {  	[sflag:s11] =	ssyncset.done $0x0  }
0x103: {  	[sflag:s11] =	ssyncadd.s32 $0xFFFFC000  }
0x104: {  	[tilespmem:s7], [sflag:$0x1] =	stream.indirect.gather [hbm4b:s5+s9], $0x80, s21, s9, $0xb8;
	[tilespmem:$0x1C400] =	vst v63  }
0x105: {  	_ = 	snop  }
0x106: {  	[spmem:s2] =	stream.indirect.scatter.add.f32 [tilespmem:s10], [sflag:$0x3], $0x80, s22, s9, $0xb8;
	[tilespmem:$0x1C400] =	vst v63  }
0x107: {  	_ =	swait.ge [sflag:s6], $0x4000  }
0x108: {  	[sflag:s6] =	ssyncset.done $0x0  }
0x109: {  	[sflag:s6] =	ssyncadd.s32 $0xFFFFC000  }
0x10a: {  	_ =	swait.ge [sflag:s8], $0x4000  }
0x10b: {  	[sflag:s8] =	ssyncset.done $0x0  }
0x10c: {  	[sflag:s8] =	ssyncadd.s32 $0xFFFFC000  }
0x10d: {  	[tilespmem:s10], [sflag:$0x2] =	stream.indirect.gather [hbm4b:s5+s9], $0x80, s23, s9, $0xb8;
	[tilespmem:$0x1C400] =	vst v63  }
0x10e: {  	_ = 	snop  }
0x10f: {  	[spmem:s2] =	stream.indirect.scatter.add.f32 [tilespmem:s7], [sflag:$0x3], $0x80, s24, s9, $0xb8;
	[tilespmem:$0x1C400] =	vst v63  }
0x110: {  	_ =	swait.ge [sflag:s6], $0x4000  }
0x111: {  	[sflag:s6] =	ssyncset.done $0x0  }
0x112: {  	[sflag:s6] =	ssyncadd.s32 $0xFFFFC000  }
0x113: {  	_ =	swait.ge [sflag:s11], $0x4000  }
0x114: {  	[sflag:s11] =	ssyncset.done $0x0  }
0x115: {  	[sflag:s11] =	ssyncadd.s32 $0xFFFFC000  }
0x116: {  	[tilespmem:s7], [sflag:$0x1] =	stream.indirect.gather [hbm4b:s5+s9], $0x80, s25, s9, $0xb8;
	[tilespmem:$0x1C400] =	vst v63  }
0x117: {  	_ = 	snop  }
0x118: {  	[spmem:s2] =	stream.indirect.scatter.add.f32 [tilespmem:s10], [sflag:$0x3], $0x80, s26, s9, $0xb8;
	[tilespmem:$0x1C400] =	vst v63  }
0x119: {  	_ =	swait.ge [sflag:s6], $0x4000  }
0x11a: {  	[sflag:s6] =	ssyncset.done $0x0  }
0x11b: {  	[sflag:s6] =	ssyncadd.s32 $0xFFFFC000  }
0x11c: {  	_ =	swait.ge [sflag:s8], $0x4000  }
0x11d: {  	[sflag:s8] =	ssyncset.done $0x0  }
0x11e: {  	[sflag:s8] =	ssyncadd.s32 $0xFFFFC000  }
0x11f: {  	[tilespmem:s10], [sflag:$0x2] =	stream.indirect.gather [hbm4b:s5+s9], $0x80, s19, s9, $0xb8;
	[tilespmem:$0x1C400] =	vst v63  }
0x120: {  	_ = 	snop  }
0x121: {  	[spmem:s2] =	stream.indirect.scatter.add.f32 [tilespmem:s7], [sflag:$0x3], $0x80, s28, s9, $0xb8;
	[tilespmem:$0x1C400] =	vst v63  }
0x122: {  	_ =	swait.ge [sflag:s6], $0x4000  }
0x123: {  	[sflag:s6] =	ssyncset.done $0x0  }
0x124: {  	[sflag:s6] =	ssyncadd.s32 $0xFFFFC000  }
0x125: {  	_ =	swait.ge [sflag:s11], $0x4000  }
0x126: {  	[sflag:s11] =	ssyncset.done $0x0  }
0x127: {  	[sflag:s11] =	ssyncadd.s32 $0xFFFFC000  }
0x128: {  	[tilespmem:s7], [sflag:$0x1] =	stream.indirect.gather [hbm4b:s5+s9], $0x80, s19, s9, $0xb8;
	[tilespmem:$0x1C400] =	vst v63  }
0x129: {  	_ = 	snop  }
0x12a: {  	[spmem:s2] =	stream.indirect.scatter.add.f32 [tilespmem:s10], [sflag:$0x3], $0x80, s29, s9, $0xb8;
	[tilespmem:$0x1C400] =	vst v63  }
0x12b: {  	_ =	swait.ge [sflag:s6], $0x4000  }
0x12c: {  	[sflag:s6] =	ssyncset.done $0x0  }
0x12d: {  	[sflag:s6] =	ssyncadd.s32 $0xFFFFC000  }
0x12e: {  	_ =	swait.ge [sflag:s8], $0x4000  }
0x12f: {  	[sflag:s8] =	ssyncset.done $0x0  }
0x130: {  	s14 =	stileid.u32;
	[sflag:s8] =	ssyncadd.s32 $0xFFFFC000  }
0x131: {  	s1 =	sshrl.u32 s3, $0x3;
	s29 =	sshll.u32 s14, $0x6;
	[bflag:$0x0] =	sbarrier.arrive $0xFFFF  }
0x132: {  	s31 =	simm.s32 $0x3;
	s0 =	sor.u32 $0x1C03, s29;
	s30 =	rddreg [dreg:$0x3]  }
0x133: {  	[hbm:s30], [sflag:s0] =	dma.local [spmem:s1], $0x2780  }
0x134: {  	_ =	swait.ge [sflag:s31], $0x2780  }
0x135: {  	[sflag:s31] =	ssyncset.done $0x0  }
0x136: {  	[sflag:s31] =	ssyncadd.s32 $0xFFFFD880  }
0x137: {  	s3 =	rddreg [dreg:$0x2]  }
.LBB2_6:
0x138: {  	_ =	sfence.sel $0x180000  }
0x139: {  	[bflag:$0x0] =	sbarrier.arrive $0xFFFF  }
0x13a: {  	p0 =	sne.s32 s14, $0x0;
	_ =	strace $0x9000004A  }
0x13b: {  	s0 =	sadd.s32 @!p0 $0x100000, s3;
	[bflag:$0x2] =	sbarrier.arrive $0xFFFF  }
0x13c: {  	[sflag:s0] =	ssyncadd.tile.s32 @!p0 $0x1;
	_ =	shalt  }
.Lfunc_end2:
_tile_overlayer_lowered:
.L_overlay_start_2:
0x13d: {  	(tag) =	ssettag $0x2  }
0x13e: {  	s0 =	rddreg [dreg:$0x0];
	s2 =	stileid.u32  }
0x13f: {  	s1 =	rddreg [dreg:$0x1];
	p0 =	sne.s32 s2, $0x0  }
0x140: {  	s3 =	rddreg [dreg:$0x2];
	[bflag:$0x3] =	sbarrier.arrive $0xFFFF;
	s2 =	simm.s32 @!p0 $0x1C03  }
0x141: {  	[timem:s3], [sflag:s2] =	dma.local @!p0 [hbm:s0], s1  }
0x142: {  	s0 =	simm.s32 @!p0 $0x3  }
0x143: {  	_ =	swait.ge @!p0 [sflag:s0], s1  }
0x144: {  	s1 =	ssub.s32 @!p0 $0x0, s1;
	[sflag:s0] =	ssyncset.done @!p0 $0x0  }
0x145: {  	[sflag:s0] =	ssyncadd.s32 @!p0 s1  }
0x146: {  	[bflag:$0x3] =	sbarrier.arrive $0xFFFF  }
0x147: {  	_ =	shalt  }

// kernel: kernel.14.cloned.1.call-start
scs
__scs_entry_jumppad:
0x0: {  	(pc) =	sbr.rel $0x88, $3  }
0x1: {  	(tag) =	ssettag $0x0;
	lr =	simm.s32 $0x1  }
0x2: {  	[smem:$0x3F8D] =	sst lr;
	_ =	strace $0xD0000000  }
0x3: {  	_ = 	snop  }
0x4: {  	_ = 	snop  }
0x5: {  	_ = 	snop  }
0x6: {  	_ = 	snop  }
0x7: {  	_ = 	snop  }
__scs_overlays_trampoline_lowered:
0x8: {  	[smem:$0x3F9C] =	sst s0  }
0x9: {  	[smem:$0x3F9D] =	sst s1  }
0xa: {  	[smem:$0x3F9E] =	sst s2  }
0xb: {  	[smem:$0x3F9F] =	sst s3  }
0xc: {  	[smem:$0x3FA0] =	sst s4  }
0xd: {  	[smem:$0x3FA1] =	sst s5  }
0xe: {  	[smem:$0x3FA2] =	sst s6  }
0xf: {  	[smem:$0x3FA3] =	sst s7  }
0x10: {  	[smem:$0x3FA4] =	sst s8  }
0x11: {  	[smem:$0x3FA5] =	sst s9;
	s0 =	simm.s32 @!p0 $0x0  }
0x12: {  	s1 =	sld [smem:$0x3F8B];
	s0 =	simm.s32 @p0 $0x1  }
0x13: {  	[smem:$0x3FA6] =	sst s0;
	s0 =	simm.s32 @!p1 $0x0  }
0x14: {  	s2 =	sld [smem:$0x3F8A];
	s0 =	simm.s32 @p1 $0x1  }
0x15: {  	[smem:$0x3FA7] =	sst s0;
	s0 =	simm.s32 @!p2 $0x0  }
0x16: {  	s3 =	sld [smem:$0x3FDB];
	s0 =	simm.s32 @p2 $0x1  }
0x17: {  	s4 =	simm.s32 $0x1BF5;
	[smem:$0x3FA9] =	sst s0  }
0x18: {  	s0 =	sld [smem:$0x3F8C];
	_ =	swait.ge [sflag:s4], $0x0  }
0x19: {  	s7 =	sld [smem:$0x3F8D]  }
0x1a: {  	s8 =	sadd.s32 $0xFFFFE003, lr  }
0x1b: {  	s9 =	sadd.s32 $0xFFFFFEF7, lr;
	s5 =	simm.s32 $0xFFFFFFFF;
	p2 =	slt.u32 s8, $0xFFFFF086  }
0x1c: {  	p1 =	slt.u32 s9, $0xF7A;
	s5 =	simm.s32 @!p2 $0x0  }
0x1d: {  	s5 =	simm.s32 @p1 $0x1;
	p0 =	seq.s32 s7, s2  }
0x1e: {  	s7 =	smul.u32 @!p0 $0xF7A, s2;
	p2 =	seq.s32 @!p0 s5, $0x0  }
0x1f: {  	s9 =	smul.u32 $0xF7A, s1;
	s8 =	simm.s32 @!p0 $0x1BF5;
	p2 =	por !p2, p0  }
0x20: {  	[sflag:s8] =	ssyncset.s32 @!p0 $0xFFFFF086;
	s6 =	sadd.s32 @!p0 s3, s7;
	s7 =	simm.s32 @!p0 $0x108  }
0x21: {  	s3 =	sadd.s32 s3, s9;
	s6 =	sadd.s32 @!p0 $0x88, s6;
	s7 =	simm.s32 @p2 $0x1082  }
0x22: {  	[simem:s7], [sflag:s8] =	dma.local @!p0 [hbm:s6], $0xF7A  }
0x23: {  	s9 =	sor.u32 $0xD0000000, s2;
	s6 =	simm.s32 $0x108;
	_ =	swait.ge @!p0 [sflag:s8], $0x0  }
0x24: {  	s3 =	sadd.s32 $0x88, s3;
	s6 =	simm.s32 @!p1 $0x1082;
	[sflag:s4] =	ssyncset.s32 $0xFFFFF086  }
0x25: {  	[simem:s6], [sflag:s4] =	dma.local [hbm:s3], $0xF7A  }
0x26: {  	[smem:$0x3F8D] =	sst s1;
	(tag) =	ssettag s2;
	_ =	strace s9  }
0x27: {  	s1 =	sld [smem:$0x3F9D]  }
0x28: {  	s2 =	sld [smem:$0x3F9E]  }
0x29: {  	s4 =	sld [smem:$0x3FA0]  }
0x2a: {  	p0 =	seq.s32 s5, $0x0;
	s5 =	sld [smem:$0x3FA1]  }
0x2b: {  	s6 =	sld [smem:$0x3FA2]  }
0x2c: {  	s7 =	sld [smem:$0x3FA3]  }
0x2d: {  	s3 =	simm.s32 $0x108;
	s8 =	sld [smem:$0x3FA4]  }
0x2e: {  	s3 =	simm.s32 @!p0 $0x1082;
	s9 =	sld [smem:$0x3FA5]  }
0x2f: {  	lr =	sadd.s32 s0, s3;
	s0 =	sld [smem:$0x3F9C]  }
0x30: {  	s3 =	sld [smem:$0x3F9F]  }
0x31: {  	[smem:$0x3FA8] =	sst s10  }
0x32: {  	s10 =	sld [smem:$0x3FA6];
	_ =	sdelay $0x3  }
0x33: {  	p0 =	seq.s32 s10, $0x1;
	s10 =	sld [smem:$0x3FA8];
	_ =	sdelay $0x3  }
0x34: {  	[smem:$0x3FA8] =	sst s10  }
0x35: {  	s10 =	sld [smem:$0x3FA7];
	_ =	sdelay $0x3  }
0x36: {  	p1 =	seq.s32 s10, $0x1;
	s10 =	sld [smem:$0x3FA8];
	_ =	sdelay $0x3  }
0x37: {  	[smem:$0x3FA8] =	sst s10  }
0x38: {  	s10 =	sld [smem:$0x3FA9]  }
0x39: {  	_ = 	snop;
	(pc) =	sbr.ind lr, $3  }
0x3a: {  	_ = 	snop  }
0x3b: {  	_ = 	snop  }
0x3c: {  	p2 =	seq.s32 s10, $0x1;
	s10 =	sld [smem:$0x3FA8]  }
0x3d: {  	_ =	shalt  }
0x3e: {  	_ =	shalt  }
0x3f: {  	_ =	shalt  }
0x40: {  	_ =	shalt  }
0x41: {  	_ =	shalt  }
0x42: {  	_ =	shalt  }
0x43: {  	_ =	shalt  }
0x44: {  	_ =	shalt  }
0x45: {  	_ =	shalt  }
0x46: {  	_ =	shalt  }
0x47: {  	_ =	shalt  }
0x48: {  	_ =	shalt  }
0x49: {  	_ =	shalt  }
0x4a: {  	_ =	shalt  }
0x4b: {  	_ =	shalt  }
0x4c: {  	_ =	shalt  }
0x4d: {  	_ =	shalt  }
0x4e: {  	_ =	shalt  }
0x4f: {  	_ =	shalt  }
0x50: {  	_ =	shalt  }
0x51: {  	_ =	shalt  }
0x52: {  	_ =	shalt  }
0x53: {  	_ =	shalt  }
0x54: {  	_ =	shalt  }
0x55: {  	_ =	shalt  }
0x56: {  	_ =	shalt  }
0x57: {  	_ =	shalt  }
0x58: {  	_ =	shalt  }
0x59: {  	_ =	shalt  }
0x5a: {  	_ =	shalt  }
0x5b: {  	_ =	shalt  }
0x5c: {  	_ =	shalt  }
0x5d: {  	_ =	shalt  }
0x5e: {  	_ =	shalt  }
0x5f: {  	_ =	shalt  }
0x60: {  	_ =	shalt  }
0x61: {  	_ =	shalt  }
0x62: {  	_ =	shalt  }
0x63: {  	_ =	shalt  }
0x64: {  	_ =	shalt  }
0x65: {  	_ =	shalt  }
0x66: {  	_ =	shalt  }
0x67: {  	_ =	shalt  }
0x68: {  	_ =	shalt  }
0x69: {  	_ =	shalt  }
0x6a: {  	_ =	shalt  }
0x6b: {  	_ =	shalt  }
0x6c: {  	_ =	shalt  }
0x6d: {  	_ =	shalt  }
0x6e: {  	_ =	shalt  }
0x6f: {  	_ =	shalt  }
0x70: {  	_ =	shalt  }
0x71: {  	_ =	shalt  }
0x72: {  	_ =	shalt  }
0x73: {  	_ =	shalt  }
0x74: {  	_ =	shalt  }
0x75: {  	_ =	shalt  }
0x76: {  	_ =	shalt  }
0x77: {  	_ =	shalt  }
0x78: {  	_ =	shalt  }
0x79: {  	_ =	shalt  }
0x7a: {  	_ =	shalt  }
0x7b: {  	_ =	shalt  }
0x7c: {  	_ =	shalt  }
0x7d: {  	_ =	shalt  }
0x7e: {  	_ =	shalt  }
0x7f: {  	_ =	shalt  }
0x80: {  	_ =	shalt  }
0x81: {  	_ =	shalt  }
0x82: {  	_ =	shalt  }
0x83: {  	_ =	shalt  }
0x84: {  	_ =	shalt  }
0x85: {  	_ =	shalt  }
0x86: {  	_ =	shalt  }
0x87: {  	_ =	shalt  }
.Lfunc_end0:
.L_simem_size_0:
called_computation.2_lowered:
.L_overlay_start_0:
0x88: {  	s2 =	sld [smem:$0x3FD9]  }
0x89: {  	s3 =	sld [smem:$0x3FFE];
	_ =	sdelay $0x1  }
0x8a: {  	s1 =	srdreg.scid  }
0x8b: {  	s0 =	sand.u32 $0x1, s1  }
0x8c: {  	s16 =	sshll.u32 s0, $0xA;
	s2 =	sadd.s32 s3, s2  }
0x8d: {  	s2 =	sadd.s32 s2, s16  }
0x8e: {  	[smem:$0x3FB4] =	sst s2  }
0x8f: {  	_ = 	snop  }
0x90: {  	(tm) =	ssettm $0x1  }
0x91: {  	s17 =	sld [smem:$0x3FFB];
	_ =	sdelay $0x3  }
0x92: {  	_ =	strace s17  }
0x93: {  	s2 =	sld [smem:$0x3FFC];
	_ =	sdelay $0x3  }
0x94: {  	_ =	strace s2  }
0x95: {  	s2 =	sld [smem:$0x3FFD];
	_ =	sdelay $0x3  }
0x96: {  	_ =	strace s2  }
0x97: {  	_ =	strace $0x8FFFFFFF  }
0x98: {  	s18 =	sld [smem:$0x3FDB];
	_ =	sdelay $0x1  }
0x99: {  	s19 =	simm.s32 $_scs_section_size  }
0x9a: {  	s4 =	simm.s32 $_size__tile_overlayer_lowered;
	s5 =	simm.s32 $_tile_overlayer_lowered  }
0x9b: {  	s22 =	simm.s32 $0x1BFF;
	s21 =	sshll.u32 s5, $0x1;
	s2 =	sadd.s32 s19, s18  }
0x9c: {  	s6 =	simm.s32 $0x0;
	s20 =	sshll.u32 s4, $0x1;
	s4 =	sadd.s32 s21, s2  }
0x9d: {  	[timem:s6], [sflag:s22] =	dma.local [hbm:s4], s20  }
0x9e: {  	_ =	swait.ge [sflag:s22], s20  }
0x9f: {  	s3 =	ssub.s32 $0x0, s20;
	[sflag:s22] =	ssyncset.done $0x0  }
0xa0: {  	[sflag:s22] =	ssyncadd.s32 s3;
	_ =	sdelay $0x1  }
0xa1: {  	s23 =	simm.s32 $0x1B8B  }
0xa2: {  	_ =	swait.ge [sflag:s23], $0x1  }
0xa3: {  	[sflag:s23] =	ssyncset.done $0x0  }
0xa4: {  	s25 =	simm.s32 $0x1B8E;
	s24 =	sld [smem:$0x3FFE];
	[sflag:s23] =	ssyncadd.s32 $0xFFFFFFFF  }
0xa5: {  	s26 =	simm.s32 $execute0_lowered;
	[smem:$0x3FD2] =	sst s25  }
0xa6: {  	s4 =	sshll.u32 s26, $0x1;
	_ =	strace $0x8000004C;
	[dreg:$0x1] =	wrdreg $0xFFFFFFFF  }
0xa7: {  	s28 =	simm.s32 $_size_execute0_lowered;
	s2 =	sadd.s32 s2, s4;
	[dreg:$0x0] =	wrdreg $0x0  }
0xa8: {  	s4 =	sshll.u32 s28, $0x1;
	[dreg:$0x2] =	wrdreg s2  }
0xa9: {  	[dreg:$0x3] =	wrdreg s4  }
0xaa: {  	[dreg:$0x4] =	wrdreg $0xC0  }
0xab: {  	_ =	task [dreg:s6], $0x5FFFF  }
0xac: {  	[dreg:$0x1] =	wrdreg $0xFFFFFFFF  }
0xad: {  	[dreg:$0x0] =	wrdreg $0x60  }
0xae: {  	[dreg:$0x2] =	wrdreg s24  }
0xaf: {  	[dreg:$0x3] =	wrdreg $0x88000  }
0xb0: {  	[dreg:$0x4] =	wrdreg $0x9  }
0xb1: {  	_ =	task.clear_ibuf [dreg:s6], $0x5FFFF;
	_ =	strace $0x9000004C  }
0xb2: {  	s29 =	simm.s32 $0x9;
	_ =	strace $0x8000004E  }
0xb3: {  	_ =	swait.ge [sflag:s29], $0x1  }
0xb4: {  	[sflag:s29] =	ssyncadd.s32 $0xFFFFFFFF  }
0xb5: {  	_ =	strace $0x9000004E  }
0xb6: {  	_ =	sfence  }
0xb7: {  	s30 =	sld [smem:$0x0];
	_ =	sdelay $0x2  }
0xb8: {  	s31 =	sshll.u32 s1, $0xD;
	s1 =	sshrl.u32 s1, $0x2  }
0xb9: {  	s3 =	sand.u32 $0x4000, s31;
	s1 =	sadd.s32 s1, s30  }
0xba: {  	s0 =	sor.u32 s3, s0;
	s1 =	sshll.u32 s1, $0x11  }
0xbb: {  	s0 =	sor.u32 s1, s0  }
0xbc: {  	s0 =	sadd.s32 $0x8F2B, s0  }
0xbd: {  	[sflag:s0] =	ssyncadd.remote.s32 $0x1  }
0xbe: {  	_ =	sfence.sel $0xFFFF  }
0xbf: {  	[dreg:$0x0] =	wrdreg $0xFFFFFFFF;
	(pc) =	sbr.abs _section_cstart, $3  }
0xc0: {  	[dreg:$0x1] =	wrdreg $0xFFFFFFFF  }
0xc1: {  	_ =	task.clear_ibuf [dreg:s6], $0x2FFFF;
	_ =	strace $0x9FFFFFFF  }
0xc2: {  	(tm) =	ssettm $0x7FFFFFFF  }
0xc3: {  	_ =	shalt  }
tec
execute0_lowered:
.L_overlay_start_1:
0x0: {  	(tag) =	ssettag $0x1  }
0x1: {  	s0 =	srdreg.scid  }
0x2: {  	s0 =	sand.u32 $0x1, s0  }
0x3: {  	p0 =	seq.s32 s0, $0x1  }
.Ltmp0:
0x4: {  	_ = 	snop;
	(pc) =	sbr.rel @p0 .LBB2_6-.Ltmp0, $4  }
0x5: {  	s4 =	rddreg [dreg:$0x0]  }
0x6: {  	s2 =	rddreg [dreg:$0x1];
	s1 =	simm.s32 $0x0  }
0x7: {  	[smem:$0x7FF] =	sst s1  }
0x8: {  	s3 =	rddreg [dreg:$0x2];
	s14 =	stileid.u32;
	_ =	strace $0x8000004D  }
0x9: {  	s0 =	smul.u32 $0x4F000, s14  }
0xa: {  	s6 =	smul.u32 $0x2780, s14;
	s5 =	sadd.s32 $0x18000, s4;
	s9 =	sadd.s32 $0xE000, s4  }
0xb: {  	s8 =	sadd.s32 $0x4000, s4;
	s7 =	simm.s32 $0x200;
	s0 =	sshrl.u32 s0, $0x2  }
0xc: {  	s31 =	sadd.s32 s6, s4;
	s6 =	simm.s32 $0x0;
	s3 =	sadd.s32 s0, s2  }
0xd: {  	s0 =	sadd.s32 $0x3F200, s31;
	s13 =	sadd.s32 $0x4000, s3;
	s12 =	sadd.s32 $0x8000, s3  }
0xe: {  	v0 =	vimm.f32 $0.0e+00;
	s11 =	sadd.s32 $0xC000, s3;
	s10 =	sadd.s32 $0x10000, s3;
	[dreg:$0x3] =	wrdreg s0  }
.LBB2_2:
0xf: {  	p0 =	sne.s32 s7, $0xFE00;
	[tilespmem:s6+$0x870] =	vst v0  }
0x10: {  	[tilespmem:s6+$0x800] =	vst v0  }
0x11: {  	[tilespmem:s6+$0x810] =	vst v0  }
.Ltmp1:
0x12: {  	[tilespmem:s6+$0x820] =	vst v0;
	(pc) =	sbr.rel @p0 .LBB2_2-.Ltmp1, $4  }
0x13: {  	[tilespmem:s6+$0x830] =	vst v0  }
0x14: {  	[tilespmem:s6+$0x840] =	vst v0  }
0x15: {  	[tilespmem:s6+$0x850] =	vst v0  }
0x16: {  	[tilespmem:s6+$0x860] =	vst v0;
	s6 =	sshra.s32 s7, $0x2;
	s7 =	sadd.s32 $0x200, s7  }
0x17: {  	[tilespmem:s6+$0x870] =	vst v0  }
0x18: {  	[tilespmem:s6+$0x800] =	vst v0  }
0x19: {  	[tilespmem:s6+$0x810] =	vst v0  }
0x1a: {  	[tilespmem:s6+$0x820] =	vst v0  }
0x1b: {  	[tilespmem:s6+$0x830] =	vst v0  }
0x1c: {  	[tilespmem:s6+$0x840] =	vst v0  }
0x1d: {  	[tilespmem:s6+$0x850] =	vst v0  }
0x1e: {  	[tilespmem:s6+$0x860] =	vst v0;
	s7 =	simm.s32 $0x800;
	s6 =	simm.s32 $0x3  }
0x1f: {  	[spmem:s3] =	stream.linear.scatter [tilespmem:s7], [sflag:$0x3], $0x4000, $0x38;
	[tilespmem:$0x1C400] =	vst v63  }
0x20: {  	_ =	swait.ge [sflag:s6], $0x4000  }
0x21: {  	[sflag:s6] =	ssyncset.done $0x0  }
0x22: {  	[sflag:s6] =	ssyncadd.s32 $0xFFFFC000  }
0x23: {  	[spmem:s13] =	stream.linear.scatter [tilespmem:s7], [sflag:$0x3], $0x4000, $0x38;
	[tilespmem:$0x1C400] =	vst v63  }
0x24: {  	_ =	swait.ge [sflag:s6], $0x4000  }
0x25: {  	[sflag:s6] =	ssyncset.done $0x0  }
0x26: {  	[sflag:s6] =	ssyncadd.s32 $0xFFFFC000  }
0x27: {  	[spmem:s12] =	stream.linear.scatter [tilespmem:s7], [sflag:$0x3], $0x4000, $0x38;
	[tilespmem:$0x1C400] =	vst v63  }
0x28: {  	_ =	swait.ge [sflag:s6], $0x4000  }
0x29: {  	[sflag:s6] =	ssyncset.done $0x0  }
0x2a: {  	[sflag:s6] =	ssyncadd.s32 $0xFFFFC000  }
0x2b: {  	[spmem:s11] =	stream.linear.scatter [tilespmem:s7], [sflag:$0x3], $0x4000, $0x38;
	[tilespmem:$0x1C400] =	vst v63  }
0x2c: {  	_ =	swait.ge [sflag:s6], $0x4000  }
0x2d: {  	[sflag:s6] =	ssyncset.done $0x0  }
0x2e: {  	[sflag:s6] =	ssyncadd.s32 $0xFFFFC000  }
0x2f: {  	[spmem:s10] =	stream.linear.scatter [tilespmem:s7], [sflag:$0x3], $0x3C00, $0x38;
	[tilespmem:$0x1C400] =	vst v63  }
0x30: {  	s0 =	smul.u32 $0xA00, s14;
	_ =	swait.ge [sflag:s6], $0x3C00  }
0x31: {  	[sflag:s6] =	ssyncset.done $0x0  }
0x32: {  	s14 =	sadd.s32 s0, s9;
	[sflag:s6] =	ssyncadd.s32 $0xFFFFC400  }
0x33: {  	s9 =	sadd.s32 $0x0, s14;
	s12 =	simm.s32 $0x0;
	[bflag:$0x0] =	sbarrier.arrive $0xFFFF  }
0x34: {  	[tilespmem:s12], [sflag:$0x3] =	stream.linear.gather [hbm4b:s9+s12], $0x400, $0x38;
	[tilespmem:$0x1C400] =	vst v63  }
0x35: {  	_ =	swait.ge [sflag:s6], $0x400  }
0x36: {  	s15 =	sadd.s32 s0, s8;
	[sflag:s6] =	ssyncset.done $0x0  }
0x37: {  	s0 =	sadd.s32 $0x0, s15;
	s13 =	simm.s32 $0x400;
	[sflag:s6] =	ssyncadd.s32 $0xFFFFFC00  }
0x38: {  	[tilespmem:s13], [sflag:$0x3] =	stream.linear.gather [hbm4b:s0+s12], $0x400, $0x38;
	[tilespmem:$0x1C400] =	vst v63  }
0x39: {  	_ =	swait.ge [sflag:s6], $0x400  }
0x3a: {  	[sflag:s6] =	ssyncset.done $0x0  }
0x3b: {  	s8 =	simm.s32 $0x1;
	s9 =	simm.s32 $0x80;
	[sflag:s6] =	ssyncadd.s32 $0xFFFFFC00  }
0x3c: {  	[tilespmem:s7], [sflag:$0x1] =	stream.indirect.gather [hbm4b:s5+s9], $0x80, s12, s9, $0xb8;
	[tilespmem:$0x1C400] =	vst v63  }
0x3d: {  	_ =	swait.ge [sflag:s8], $0x4000  }
0x3e: {  	[sflag:s8] =	ssyncset.done $0x0  }
0x3f: {  	s10 =	simm.s32 $0x4800;
	[sflag:s8] =	ssyncadd.s32 $0xFFFFC000  }
0x40: {  	[tilespmem:s10], [sflag:$0x2] =	stream.indirect.gather [hbm4b:s5+s9], $0x80, s9, s9, $0xb8;
	[tilespmem:$0x1C400] =	vst v63  }
0x41: {  	_ = 	snop  }
0x42: {  	[spmem:s2] =	stream.indirect.scatter.add.f32 [tilespmem:s7], [sflag:$0x3], $0x80, s13, s9, $0xb8;
	[tilespmem:$0x1C400] =	vst v63  }
0x43: {  	_ =	swait.ge [sflag:s6], $0x4000  }
0x44: {  	[sflag:s6] =	ssyncset.done $0x0  }
0x45: {  	s11 =	simm.s32 $0x2;
	[sflag:s6] =	ssyncadd.s32 $0xFFFFC000  }
0x46: {  	_ =	swait.ge [sflag:s11], $0x4000  }
0x47: {  	[sflag:s11] =	ssyncset.done $0x0  }
0x48: {  	s16 =	simm.s32 $0x100;
	[sflag:s11] =	ssyncadd.s32 $0xFFFFC000  }
0x49: {  	[tilespmem:s7], [sflag:$0x1] =	stream.indirect.gather [hbm4b:s5+s9], $0x80, s16, s9, $0xb8;
	[tilespmem:$0x1C400] =	vst v63  }
0x4a: {  	s17 =	simm.s32 $0x480  }
0x4b: {  	[spmem:s2] =	stream.indirect.scatter.add.f32 [tilespmem:s10], [sflag:$0x3], $0x80, s17, s9, $0xb8;
	[tilespmem:$0x1C400] =	vst v63  }
0x4c: {  	_ =	swait.ge [sflag:s6], $0x4000  }
0x4d: {  	[sflag:s6] =	ssyncset.done $0x0  }
0x4e: {  	[sflag:s6] =	ssyncadd.s32 $0xFFFFC000  }
0x4f: {  	_ =	swait.ge [sflag:s8], $0x4000  }
0x50: {  	[sflag:s8] =	ssyncset.done $0x0  }
0x51: {  	s18 =	simm.s32 $0x180;
	[sflag:s8] =	ssyncadd.s32 $0xFFFFC000  }
0x52: {  	[tilespmem:s10], [sflag:$0x2] =	stream.indirect.gather [hbm4b:s5+s9], $0x80, s18, s9, $0xb8;
	[tilespmem:$0x1C400] =	vst v63  }
0x53: {  	s20 =	simm.s32 $0x500  }
0x54: {  	[spmem:s2] =	stream.indirect.scatter.add.f32 [tilespmem:s7], [sflag:$0x3], $0x80, s20, s9, $0xb8;
	[tilespmem:$0x1C400] =	vst v63  }
0x55: {  	_ =	swait.ge [sflag:s6], $0x4000  }
0x56: {  	[sflag:s6] =	ssyncset.done $0x0  }
0x57: {  	[sflag:s6] =	ssyncadd.s32 $0xFFFFC000  }
0x58: {  	_ =	swait.ge [sflag:s11], $0x4000  }
0x59: {  	[sflag:s11] =	ssyncset.done $0x0  }
0x5a: {  	s21 =	simm.s32 $0x200;
	[sflag:s11] =	ssyncadd.s32 $0xFFFFC000  }
0x5b: {  	[tilespmem:s7], [sflag:$0x1] =	stream.indirect.gather [hbm4b:s5+s9], $0x80, s21, s9, $0xb8;
	[tilespmem:$0x1C400] =	vst v63  }
0x5c: {  	s22 =	simm.s32 $0x580  }
0x5d: {  	[spmem:s2] =	stream.indirect.scatter.add.f32 [tilespmem:s10], [sflag:$0x3], $0x80, s22, s9, $0xb8;
	[tilespmem:$0x1C400] =	vst v63  }
0x5e: {  	_ =	swait.ge [sflag:s6], $0x4000  }
0x5f: {  	[sflag:s6] =	ssyncset.done $0x0  }
0x60: {  	[sflag:s6] =	ssyncadd.s32 $0xFFFFC000  }
0x61: {  	_ =	swait.ge [sflag:s8], $0x4000  }
0x62: {  	[sflag:s8] =	ssyncset.done $0x0  }
0x63: {  	s23 =	simm.s32 $0x280;
	[sflag:s8] =	ssyncadd.s32 $0xFFFFC000  }
0x64: {  	[tilespmem:s10], [sflag:$0x2] =	stream.indirect.gather [hbm4b:s5+s9], $0x80, s23, s9, $0xb8;
	[tilespmem:$0x1C400] =	vst v63  }
0x65: {  	s24 =	simm.s32 $0x600  }
0x66: {  	[spmem:s2] =	stream.indirect.scatter.add.f32 [tilespmem:s7], [sflag:$0x3], $0x80, s24, s9, $0xb8;
	[tilespmem:$0x1C400] =	vst v63  }
0x67: {  	_ =	swait.ge [sflag:s6], $0x4000  }
0x68: {  	[sflag:s6] =	ssyncset.done $0x0  }
0x69: {  	[sflag:s6] =	ssyncadd.s32 $0xFFFFC000  }
0x6a: {  	_ =	swait.ge [sflag:s11], $0x4000  }
0x6b: {  	[sflag:s11] =	ssyncset.done $0x0  }
0x6c: {  	s25 =	simm.s32 $0x300;
	[sflag:s11] =	ssyncadd.s32 $0xFFFFC000  }
0x6d: {  	[tilespmem:s7], [sflag:$0x1] =	stream.indirect.gather [hbm4b:s5+s9], $0x80, s25, s9, $0xb8;
	[tilespmem:$0x1C400] =	vst v63  }
0x6e: {  	s26 =	simm.s32 $0x680  }
0x6f: {  	[spmem:s2] =	stream.indirect.scatter.add.f32 [tilespmem:s10], [sflag:$0x3], $0x80, s26, s9, $0xb8;
	[tilespmem:$0x1C400] =	vst v63  }
0x70: {  	_ =	swait.ge [sflag:s6], $0x4000  }
0x71: {  	[sflag:s6] =	ssyncset.done $0x0  }
0x72: {  	[sflag:s6] =	ssyncadd.s32 $0xFFFFC000  }
0x73: {  	_ =	swait.ge [sflag:s8], $0x4000  }
0x74: {  	[sflag:s8] =	ssyncset.done $0x0  }
0x75: {  	s19 =	simm.s32 $0x380;
	[sflag:s8] =	ssyncadd.s32 $0xFFFFC000  }
0x76: {  	[tilespmem:s10], [sflag:$0x2] =	stream.indirect.gather [hbm4b:s5+s9], $0x80, s19, s9, $0xb8;
	[tilespmem:$0x1C400] =	vst v63  }
0x77: {  	s28 =	simm.s32 $0x700  }
0x78: {  	[spmem:s2] =	stream.indirect.scatter.add.f32 [tilespmem:s7], [sflag:$0x3], $0x80, s28, s9, $0xb8;
	[tilespmem:$0x1C400] =	vst v63  }
0x79: {  	_ =	swait.ge [sflag:s6], $0x4000  }
0x7a: {  	[sflag:s6] =	ssyncset.done $0x0  }
0x7b: {  	[sflag:s6] =	ssyncadd.s32 $0xFFFFC000  }
0x7c: {  	_ =	swait.ge [sflag:s11], $0x4000  }
0x7d: {  	[sflag:s11] =	ssyncset.done $0x0  }
0x7e: {  	[sflag:s11] =	ssyncadd.s32 $0xFFFFC000  }
0x7f: {  	[tilespmem:s7], [sflag:$0x1] =	stream.indirect.gather [hbm4b:s5+s9], $0x80, s19, s9, $0xb8;
	[tilespmem:$0x1C400] =	vst v63  }
0x80: {  	s29 =	simm.s32 $0x780  }
0x81: {  	[spmem:s2] =	stream.indirect.scatter.add.f32 [tilespmem:s10], [sflag:$0x3], $0x80, s29, s9, $0xb8;
	[tilespmem:$0x1C400] =	vst v63  }
0x82: {  	_ =	swait.ge [sflag:s6], $0x4000  }
0x83: {  	[sflag:s6] =	ssyncset.done $0x0  }
0x84: {  	[sflag:s6] =	ssyncadd.s32 $0xFFFFC000  }
0x85: {  	_ =	swait.ge [sflag:s8], $0x4000  }
0x86: {  	s30 =	simm.s32 $0x80;
	s31 =	simm.s32 $0x100;
	[sflag:s8] =	ssyncset.done $0x0  }
.LBB2_4:
0x87: {  	s4 =	sadd.s32 s30, s14  }
0x88: {  	[sflag:s8] =	ssyncadd.s32 $0xFFFFC000;
	s1 =	smov.u32 s31;
	s0 =	sadd.s32 $0x80, s31  }
0x89: {  	[tilespmem:s12], [sflag:$0x3] =	stream.linear.gather [hbm4b:s4+s12], $0x400, $0x38;
	[tilespmem:$0x1C400] =	vst v63  }
0x8a: {  	p0 =	sne.s32 s31, $0x980;
	_ =	swait.ge [sflag:s6], $0x400  }
0x8b: {  	[sflag:s6] =	ssyncset.done $0x0  }
0x8c: {  	s4 =	sadd.s32 s30, s15;
	s30 =	smov.u32 s1;
	[sflag:s6] =	ssyncadd.s32 $0xFFFFFC00  }
0x8d: {  	[tilespmem:s13], [sflag:$0x3] =	stream.linear.gather [hbm4b:s4+s12], $0x400, $0x38;
	[tilespmem:$0x1C400] =	vst v63  }
0x8e: {  	_ =	swait.ge [sflag:s6], $0x400  }
0x8f: {  	[sflag:s6] =	ssyncset.done $0x0  }
0x90: {  	[sflag:s6] =	ssyncadd.s32 $0xFFFFFC00  }
0x91: {  	[tilespmem:s7], [sflag:$0x1] =	stream.indirect.gather [hbm4b:s5+s9], $0x80, s12, s9, $0xb8;
	[tilespmem:$0x1C400] =	vst v63  }
0x92: {  	_ =	swait.ge [sflag:s8], $0x4000  }
0x93: {  	[sflag:s8] =	ssyncset.done $0x0  }
0x94: {  	[sflag:s8] =	ssyncadd.s32 $0xFFFFC000  }
0x95: {  	[tilespmem:s10], [sflag:$0x2] =	stream.indirect.gather [hbm4b:s5+s9], $0x80, s9, s9, $0xb8;
	[tilespmem:$0x1C400] =	vst v63  }
0x96: {  	_ = 	snop  }
0x97: {  	[spmem:s2] =	stream.indirect.scatter.add.f32 [tilespmem:s7], [sflag:$0x3], $0x80, s13, s9, $0xb8;
	[tilespmem:$0x1C400] =	vst v63  }
0x98: {  	_ =	swait.ge [sflag:s6], $0x4000  }
0x99: {  	[sflag:s6] =	ssyncset.done $0x0  }
0x9a: {  	[sflag:s6] =	ssyncadd.s32 $0xFFFFC000  }
0x9b: {  	_ =	swait.ge [sflag:s11], $0x4000  }
0x9c: {  	[sflag:s11] =	ssyncset.done $0x0  }
0x9d: {  	[sflag:s11] =	ssyncadd.s32 $0xFFFFC000  }
0x9e: {  	[tilespmem:s7], [sflag:$0x1] =	stream.indirect.gather [hbm4b:s5+s9], $0x80, s16, s9, $0xb8;
	[tilespmem:$0x1C400] =	vst v63  }
0x9f: {  	_ = 	snop  }
0xa0: {  	[spmem:s2] =	stream.indirect.scatter.add.f32 [tilespmem:s10], [sflag:$0x3], $0x80, s17, s9, $0xb8;
	[tilespmem:$0x1C400] =	vst v63  }
0xa1: {  	_ =	swait.ge [sflag:s6], $0x4000  }
0xa2: {  	[sflag:s6] =	ssyncset.done $0x0  }
0xa3: {  	[sflag:s6] =	ssyncadd.s32 $0xFFFFC000  }
0xa4: {  	_ =	swait.ge [sflag:s8], $0x4000  }
0xa5: {  	[sflag:s8] =	ssyncset.done $0x0  }
0xa6: {  	[sflag:s8] =	ssyncadd.s32 $0xFFFFC000  }
0xa7: {  	[tilespmem:s10], [sflag:$0x2] =	stream.indirect.gather [hbm4b:s5+s9], $0x80, s18, s9, $0xb8;
	[tilespmem:$0x1C400] =	vst v63  }
0xa8: {  	_ = 	snop  }
0xa9: {  	[spmem:s2] =	stream.indirect.scatter.add.f32 [tilespmem:s7], [sflag:$0x3], $0x80, s20, s9, $0xb8;
	[tilespmem:$0x1C400] =	vst v63  }
0xaa: {  	_ =	swait.ge [sflag:s6], $0x4000  }
0xab: {  	[sflag:s6] =	ssyncset.done $0x0  }
0xac: {  	[sflag:s6] =	ssyncadd.s32 $0xFFFFC000  }
0xad: {  	_ =	swait.ge [sflag:s11], $0x4000  }
0xae: {  	[sflag:s11] =	ssyncset.done $0x0  }
0xaf: {  	[sflag:s11] =	ssyncadd.s32 $0xFFFFC000  }
0xb0: {  	[tilespmem:s7], [sflag:$0x1] =	stream.indirect.gather [hbm4b:s5+s9], $0x80, s21, s9, $0xb8;
	[tilespmem:$0x1C400] =	vst v63  }
0xb1: {  	_ = 	snop  }
0xb2: {  	[spmem:s2] =	stream.indirect.scatter.add.f32 [tilespmem:s10], [sflag:$0x3], $0x80, s22, s9, $0xb8;
	[tilespmem:$0x1C400] =	vst v63  }
0xb3: {  	_ =	swait.ge [sflag:s6], $0x4000  }
0xb4: {  	[sflag:s6] =	ssyncset.done $0x0  }
0xb5: {  	[sflag:s6] =	ssyncadd.s32 $0xFFFFC000  }
0xb6: {  	_ =	swait.ge [sflag:s8], $0x4000  }
0xb7: {  	[sflag:s8] =	ssyncset.done $0x0  }
0xb8: {  	[sflag:s8] =	ssyncadd.s32 $0xFFFFC000  }
0xb9: {  	[tilespmem:s10], [sflag:$0x2] =	stream.indirect.gather [hbm4b:s5+s9], $0x80, s23, s9, $0xb8;
	[tilespmem:$0x1C400] =	vst v63  }
0xba: {  	_ = 	snop  }
0xbb: {  	[spmem:s2] =	stream.indirect.scatter.add.f32 [tilespmem:s7], [sflag:$0x3], $0x80, s24, s9, $0xb8;
	[tilespmem:$0x1C400] =	vst v63  }
0xbc: {  	_ =	swait.ge [sflag:s6], $0x4000  }
0xbd: {  	[sflag:s6] =	ssyncset.done $0x0  }
0xbe: {  	[sflag:s6] =	ssyncadd.s32 $0xFFFFC000  }
0xbf: {  	_ =	swait.ge [sflag:s11], $0x4000  }
0xc0: {  	[sflag:s11] =	ssyncset.done $0x0  }
0xc1: {  	[sflag:s11] =	ssyncadd.s32 $0xFFFFC000  }
0xc2: {  	[tilespmem:s7], [sflag:$0x1] =	stream.indirect.gather [hbm4b:s5+s9], $0x80, s25, s9, $0xb8;
	[tilespmem:$0x1C400] =	vst v63  }
0xc3: {  	_ = 	snop  }
0xc4: {  	[spmem:s2] =	stream.indirect.scatter.add.f32 [tilespmem:s10], [sflag:$0x3], $0x80, s26, s9, $0xb8;
	[tilespmem:$0x1C400] =	vst v63  }
0xc5: {  	_ =	swait.ge [sflag:s6], $0x4000  }
0xc6: {  	[sflag:s6] =	ssyncset.done $0x0  }
0xc7: {  	[sflag:s6] =	ssyncadd.s32 $0xFFFFC000  }
0xc8: {  	_ =	swait.ge [sflag:s8], $0x4000  }
0xc9: {  	[sflag:s8] =	ssyncset.done $0x0  }
0xca: {  	[sflag:s8] =	ssyncadd.s32 $0xFFFFC000  }
0xcb: {  	[tilespmem:s10], [sflag:$0x2] =	stream.indirect.gather [hbm4b:s5+s9], $0x80, s19, s9, $0xb8;
	[tilespmem:$0x1C400] =	vst v63  }
0xcc: {  	_ = 	snop  }
0xcd: {  	[spmem:s2] =	stream.indirect.scatter.add.f32 [tilespmem:s7], [sflag:$0x3], $0x80, s28, s9, $0xb8;
	[tilespmem:$0x1C400] =	vst v63  }
0xce: {  	_ =	swait.ge [sflag:s6], $0x4000  }
0xcf: {  	[sflag:s6] =	ssyncset.done $0x0  }
0xd0: {  	[sflag:s6] =	ssyncadd.s32 $0xFFFFC000  }
0xd1: {  	_ =	swait.ge [sflag:s11], $0x4000  }
0xd2: {  	[sflag:s11] =	ssyncset.done $0x0  }
0xd3: {  	[sflag:s11] =	ssyncadd.s32 $0xFFFFC000  }
0xd4: {  	[tilespmem:s7], [sflag:$0x1] =	stream.indirect.gather [hbm4b:s5+s9], $0x80, s19, s9, $0xb8;
	[tilespmem:$0x1C400] =	vst v63  }
0xd5: {  	_ = 	snop  }
0xd6: {  	[spmem:s2] =	stream.indirect.scatter.add.f32 [tilespmem:s10], [sflag:$0x3], $0x80, s29, s9, $0xb8;
	[tilespmem:$0x1C400] =	vst v63  }
.Ltmp2:
0xd7: {  	_ =	swait.ge [sflag:s6], $0x4000;
	(pc) =	sbr.rel @p0 .LBB2_4-.Ltmp2, $4  }
0xd8: {  	[sflag:s6] =	ssyncset.done $0x0  }
0xd9: {  	[sflag:s6] =	ssyncadd.s32 $0xFFFFC000  }
0xda: {  	_ =	swait.ge [sflag:s8], $0x4000  }
0xdb: {  	s31 =	smov.u32 s0;
	[sflag:s8] =	ssyncset.done $0x0  }
0xdc: {  	s0 =	sadd.s32 s30, s14;
	[sflag:s8] =	ssyncadd.s32 $0xFFFFC000  }
0xdd: {  	[tilespmem:s12], [sflag:$0x3] =	stream.linear.gather [hbm4b:s0+s12], $0x400, $0x38;
	[tilespmem:$0x1C400] =	vst v63  }
0xde: {  	_ =	swait.ge [sflag:s6], $0x400  }
0xdf: {  	[sflag:s6] =	ssyncset.done $0x0  }
0xe0: {  	s15 =	sadd.s32 s30, s15;
	[sflag:s6] =	ssyncadd.s32 $0xFFFFFC00  }
0xe1: {  	[tilespmem:s13], [sflag:$0x3] =	stream.linear.gather [hbm4b:s15+s12], $0x400, $0x38;
	[tilespmem:$0x1C400] =	vst v63  }
0xe2: {  	_ =	swait.ge [sflag:s6], $0x400  }
0xe3: {  	[sflag:s6] =	ssyncset.done $0x0  }
0xe4: {  	[sflag:s6] =	ssyncadd.s32 $0xFFFFFC00  }
0xe5: {  	[tilespmem:s7], [sflag:$0x1] =	stream.indirect.gather [hbm4b:s5+s9], $0x80, s12, s9, $0xb8;
	[tilespmem:$0x1C400] =	vst v63  }
0xe6: {  	_ =	swait.ge [sflag:s8], $0x4000  }
0xe7: {  	[sflag:s8] =	ssyncset.done $0x0  }
0xe8: {  	[sflag:s8] =	ssyncadd.s32 $0xFFFFC000  }
0xe9: {  	[tilespmem:s10], [sflag:$0x2] =	stream.indirect.gather [hbm4b:s5+s9], $0x80, s9, s9, $0xb8;
	[tilespmem:$0x1C400] =	vst v63  }
0xea: {  	_ = 	snop  }
0xeb: {  	[spmem:s2] =	stream.indirect.scatter.add.f32 [tilespmem:s7], [sflag:$0x3], $0x80, s13, s9, $0xb8;
	[tilespmem:$0x1C400] =	vst v63  }
0xec: {  	_ =	swait.ge [sflag:s6], $0x4000  }
0xed: {  	[sflag:s6] =	ssyncset.done $0x0  }
0xee: {  	[sflag:s6] =	ssyncadd.s32 $0xFFFFC000  }
0xef: {  	_ =	swait.ge [sflag:s11], $0x4000  }
0xf0: {  	[sflag:s11] =	ssyncset.done $0x0  }
0xf1: {  	[sflag:s11] =	ssyncadd.s32 $0xFFFFC000  }
0xf2: {  	[tilespmem:s7], [sflag:$0x1] =	stream.indirect.gather [hbm4b:s5+s9], $0x80, s16, s9, $0xb8;
	[tilespmem:$0x1C400] =	vst v63  }
0xf3: {  	_ = 	snop  }
0xf4: {  	[spmem:s2] =	stream.indirect.scatter.add.f32 [tilespmem:s10], [sflag:$0x3], $0x80, s17, s9, $0xb8;
	[tilespmem:$0x1C400] =	vst v63  }
0xf5: {  	_ =	swait.ge [sflag:s6], $0x4000  }
0xf6: {  	[sflag:s6] =	ssyncset.done $0x0  }
0xf7: {  	[sflag:s6] =	ssyncadd.s32 $0xFFFFC000  }
0xf8: {  	_ =	swait.ge [sflag:s8], $0x4000  }
0xf9: {  	[sflag:s8] =	ssyncset.done $0x0  }
0xfa: {  	[sflag:s8] =	ssyncadd.s32 $0xFFFFC000  }
0xfb: {  	[tilespmem:s10], [sflag:$0x2] =	stream.indirect.gather [hbm4b:s5+s9], $0x80, s18, s9, $0xb8;
	[tilespmem:$0x1C400] =	vst v63  }
0xfc: {  	_ = 	snop  }
0xfd: {  	[spmem:s2] =	stream.indirect.scatter.add.f32 [tilespmem:s7], [sflag:$0x3], $0x80, s20, s9, $0xb8;
	[tilespmem:$0x1C400] =	vst v63  }
0xfe: {  	_ =	swait.ge [sflag:s6], $0x4000  }
0xff: {  	[sflag:s6] =	ssyncset.done $0x0  }
0x100: {  	[sflag:s6] =	ssyncadd.s32 $0xFFFFC000  }
0x101: {  	_ =	swait.ge [sflag:s11], $0x4000  }
0x102: {  	[sflag:s11] =	ssyncset.done $0x0  }
0x103: {  	[sflag:s11] =	ssyncadd.s32 $0xFFFFC000  }
0x104: {  	[tilespmem:s7], [sflag:$0x1] =	stream.indirect.gather [hbm4b:s5+s9], $0x80, s21, s9, $0xb8;
	[tilespmem:$0x1C400] =	vst v63  }
0x105: {  	_ = 	snop  }
0x106: {  	[spmem:s2] =	stream.indirect.scatter.add.f32 [tilespmem:s10], [sflag:$0x3], $0x80, s22, s9, $0xb8;
	[tilespmem:$0x1C400] =	vst v63  }
0x107: {  	_ =	swait.ge [sflag:s6], $0x4000  }
0x108: {  	[sflag:s6] =	ssyncset.done $0x0  }
0x109: {  	[sflag:s6] =	ssyncadd.s32 $0xFFFFC000  }
0x10a: {  	_ =	swait.ge [sflag:s8], $0x4000  }
0x10b: {  	[sflag:s8] =	ssyncset.done $0x0  }
0x10c: {  	[sflag:s8] =	ssyncadd.s32 $0xFFFFC000  }
0x10d: {  	[tilespmem:s10], [sflag:$0x2] =	stream.indirect.gather [hbm4b:s5+s9], $0x80, s23, s9, $0xb8;
	[tilespmem:$0x1C400] =	vst v63  }
0x10e: {  	_ = 	snop  }
0x10f: {  	[spmem:s2] =	stream.indirect.scatter.add.f32 [tilespmem:s7], [sflag:$0x3], $0x80, s24, s9, $0xb8;
	[tilespmem:$0x1C400] =	vst v63  }
0x110: {  	_ =	swait.ge [sflag:s6], $0x4000  }
0x111: {  	[sflag:s6] =	ssyncset.done $0x0  }
0x112: {  	[sflag:s6] =	ssyncadd.s32 $0xFFFFC000  }
0x113: {  	_ =	swait.ge [sflag:s11], $0x4000  }
0x114: {  	[sflag:s11] =	ssyncset.done $0x0  }
0x115: {  	[sflag:s11] =	ssyncadd.s32 $0xFFFFC000  }
0x116: {  	[tilespmem:s7], [sflag:$0x1] =	stream.indirect.gather [hbm4b:s5+s9], $0x80, s25, s9, $0xb8;
	[tilespmem:$0x1C400] =	vst v63  }
0x117: {  	_ = 	snop  }
0x118: {  	[spmem:s2] =	stream.indirect.scatter.add.f32 [tilespmem:s10], [sflag:$0x3], $0x80, s26, s9, $0xb8;
	[tilespmem:$0x1C400] =	vst v63  }
0x119: {  	_ =	swait.ge [sflag:s6], $0x4000  }
0x11a: {  	[sflag:s6] =	ssyncset.done $0x0  }
0x11b: {  	[sflag:s6] =	ssyncadd.s32 $0xFFFFC000  }
0x11c: {  	_ =	swait.ge [sflag:s8], $0x4000  }
0x11d: {  	[sflag:s8] =	ssyncset.done $0x0  }
0x11e: {  	[sflag:s8] =	ssyncadd.s32 $0xFFFFC000  }
0x11f: {  	[tilespmem:s10], [sflag:$0x2] =	stream.indirect.gather [hbm4b:s5+s9], $0x80, s19, s9, $0xb8;
	[tilespmem:$0x1C400] =	vst v63  }
0x120: {  	_ = 	snop  }
0x121: {  	[spmem:s2] =	stream.indirect.scatter.add.f32 [tilespmem:s7], [sflag:$0x3], $0x80, s28, s9, $0xb8;
	[tilespmem:$0x1C400] =	vst v63  }
0x122: {  	_ =	swait.ge [sflag:s6], $0x4000  }
0x123: {  	[sflag:s6] =	ssyncset.done $0x0  }
0x124: {  	[sflag:s6] =	ssyncadd.s32 $0xFFFFC000  }
0x125: {  	_ =	swait.ge [sflag:s11], $0x4000  }
0x126: {  	[sflag:s11] =	ssyncset.done $0x0  }
0x127: {  	[sflag:s11] =	ssyncadd.s32 $0xFFFFC000  }
0x128: {  	[tilespmem:s7], [sflag:$0x1] =	stream.indirect.gather [hbm4b:s5+s9], $0x80, s19, s9, $0xb8;
	[tilespmem:$0x1C400] =	vst v63  }
0x129: {  	_ = 	snop  }
0x12a: {  	[spmem:s2] =	stream.indirect.scatter.add.f32 [tilespmem:s10], [sflag:$0x3], $0x80, s29, s9, $0xb8;
	[tilespmem:$0x1C400] =	vst v63  }
0x12b: {  	_ =	swait.ge [sflag:s6], $0x4000  }
0x12c: {  	[sflag:s6] =	ssyncset.done $0x0  }
0x12d: {  	[sflag:s6] =	ssyncadd.s32 $0xFFFFC000  }
0x12e: {  	_ =	swait.ge [sflag:s8], $0x4000  }
0x12f: {  	[sflag:s8] =	ssyncset.done $0x0  }
0x130: {  	s14 =	stileid.u32;
	[sflag:s8] =	ssyncadd.s32 $0xFFFFC000  }
0x131: {  	s1 =	sshrl.u32 s3, $0x3;
	s29 =	sshll.u32 s14, $0x6;
	[bflag:$0x0] =	sbarrier.arrive $0xFFFF  }
0x132: {  	s31 =	simm.s32 $0x3;
	s0 =	sor.u32 $0x1C03, s29;
	s30 =	rddreg [dreg:$0x3]  }
0x133: {  	[hbm:s30], [sflag:s0] =	dma.local [spmem:s1], $0x2780  }
0x134: {  	_ =	swait.ge [sflag:s31], $0x2780  }
0x135: {  	[sflag:s31] =	ssyncset.done $0x0  }
0x136: {  	[sflag:s31] =	ssyncadd.s32 $0xFFFFD880  }
0x137: {  	s3 =	rddreg [dreg:$0x2]  }
.LBB2_6:
0x138: {  	_ =	sfence.sel $0x180000  }
0x139: {  	[bflag:$0x0] =	sbarrier.arrive $0xFFFF  }
0x13a: {  	p0 =	sne.s32 s14, $0x0;
	_ =	strace $0x9000004D  }
0x13b: {  	s0 =	sadd.s32 @!p0 $0x100000, s3;
	[bflag:$0x2] =	sbarrier.arrive $0xFFFF  }
0x13c: {  	[sflag:s0] =	ssyncadd.tile.s32 @!p0 $0x1;
	_ =	shalt  }
.Lfunc_end2:
_tile_overlayer_lowered:
.L_overlay_start_2:
0x13d: {  	(tag) =	ssettag $0x2  }
0x13e: {  	s0 =	rddreg [dreg:$0x0];
	s2 =	stileid.u32  }
0x13f: {  	s1 =	rddreg [dreg:$0x1];
	p0 =	sne.s32 s2, $0x0  }
0x140: {  	s3 =	rddreg [dreg:$0x2];
	[bflag:$0x3] =	sbarrier.arrive $0xFFFF;
	s2 =	simm.s32 @!p0 $0x1C03  }
0x141: {  	[timem:s3], [sflag:s2] =	dma.local @!p0 [hbm:s0], s1  }
0x142: {  	s0 =	simm.s32 @!p0 $0x3  }
0x143: {  	_ =	swait.ge @!p0 [sflag:s0], s1  }
0x144: {  	s1 =	ssub.s32 @!p0 $0x0, s1;
	[sflag:s0] =	ssyncset.done @!p0 $0x0  }
0x145: {  	[sflag:s0] =	ssyncadd.s32 @!p0 s1  }
0x146: {  	[bflag:$0x3] =	sbarrier.arrive $0xFFFF  }
0x147: {  	_ =	shalt  }

// kernel: kernel.8.cloned.1.call-start
scs
__scs_entry_jumppad:
0x0: {  	(pc) =	sbr.rel $0x88, $3  }
0x1: {  	(tag) =	ssettag $0x0;
	lr =	simm.s32 $0x1  }
0x2: {  	[smem:$0x3F8D] =	sst lr;
	_ =	strace $0xD0000000  }
0x3: {  	_ = 	snop  }
0x4: {  	_ = 	snop  }
0x5: {  	_ = 	snop  }
0x6: {  	_ = 	snop  }
0x7: {  	_ = 	snop  }
__scs_overlays_trampoline_lowered:
0x8: {  	[smem:$0x3F9C] =	sst s0  }
0x9: {  	[smem:$0x3F9D] =	sst s1  }
0xa: {  	[smem:$0x3F9E] =	sst s2  }
0xb: {  	[smem:$0x3F9F] =	sst s3  }
0xc: {  	[smem:$0x3FA0] =	sst s4  }
0xd: {  	[smem:$0x3FA1] =	sst s5  }
0xe: {  	[smem:$0x3FA2] =	sst s6  }
0xf: {  	[smem:$0x3FA3] =	sst s7  }
0x10: {  	[smem:$0x3FA4] =	sst s8  }
0x11: {  	[smem:$0x3FA5] =	sst s9;
	s0 =	simm.s32 @!p0 $0x0  }
0x12: {  	s1 =	sld [smem:$0x3F8B];
	s0 =	simm.s32 @p0 $0x1  }
0x13: {  	[smem:$0x3FA6] =	sst s0;
	s0 =	simm.s32 @!p1 $0x0  }
0x14: {  	s2 =	sld [smem:$0x3F8A];
	s0 =	simm.s32 @p1 $0x1  }
0x15: {  	[smem:$0x3FA7] =	sst s0;
	s0 =	simm.s32 @!p2 $0x0  }
0x16: {  	s3 =	sld [smem:$0x3FDB];
	s0 =	simm.s32 @p2 $0x1  }
0x17: {  	s4 =	simm.s32 $0x1BF5;
	[smem:$0x3FA9] =	sst s0  }
0x18: {  	s0 =	sld [smem:$0x3F8C];
	_ =	swait.ge [sflag:s4], $0x0  }
0x19: {  	s7 =	sld [smem:$0x3F8D]  }
0x1a: {  	s8 =	sadd.s32 $0xFFFFE003, lr  }
0x1b: {  	s9 =	sadd.s32 $0xFFFFFEF7, lr;
	s5 =	simm.s32 $0xFFFFFFFF;
	p2 =	slt.u32 s8, $0xFFFFF086  }
0x1c: {  	p1 =	slt.u32 s9, $0xF7A;
	s5 =	simm.s32 @!p2 $0x0  }
0x1d: {  	s5 =	simm.s32 @p1 $0x1;
	p0 =	seq.s32 s7, s2  }
0x1e: {  	s7 =	smul.u32 @!p0 $0xF7A, s2;
	p2 =	seq.s32 @!p0 s5, $0x0  }
0x1f: {  	s9 =	smul.u32 $0xF7A, s1;
	s8 =	simm.s32 @!p0 $0x1BF5;
	p2 =	por !p2, p0  }
0x20: {  	[sflag:s8] =	ssyncset.s32 @!p0 $0xFFFFF086;
	s6 =	sadd.s32 @!p0 s3, s7;
	s7 =	simm.s32 @!p0 $0x108  }
0x21: {  	s3 =	sadd.s32 s3, s9;
	s6 =	sadd.s32 @!p0 $0x88, s6;
	s7 =	simm.s32 @p2 $0x1082  }
0x22: {  	[simem:s7], [sflag:s8] =	dma.local @!p0 [hbm:s6], $0xF7A  }
0x23: {  	s9 =	sor.u32 $0xD0000000, s2;
	s6 =	simm.s32 $0x108;
	_ =	swait.ge @!p0 [sflag:s8], $0x0  }
0x24: {  	s3 =	sadd.s32 $0x88, s3;
	s6 =	simm.s32 @!p1 $0x1082;
	[sflag:s4] =	ssyncset.s32 $0xFFFFF086  }
0x25: {  	[simem:s6], [sflag:s4] =	dma.local [hbm:s3], $0xF7A  }
0x26: {  	[smem:$0x3F8D] =	sst s1;
	(tag) =	ssettag s2;
	_ =	strace s9  }
0x27: {  	s1 =	sld [smem:$0x3F9D]  }
0x28: {  	s2 =	sld [smem:$0x3F9E]  }
0x29: {  	s4 =	sld [smem:$0x3FA0]  }
0x2a: {  	p0 =	seq.s32 s5, $0x0;
	s5 =	sld [smem:$0x3FA1]  }
0x2b: {  	s6 =	sld [smem:$0x3FA2]  }
0x2c: {  	s7 =	sld [smem:$0x3FA3]  }
0x2d: {  	s3 =	simm.s32 $0x108;
	s8 =	sld [smem:$0x3FA4]  }
0x2e: {  	s3 =	simm.s32 @!p0 $0x1082;
	s9 =	sld [smem:$0x3FA5]  }
0x2f: {  	lr =	sadd.s32 s0, s3;
	s0 =	sld [smem:$0x3F9C]  }
0x30: {  	s3 =	sld [smem:$0x3F9F]  }
0x31: {  	[smem:$0x3FA8] =	sst s10  }
0x32: {  	s10 =	sld [smem:$0x3FA6];
	_ =	sdelay $0x3  }
0x33: {  	p0 =	seq.s32 s10, $0x1;
	s10 =	sld [smem:$0x3FA8];
	_ =	sdelay $0x3  }
0x34: {  	[smem:$0x3FA8] =	sst s10  }
0x35: {  	s10 =	sld [smem:$0x3FA7];
	_ =	sdelay $0x3  }
0x36: {  	p1 =	seq.s32 s10, $0x1;
	s10 =	sld [smem:$0x3FA8];
	_ =	sdelay $0x3  }
0x37: {  	[smem:$0x3FA8] =	sst s10  }
0x38: {  	s10 =	sld [smem:$0x3FA9]  }
0x39: {  	_ = 	snop;
	(pc) =	sbr.ind lr, $3  }
0x3a: {  	_ = 	snop  }
0x3b: {  	_ = 	snop  }
0x3c: {  	p2 =	seq.s32 s10, $0x1;
	s10 =	sld [smem:$0x3FA8]  }
0x3d: {  	_ =	shalt  }
0x3e: {  	_ =	shalt  }
0x3f: {  	_ =	shalt  }
0x40: {  	_ =	shalt  }
0x41: {  	_ =	shalt  }
0x42: {  	_ =	shalt  }
0x43: {  	_ =	shalt  }
0x44: {  	_ =	shalt  }
0x45: {  	_ =	shalt  }
0x46: {  	_ =	shalt  }
0x47: {  	_ =	shalt  }
0x48: {  	_ =	shalt  }
0x49: {  	_ =	shalt  }
0x4a: {  	_ =	shalt  }
0x4b: {  	_ =	shalt  }
0x4c: {  	_ =	shalt  }
0x4d: {  	_ =	shalt  }
0x4e: {  	_ =	shalt  }
0x4f: {  	_ =	shalt  }
0x50: {  	_ =	shalt  }
0x51: {  	_ =	shalt  }
0x52: {  	_ =	shalt  }
0x53: {  	_ =	shalt  }
0x54: {  	_ =	shalt  }
0x55: {  	_ =	shalt  }
0x56: {  	_ =	shalt  }
0x57: {  	_ =	shalt  }
0x58: {  	_ =	shalt  }
0x59: {  	_ =	shalt  }
0x5a: {  	_ =	shalt  }
0x5b: {  	_ =	shalt  }
0x5c: {  	_ =	shalt  }
0x5d: {  	_ =	shalt  }
0x5e: {  	_ =	shalt  }
0x5f: {  	_ =	shalt  }
0x60: {  	_ =	shalt  }
0x61: {  	_ =	shalt  }
0x62: {  	_ =	shalt  }
0x63: {  	_ =	shalt  }
0x64: {  	_ =	shalt  }
0x65: {  	_ =	shalt  }
0x66: {  	_ =	shalt  }
0x67: {  	_ =	shalt  }
0x68: {  	_ =	shalt  }
0x69: {  	_ =	shalt  }
0x6a: {  	_ =	shalt  }
0x6b: {  	_ =	shalt  }
0x6c: {  	_ =	shalt  }
0x6d: {  	_ =	shalt  }
0x6e: {  	_ =	shalt  }
0x6f: {  	_ =	shalt  }
0x70: {  	_ =	shalt  }
0x71: {  	_ =	shalt  }
0x72: {  	_ =	shalt  }
0x73: {  	_ =	shalt  }
0x74: {  	_ =	shalt  }
0x75: {  	_ =	shalt  }
0x76: {  	_ =	shalt  }
0x77: {  	_ =	shalt  }
0x78: {  	_ =	shalt  }
0x79: {  	_ =	shalt  }
0x7a: {  	_ =	shalt  }
0x7b: {  	_ =	shalt  }
0x7c: {  	_ =	shalt  }
0x7d: {  	_ =	shalt  }
0x7e: {  	_ =	shalt  }
0x7f: {  	_ =	shalt  }
0x80: {  	_ =	shalt  }
0x81: {  	_ =	shalt  }
0x82: {  	_ =	shalt  }
0x83: {  	_ =	shalt  }
0x84: {  	_ =	shalt  }
0x85: {  	_ =	shalt  }
0x86: {  	_ =	shalt  }
0x87: {  	_ =	shalt  }
.Lfunc_end0:
.L_simem_size_0:
called_computation_lowered:
.L_overlay_start_0:
0x88: {  	s2 =	sld [smem:$0x3FD9]  }
0x89: {  	s3 =	sld [smem:$0x3FFE];
	_ =	sdelay $0x1  }
0x8a: {  	s1 =	srdreg.scid  }
0x8b: {  	s0 =	sand.u32 $0x1, s1  }
0x8c: {  	s17 =	sshll.u32 s0, $0xA;
	s2 =	sadd.s32 s3, s2  }
0x8d: {  	s2 =	sadd.s32 s2, s17  }
0x8e: {  	[smem:$0x3FB4] =	sst s2  }
0x8f: {  	_ = 	snop  }
0x90: {  	s2 =	sld [smem:$0x3FC8];
	(tm) =	ssettm $0x1  }
0x91: {  	s18 =	sld [smem:$0x3FFB];
	_ =	sdelay $0x3  }
0x92: {  	_ =	strace s18  }
0x93: {  	s3 =	sld [smem:$0x3FFC];
	_ =	sdelay $0x3  }
0x94: {  	_ =	strace s3  }
0x95: {  	s3 =	sld [smem:$0x3FFD];
	_ =	sdelay $0x3  }
0x96: {  	_ =	strace s3  }
0x97: {  	_ =	strace $0x8FFFFFFF  }
0x98: {  	s19 =	sld [smem:$0x3FDB];
	_ =	sdelay $0x1  }
0x99: {  	s4 =	simm.s32 $_scs_section_size  }
0x9a: {  	s5 =	simm.s32 $_size__tile_overlayer_lowered;
	s6 =	simm.s32 $_tile_overlayer_lowered  }
0x9b: {  	s22 =	simm.s32 $0x1BFF;
	s21 =	sshll.u32 s6, $0x1;
	s3 =	sadd.s32 s4, s19  }
0x9c: {  	s7 =	simm.s32 $0x0;
	s20 =	sshll.u32 s5, $0x1;
	s5 =	sadd.s32 s21, s3  }
0x9d: {  	[timem:s7], [sflag:s22] =	dma.local [hbm:s5], s20  }
0x9e: {  	_ =	swait.ge [sflag:s22], s20  }
0x9f: {  	s4 =	ssub.s32 $0x0, s20;
	[sflag:s22] =	ssyncset.done $0x0  }
0xa0: {  	[sflag:s22] =	ssyncadd.s32 s4;
	_ =	sdelay $0x1  }
0xa1: {  	s23 =	simm.s32 $0x1B8B  }
0xa2: {  	_ =	swait.ge [sflag:s23], $0x1  }
0xa3: {  	[sflag:s23] =	ssyncset.done $0x0  }
0xa4: {  	s25 =	simm.s32 $0x1B8E;
	s24 =	sld [smem:$0x3FFE];
	[sflag:s23] =	ssyncadd.s32 $0xFFFFFFFF  }
0xa5: {  	s26 =	simm.s32 $execute0_lowered;
	[smem:$0x3FD2] =	sst s25  }
0xa6: {  	s5 =	sshll.u32 s26, $0x1;
	_ =	strace $0x80000046;
	[dreg:$0x1] =	wrdreg $0xFFFFFFFF  }
0xa7: {  	s28 =	simm.s32 $_size_execute0_lowered;
	s3 =	sadd.s32 s3, s5;
	[dreg:$0x0] =	wrdreg $0x0  }
0xa8: {  	s5 =	sshll.u32 s28, $0x1;
	[dreg:$0x2] =	wrdreg s3  }
0xa9: {  	[dreg:$0x3] =	wrdreg s5  }
0xaa: {  	[dreg:$0x4] =	wrdreg $0xC0  }
0xab: {  	_ =	task [dreg:s7], $0x5FFFF  }
0xac: {  	[dreg:$0x1] =	wrdreg $0xFFFFFFFF  }
0xad: {  	[dreg:$0x0] =	wrdreg $0x60  }
0xae: {  	[dreg:$0x2] =	wrdreg s2  }
0xaf: {  	[dreg:$0x3] =	wrdreg s24  }
0xb0: {  	[dreg:$0x4] =	wrdreg $0x88000  }
0xb1: {  	[dreg:$0x5] =	wrdreg $0x9  }
0xb2: {  	_ =	task.clear_ibuf [dreg:s7], $0x6FFFF;
	_ =	strace $0x90000046  }
0xb3: {  	s29 =	simm.s32 $0x9;
	_ =	strace $0x80000048  }
0xb4: {  	_ =	swait.ge [sflag:s29], $0x1  }
0xb5: {  	[sflag:s29] =	ssyncadd.s32 $0xFFFFFFFF  }
0xb6: {  	_ =	strace $0x90000048  }
0xb7: {  	_ =	sfence  }
0xb8: {  	s30 =	sld [smem:$0x0];
	_ =	sdelay $0x2  }
0xb9: {  	s31 =	sshll.u32 s1, $0xD;
	s1 =	sshrl.u32 s1, $0x2  }
0xba: {  	s3 =	sand.u32 $0x4000, s31;
	s1 =	sadd.s32 s1, s30  }
0xbb: {  	s0 =	sor.u32 s3, s0;
	s1 =	sshll.u32 s1, $0x11  }
0xbc: {  	s0 =	sor.u32 s1, s0  }
0xbd: {  	s0 =	sadd.s32 $0x8F2B, s0  }
0xbe: {  	[sflag:s0] =	ssyncadd.remote.s32 $0x1  }
0xbf: {  	_ =	sfence.sel $0xFFFF  }
0xc0: {  	[dreg:$0x0] =	wrdreg $0xFFFFFFFF;
	(pc) =	sbr.abs _section_cstart, $3  }
0xc1: {  	[dreg:$0x1] =	wrdreg $0xFFFFFFFF  }
0xc2: {  	_ =	task.clear_ibuf [dreg:s7], $0x2FFFF;
	_ =	strace $0x9FFFFFFF  }
0xc3: {  	(tm) =	ssettm $0x7FFFFFFF  }
tec
execute0_lowered:
.L_overlay_start_1:
0x0: {  	(tag) =	ssettag $0x1  }
0x1: {  	s0 =	srdreg.scid  }
0x2: {  	s0 =	sand.u32 $0x1, s0  }
0x3: {  	p0 =	seq.s32 s0, $0x1  }
.Ltmp0:
0x4: {  	s2 =	rddreg [dreg:$0x0];
	(pc) =	sbr.rel @p0 .LBB2_6-.Ltmp0, $4  }
0x5: {  	s5 =	rddreg [dreg:$0x1]  }
0x6: {  	s3 =	rddreg [dreg:$0x2];
	s1 =	simm.s32 $0x0  }
0x7: {  	[smem:$0x7FF] =	sst s1  }
0x8: {  	s4 =	rddreg [dreg:$0x3];
	s14 =	stileid.u32;
	_ =	strace $0x80000047  }
0x9: {  	s0 =	smul.u32 $0x4F000, s14  }
0xa: {  	s6 =	smul.u32 $0x2780, s14;
	s9 =	sadd.s32 $0xE000, s5  }
0xb: {  	s8 =	sadd.s32 $0x4000, s5;
	s7 =	simm.s32 $0x200;
	s0 =	sshrl.u32 s0, $0x2  }
0xc: {  	s31 =	sadd.s32 s6, s5;
	s6 =	simm.s32 $0x0;
	s4 =	sadd.s32 s0, s3  }
0xd: {  	s0 =	sadd.s32 $0x18000, s31;
	s13 =	sadd.s32 $0x4000, s4;
	s12 =	sadd.s32 $0x8000, s4  }
0xe: {  	v0 =	vimm.f32 $0.0e+00;
	s11 =	sadd.s32 $0xC000, s4;
	s10 =	sadd.s32 $0x10000, s4;
	[dreg:$0x4] =	wrdreg s0  }
.LBB2_2:
0xf: {  	p0 =	sne.s32 s7, $0xFE00;
	[tilespmem:s6+$0x870] =	vst v0  }
0x10: {  	[tilespmem:s6+$0x800] =	vst v0  }
0x11: {  	[tilespmem:s6+$0x810] =	vst v0  }
.Ltmp1:
0x12: {  	[tilespmem:s6+$0x820] =	vst v0;
	(pc) =	sbr.rel @p0 .LBB2_2-.Ltmp1, $4  }
0x13: {  	[tilespmem:s6+$0x830] =	vst v0  }
0x14: {  	[tilespmem:s6+$0x840] =	vst v0  }
0x15: {  	[tilespmem:s6+$0x850] =	vst v0  }
0x16: {  	[tilespmem:s6+$0x860] =	vst v0;
	s6 =	sshra.s32 s7, $0x2;
	s7 =	sadd.s32 $0x200, s7  }
0x17: {  	[tilespmem:s6+$0x870] =	vst v0  }
0x18: {  	[tilespmem:s6+$0x800] =	vst v0  }
0x19: {  	[tilespmem:s6+$0x810] =	vst v0  }
0x1a: {  	[tilespmem:s6+$0x820] =	vst v0  }
0x1b: {  	[tilespmem:s6+$0x830] =	vst v0  }
0x1c: {  	[tilespmem:s6+$0x840] =	vst v0  }
0x1d: {  	[tilespmem:s6+$0x850] =	vst v0  }
0x1e: {  	[tilespmem:s6+$0x860] =	vst v0;
	s7 =	simm.s32 $0x800;
	s6 =	simm.s32 $0x3  }
0x1f: {  	[spmem:s4] =	stream.linear.scatter [tilespmem:s7], [sflag:$0x3], $0x4000, $0x38;
	[tilespmem:$0x1C400] =	vst v63  }
0x20: {  	_ =	swait.ge [sflag:s6], $0x4000  }
0x21: {  	[sflag:s6] =	ssyncset.done $0x0  }
0x22: {  	[sflag:s6] =	ssyncadd.s32 $0xFFFFC000  }
0x23: {  	[spmem:s13] =	stream.linear.scatter [tilespmem:s7], [sflag:$0x3], $0x4000, $0x38;
	[tilespmem:$0x1C400] =	vst v63  }
0x24: {  	_ =	swait.ge [sflag:s6], $0x4000  }
0x25: {  	[sflag:s6] =	ssyncset.done $0x0  }
0x26: {  	[sflag:s6] =	ssyncadd.s32 $0xFFFFC000  }
0x27: {  	[spmem:s12] =	stream.linear.scatter [tilespmem:s7], [sflag:$0x3], $0x4000, $0x38;
	[tilespmem:$0x1C400] =	vst v63  }
0x28: {  	_ =	swait.ge [sflag:s6], $0x4000  }
0x29: {  	[sflag:s6] =	ssyncset.done $0x0  }
0x2a: {  	[sflag:s6] =	ssyncadd.s32 $0xFFFFC000  }
0x2b: {  	[spmem:s11] =	stream.linear.scatter [tilespmem:s7], [sflag:$0x3], $0x4000, $0x38;
	[tilespmem:$0x1C400] =	vst v63  }
0x2c: {  	_ =	swait.ge [sflag:s6], $0x4000  }
0x2d: {  	[sflag:s6] =	ssyncset.done $0x0  }
0x2e: {  	[sflag:s6] =	ssyncadd.s32 $0xFFFFC000  }
0x2f: {  	[spmem:s10] =	stream.linear.scatter [tilespmem:s7], [sflag:$0x3], $0x3C00, $0x38;
	[tilespmem:$0x1C400] =	vst v63  }
0x30: {  	s0 =	smul.u32 $0xA00, s14;
	_ =	swait.ge [sflag:s6], $0x3C00  }
0x31: {  	[sflag:s6] =	ssyncset.done $0x0  }
0x32: {  	s14 =	sadd.s32 s0, s9;
	[sflag:s6] =	ssyncadd.s32 $0xFFFFC400  }
0x33: {  	s9 =	sadd.s32 $0x0, s14;
	s12 =	simm.s32 $0x0;
	[bflag:$0x0] =	sbarrier.arrive $0xFFFF  }
0x34: {  	[tilespmem:s12], [sflag:$0x3] =	stream.linear.gather [hbm4b:s9+s12], $0x400, $0x38;
	[tilespmem:$0x1C400] =	vst v63  }
0x35: {  	_ =	swait.ge [sflag:s6], $0x400  }
0x36: {  	s15 =	sadd.s32 s0, s8;
	[sflag:s6] =	ssyncset.done $0x0  }
0x37: {  	s0 =	sadd.s32 $0x0, s15;
	s13 =	simm.s32 $0x400;
	[sflag:s6] =	ssyncadd.s32 $0xFFFFFC00  }
0x38: {  	[tilespmem:s13], [sflag:$0x3] =	stream.linear.gather [hbm4b:s0+s12], $0x400, $0x38;
	[tilespmem:$0x1C400] =	vst v63  }
0x39: {  	_ =	swait.ge [sflag:s6], $0x400  }
0x3a: {  	[sflag:s6] =	ssyncset.done $0x0  }
0x3b: {  	s8 =	simm.s32 $0x1;
	s9 =	simm.s32 $0x80;
	[sflag:s6] =	ssyncadd.s32 $0xFFFFFC00  }
0x3c: {  	[tilespmem:s7], [sflag:$0x1] =	stream.indirect.gather [hbm4b:s2+s9], $0x80, s12, s9, $0xb8;
	[tilespmem:$0x1C400] =	vst v63  }
0x3d: {  	_ =	swait.ge [sflag:s8], $0x4000  }
0x3e: {  	[sflag:s8] =	ssyncset.done $0x0  }
0x3f: {  	s10 =	simm.s32 $0x4800;
	[sflag:s8] =	ssyncadd.s32 $0xFFFFC000  }
0x40: {  	[tilespmem:s10], [sflag:$0x2] =	stream.indirect.gather [hbm4b:s2+s9], $0x80, s9, s9, $0xb8;
	[tilespmem:$0x1C400] =	vst v63  }
0x41: {  	_ = 	snop  }
0x42: {  	[spmem:s3] =	stream.indirect.scatter.add.f32 [tilespmem:s7], [sflag:$0x3], $0x80, s13, s9, $0xb8;
	[tilespmem:$0x1C400] =	vst v63  }
0x43: {  	_ =	swait.ge [sflag:s6], $0x4000  }
0x44: {  	[sflag:s6] =	ssyncset.done $0x0  }
0x45: {  	s11 =	simm.s32 $0x2;
	[sflag:s6] =	ssyncadd.s32 $0xFFFFC000  }
0x46: {  	_ =	swait.ge [sflag:s11], $0x4000  }
0x47: {  	[sflag:s11] =	ssyncset.done $0x0  }
0x48: {  	s16 =	simm.s32 $0x100;
	[sflag:s11] =	ssyncadd.s32 $0xFFFFC000  }
0x49: {  	[tilespmem:s7], [sflag:$0x1] =	stream.indirect.gather [hbm4b:s2+s9], $0x80, s16, s9, $0xb8;
	[tilespmem:$0x1C400] =	vst v63  }
0x4a: {  	s17 =	simm.s32 $0x480  }
0x4b: {  	[spmem:s3] =	stream.indirect.scatter.add.f32 [tilespmem:s10], [sflag:$0x3], $0x80, s17, s9, $0xb8;
	[tilespmem:$0x1C400] =	vst v63  }
0x4c: {  	_ =	swait.ge [sflag:s6], $0x4000  }
0x4d: {  	[sflag:s6] =	ssyncset.done $0x0  }
0x4e: {  	[sflag:s6] =	ssyncadd.s32 $0xFFFFC000  }
0x4f: {  	_ =	swait.ge [sflag:s8], $0x4000  }
0x50: {  	[sflag:s8] =	ssyncset.done $0x0  }
0x51: {  	s18 =	simm.s32 $0x180;
	[sflag:s8] =	ssyncadd.s32 $0xFFFFC000  }
0x52: {  	[tilespmem:s10], [sflag:$0x2] =	stream.indirect.gather [hbm4b:s2+s9], $0x80, s18, s9, $0xb8;
	[tilespmem:$0x1C400] =	vst v63  }
0x53: {  	s20 =	simm.s32 $0x500  }
0x54: {  	[spmem:s3] =	stream.indirect.scatter.add.f32 [tilespmem:s7], [sflag:$0x3], $0x80, s20, s9, $0xb8;
	[tilespmem:$0x1C400] =	vst v63  }
0x55: {  	_ =	swait.ge [sflag:s6], $0x4000  }
0x56: {  	[sflag:s6] =	ssyncset.done $0x0  }
0x57: {  	[sflag:s6] =	ssyncadd.s32 $0xFFFFC000  }
0x58: {  	_ =	swait.ge [sflag:s11], $0x4000  }
0x59: {  	[sflag:s11] =	ssyncset.done $0x0  }
0x5a: {  	s21 =	simm.s32 $0x200;
	[sflag:s11] =	ssyncadd.s32 $0xFFFFC000  }
0x5b: {  	[tilespmem:s7], [sflag:$0x1] =	stream.indirect.gather [hbm4b:s2+s9], $0x80, s21, s9, $0xb8;
	[tilespmem:$0x1C400] =	vst v63  }
0x5c: {  	s22 =	simm.s32 $0x580  }
0x5d: {  	[spmem:s3] =	stream.indirect.scatter.add.f32 [tilespmem:s10], [sflag:$0x3], $0x80, s22, s9, $0xb8;
	[tilespmem:$0x1C400] =	vst v63  }
0x5e: {  	_ =	swait.ge [sflag:s6], $0x4000  }
0x5f: {  	[sflag:s6] =	ssyncset.done $0x0  }
0x60: {  	[sflag:s6] =	ssyncadd.s32 $0xFFFFC000  }
0x61: {  	_ =	swait.ge [sflag:s8], $0x4000  }
0x62: {  	[sflag:s8] =	ssyncset.done $0x0  }
0x63: {  	s23 =	simm.s32 $0x280;
	[sflag:s8] =	ssyncadd.s32 $0xFFFFC000  }
0x64: {  	[tilespmem:s10], [sflag:$0x2] =	stream.indirect.gather [hbm4b:s2+s9], $0x80, s23, s9, $0xb8;
	[tilespmem:$0x1C400] =	vst v63  }
0x65: {  	s24 =	simm.s32 $0x600  }
0x66: {  	[spmem:s3] =	stream.indirect.scatter.add.f32 [tilespmem:s7], [sflag:$0x3], $0x80, s24, s9, $0xb8;
	[tilespmem:$0x1C400] =	vst v63  }
0x67: {  	_ =	swait.ge [sflag:s6], $0x4000  }
0x68: {  	[sflag:s6] =	ssyncset.done $0x0  }
0x69: {  	[sflag:s6] =	ssyncadd.s32 $0xFFFFC000  }
0x6a: {  	_ =	swait.ge [sflag:s11], $0x4000  }
0x6b: {  	[sflag:s11] =	ssyncset.done $0x0  }
0x6c: {  	s25 =	simm.s32 $0x300;
	[sflag:s11] =	ssyncadd.s32 $0xFFFFC000  }
0x6d: {  	[tilespmem:s7], [sflag:$0x1] =	stream.indirect.gather [hbm4b:s2+s9], $0x80, s25, s9, $0xb8;
	[tilespmem:$0x1C400] =	vst v63  }
0x6e: {  	s26 =	simm.s32 $0x680  }
0x6f: {  	[spmem:s3] =	stream.indirect.scatter.add.f32 [tilespmem:s10], [sflag:$0x3], $0x80, s26, s9, $0xb8;
	[tilespmem:$0x1C400] =	vst v63  }
0x70: {  	_ =	swait.ge [sflag:s6], $0x4000  }
0x71: {  	[sflag:s6] =	ssyncset.done $0x0  }
0x72: {  	[sflag:s6] =	ssyncadd.s32 $0xFFFFC000  }
0x73: {  	_ =	swait.ge [sflag:s8], $0x4000  }
0x74: {  	[sflag:s8] =	ssyncset.done $0x0  }
0x75: {  	s19 =	simm.s32 $0x380;
	[sflag:s8] =	ssyncadd.s32 $0xFFFFC000  }
0x76: {  	[tilespmem:s10], [sflag:$0x2] =	stream.indirect.gather [hbm4b:s2+s9], $0x80, s19, s9, $0xb8;
	[tilespmem:$0x1C400] =	vst v63  }
0x77: {  	s28 =	simm.s32 $0x700  }
0x78: {  	[spmem:s3] =	stream.indirect.scatter.add.f32 [tilespmem:s7], [sflag:$0x3], $0x80, s28, s9, $0xb8;
	[tilespmem:$0x1C400] =	vst v63  }
0x79: {  	_ =	swait.ge [sflag:s6], $0x4000  }
0x7a: {  	[sflag:s6] =	ssyncset.done $0x0  }
0x7b: {  	[sflag:s6] =	ssyncadd.s32 $0xFFFFC000  }
0x7c: {  	_ =	swait.ge [sflag:s11], $0x4000  }
0x7d: {  	[sflag:s11] =	ssyncset.done $0x0  }
0x7e: {  	[sflag:s11] =	ssyncadd.s32 $0xFFFFC000  }
0x7f: {  	[tilespmem:s7], [sflag:$0x1] =	stream.indirect.gather [hbm4b:s2+s9], $0x80, s19, s9, $0xb8;
	[tilespmem:$0x1C400] =	vst v63  }
0x80: {  	s29 =	simm.s32 $0x780  }
0x81: {  	[spmem:s3] =	stream.indirect.scatter.add.f32 [tilespmem:s10], [sflag:$0x3], $0x80, s29, s9, $0xb8;
	[tilespmem:$0x1C400] =	vst v63  }
0x82: {  	_ =	swait.ge [sflag:s6], $0x4000  }
0x83: {  	[sflag:s6] =	ssyncset.done $0x0  }
0x84: {  	[sflag:s6] =	ssyncadd.s32 $0xFFFFC000  }
0x85: {  	_ =	swait.ge [sflag:s8], $0x4000  }
0x86: {  	s30 =	simm.s32 $0x80;
	s31 =	simm.s32 $0x100;
	[sflag:s8] =	ssyncset.done $0x0  }
.LBB2_4:
0x87: {  	s5 =	sadd.s32 s30, s14  }
0x88: {  	[sflag:s8] =	ssyncadd.s32 $0xFFFFC000;
	s1 =	smov.u32 s31;
	s0 =	sadd.s32 $0x80, s31  }
0x89: {  	[tilespmem:s12], [sflag:$0x3] =	stream.linear.gather [hbm4b:s5+s12], $0x400, $0x38;
	[tilespmem:$0x1C400] =	vst v63  }
0x8a: {  	p0 =	sne.s32 s31, $0x980;
	_ =	swait.ge [sflag:s6], $0x400  }
0x8b: {  	[sflag:s6] =	ssyncset.done $0x0  }
0x8c: {  	s5 =	sadd.s32 s30, s15;
	s30 =	smov.u32 s1;
	[sflag:s6] =	ssyncadd.s32 $0xFFFFFC00  }
0x8d: {  	[tilespmem:s13], [sflag:$0x3] =	stream.linear.gather [hbm4b:s5+s12], $0x400, $0x38;
	[tilespmem:$0x1C400] =	vst v63  }
0x8e: {  	_ =	swait.ge [sflag:s6], $0x400  }
0x8f: {  	[sflag:s6] =	ssyncset.done $0x0  }
0x90: {  	[sflag:s6] =	ssyncadd.s32 $0xFFFFFC00  }
0x91: {  	[tilespmem:s7], [sflag:$0x1] =	stream.indirect.gather [hbm4b:s2+s9], $0x80, s12, s9, $0xb8;
	[tilespmem:$0x1C400] =	vst v63  }
0x92: {  	_ =	swait.ge [sflag:s8], $0x4000  }
0x93: {  	[sflag:s8] =	ssyncset.done $0x0  }
0x94: {  	[sflag:s8] =	ssyncadd.s32 $0xFFFFC000  }
0x95: {  	[tilespmem:s10], [sflag:$0x2] =	stream.indirect.gather [hbm4b:s2+s9], $0x80, s9, s9, $0xb8;
	[tilespmem:$0x1C400] =	vst v63  }
0x96: {  	_ = 	snop  }
0x97: {  	[spmem:s3] =	stream.indirect.scatter.add.f32 [tilespmem:s7], [sflag:$0x3], $0x80, s13, s9, $0xb8;
	[tilespmem:$0x1C400] =	vst v63  }
0x98: {  	_ =	swait.ge [sflag:s6], $0x4000  }
0x99: {  	[sflag:s6] =	ssyncset.done $0x0  }
0x9a: {  	[sflag:s6] =	ssyncadd.s32 $0xFFFFC000  }
0x9b: {  	_ =	swait.ge [sflag:s11], $0x4000  }
0x9c: {  	[sflag:s11] =	ssyncset.done $0x0  }
0x9d: {  	[sflag:s11] =	ssyncadd.s32 $0xFFFFC000  }
0x9e: {  	[tilespmem:s7], [sflag:$0x1] =	stream.indirect.gather [hbm4b:s2+s9], $0x80, s16, s9, $0xb8;
	[tilespmem:$0x1C400] =	vst v63  }
0x9f: {  	_ = 	snop  }
0xa0: {  	[spmem:s3] =	stream.indirect.scatter.add.f32 [tilespmem:s10], [sflag:$0x3], $0x80, s17, s9, $0xb8;
	[tilespmem:$0x1C400] =	vst v63  }
0xa1: {  	_ =	swait.ge [sflag:s6], $0x4000  }
0xa2: {  	[sflag:s6] =	ssyncset.done $0x0  }
0xa3: {  	[sflag:s6] =	ssyncadd.s32 $0xFFFFC000  }
0xa4: {  	_ =	swait.ge [sflag:s8], $0x4000  }
0xa5: {  	[sflag:s8] =	ssyncset.done $0x0  }
0xa6: {  	[sflag:s8] =	ssyncadd.s32 $0xFFFFC000  }
0xa7: {  	[tilespmem:s10], [sflag:$0x2] =	stream.indirect.gather [hbm4b:s2+s9], $0x80, s18, s9, $0xb8;
	[tilespmem:$0x1C400] =	vst v63  }
0xa8: {  	_ = 	snop  }
0xa9: {  	[spmem:s3] =	stream.indirect.scatter.add.f32 [tilespmem:s7], [sflag:$0x3], $0x80, s20, s9, $0xb8;
	[tilespmem:$0x1C400] =	vst v63  }
0xaa: {  	_ =	swait.ge [sflag:s6], $0x4000  }
0xab: {  	[sflag:s6] =	ssyncset.done $0x0  }
0xac: {  	[sflag:s6] =	ssyncadd.s32 $0xFFFFC000  }
0xad: {  	_ =	swait.ge [sflag:s11], $0x4000  }
0xae: {  	[sflag:s11] =	ssyncset.done $0x0  }
0xaf: {  	[sflag:s11] =	ssyncadd.s32 $0xFFFFC000  }
0xb0: {  	[tilespmem:s7], [sflag:$0x1] =	stream.indirect.gather [hbm4b:s2+s9], $0x80, s21, s9, $0xb8;
	[tilespmem:$0x1C400] =	vst v63  }
0xb1: {  	_ = 	snop  }
0xb2: {  	[spmem:s3] =	stream.indirect.scatter.add.f32 [tilespmem:s10], [sflag:$0x3], $0x80, s22, s9, $0xb8;
	[tilespmem:$0x1C400] =	vst v63  }
0xb3: {  	_ =	swait.ge [sflag:s6], $0x4000  }
0xb4: {  	[sflag:s6] =	ssyncset.done $0x0  }
0xb5: {  	[sflag:s6] =	ssyncadd.s32 $0xFFFFC000  }
0xb6: {  	_ =	swait.ge [sflag:s8], $0x4000  }
0xb7: {  	[sflag:s8] =	ssyncset.done $0x0  }
0xb8: {  	[sflag:s8] =	ssyncadd.s32 $0xFFFFC000  }
0xb9: {  	[tilespmem:s10], [sflag:$0x2] =	stream.indirect.gather [hbm4b:s2+s9], $0x80, s23, s9, $0xb8;
	[tilespmem:$0x1C400] =	vst v63  }
0xba: {  	_ = 	snop  }
0xbb: {  	[spmem:s3] =	stream.indirect.scatter.add.f32 [tilespmem:s7], [sflag:$0x3], $0x80, s24, s9, $0xb8;
	[tilespmem:$0x1C400] =	vst v63  }
0xbc: {  	_ =	swait.ge [sflag:s6], $0x4000  }
0xbd: {  	[sflag:s6] =	ssyncset.done $0x0  }
0xbe: {  	[sflag:s6] =	ssyncadd.s32 $0xFFFFC000  }
0xbf: {  	_ =	swait.ge [sflag:s11], $0x4000  }
0xc0: {  	[sflag:s11] =	ssyncset.done $0x0  }
0xc1: {  	[sflag:s11] =	ssyncadd.s32 $0xFFFFC000  }
0xc2: {  	[tilespmem:s7], [sflag:$0x1] =	stream.indirect.gather [hbm4b:s2+s9], $0x80, s25, s9, $0xb8;
	[tilespmem:$0x1C400] =	vst v63  }
0xc3: {  	_ = 	snop  }
0xc4: {  	[spmem:s3] =	stream.indirect.scatter.add.f32 [tilespmem:s10], [sflag:$0x3], $0x80, s26, s9, $0xb8;
	[tilespmem:$0x1C400] =	vst v63  }
0xc5: {  	_ =	swait.ge [sflag:s6], $0x4000  }
0xc6: {  	[sflag:s6] =	ssyncset.done $0x0  }
0xc7: {  	[sflag:s6] =	ssyncadd.s32 $0xFFFFC000  }
0xc8: {  	_ =	swait.ge [sflag:s8], $0x4000  }
0xc9: {  	[sflag:s8] =	ssyncset.done $0x0  }
0xca: {  	[sflag:s8] =	ssyncadd.s32 $0xFFFFC000  }
0xcb: {  	[tilespmem:s10], [sflag:$0x2] =	stream.indirect.gather [hbm4b:s2+s9], $0x80, s19, s9, $0xb8;
	[tilespmem:$0x1C400] =	vst v63  }
0xcc: {  	_ = 	snop  }
0xcd: {  	[spmem:s3] =	stream.indirect.scatter.add.f32 [tilespmem:s7], [sflag:$0x3], $0x80, s28, s9, $0xb8;
	[tilespmem:$0x1C400] =	vst v63  }
0xce: {  	_ =	swait.ge [sflag:s6], $0x4000  }
0xcf: {  	[sflag:s6] =	ssyncset.done $0x0  }
0xd0: {  	[sflag:s6] =	ssyncadd.s32 $0xFFFFC000  }
0xd1: {  	_ =	swait.ge [sflag:s11], $0x4000  }
0xd2: {  	[sflag:s11] =	ssyncset.done $0x0  }
0xd3: {  	[sflag:s11] =	ssyncadd.s32 $0xFFFFC000  }
0xd4: {  	[tilespmem:s7], [sflag:$0x1] =	stream.indirect.gather [hbm4b:s2+s9], $0x80, s19, s9, $0xb8;
	[tilespmem:$0x1C400] =	vst v63  }
0xd5: {  	_ = 	snop  }
0xd6: {  	[spmem:s3] =	stream.indirect.scatter.add.f32 [tilespmem:s10], [sflag:$0x3], $0x80, s29, s9, $0xb8;
	[tilespmem:$0x1C400] =	vst v63  }
.Ltmp2:
0xd7: {  	_ =	swait.ge [sflag:s6], $0x4000;
	(pc) =	sbr.rel @p0 .LBB2_4-.Ltmp2, $4  }
0xd8: {  	[sflag:s6] =	ssyncset.done $0x0  }
0xd9: {  	[sflag:s6] =	ssyncadd.s32 $0xFFFFC000  }
0xda: {  	_ =	swait.ge [sflag:s8], $0x4000  }
0xdb: {  	s31 =	smov.u32 s0;
	[sflag:s8] =	ssyncset.done $0x0  }
0xdc: {  	s0 =	sadd.s32 s30, s14;
	[sflag:s8] =	ssyncadd.s32 $0xFFFFC000  }
0xdd: {  	[tilespmem:s12], [sflag:$0x3] =	stream.linear.gather [hbm4b:s0+s12], $0x400, $0x38;
	[tilespmem:$0x1C400] =	vst v63  }
0xde: {  	_ =	swait.ge [sflag:s6], $0x400  }
0xdf: {  	[sflag:s6] =	ssyncset.done $0x0  }
0xe0: {  	s15 =	sadd.s32 s30, s15;
	[sflag:s6] =	ssyncadd.s32 $0xFFFFFC00  }
0xe1: {  	[tilespmem:s13], [sflag:$0x3] =	stream.linear.gather [hbm4b:s15+s12], $0x400, $0x38;
	[tilespmem:$0x1C400] =	vst v63  }
0xe2: {  	_ =	swait.ge [sflag:s6], $0x400  }
0xe3: {  	[sflag:s6] =	ssyncset.done $0x0  }
0xe4: {  	[sflag:s6] =	ssyncadd.s32 $0xFFFFFC00  }
0xe5: {  	[tilespmem:s7], [sflag:$0x1] =	stream.indirect.gather [hbm4b:s2+s9], $0x80, s12, s9, $0xb8;
	[tilespmem:$0x1C400] =	vst v63  }
0xe6: {  	_ =	swait.ge [sflag:s8], $0x4000  }
0xe7: {  	[sflag:s8] =	ssyncset.done $0x0  }
0xe8: {  	[sflag:s8] =	ssyncadd.s32 $0xFFFFC000  }
0xe9: {  	[tilespmem:s10], [sflag:$0x2] =	stream.indirect.gather [hbm4b:s2+s9], $0x80, s9, s9, $0xb8;
	[tilespmem:$0x1C400] =	vst v63  }
0xea: {  	_ = 	snop  }
0xeb: {  	[spmem:s3] =	stream.indirect.scatter.add.f32 [tilespmem:s7], [sflag:$0x3], $0x80, s13, s9, $0xb8;
	[tilespmem:$0x1C400] =	vst v63  }
0xec: {  	_ =	swait.ge [sflag:s6], $0x4000  }
0xed: {  	[sflag:s6] =	ssyncset.done $0x0  }
0xee: {  	[sflag:s6] =	ssyncadd.s32 $0xFFFFC000  }
0xef: {  	_ =	swait.ge [sflag:s11], $0x4000  }
0xf0: {  	[sflag:s11] =	ssyncset.done $0x0  }
0xf1: {  	[sflag:s11] =	ssyncadd.s32 $0xFFFFC000  }
0xf2: {  	[tilespmem:s7], [sflag:$0x1] =	stream.indirect.gather [hbm4b:s2+s9], $0x80, s16, s9, $0xb8;
	[tilespmem:$0x1C400] =	vst v63  }
0xf3: {  	_ = 	snop  }
0xf4: {  	[spmem:s3] =	stream.indirect.scatter.add.f32 [tilespmem:s10], [sflag:$0x3], $0x80, s17, s9, $0xb8;
	[tilespmem:$0x1C400] =	vst v63  }
0xf5: {  	_ =	swait.ge [sflag:s6], $0x4000  }
0xf6: {  	[sflag:s6] =	ssyncset.done $0x0  }
0xf7: {  	[sflag:s6] =	ssyncadd.s32 $0xFFFFC000  }
0xf8: {  	_ =	swait.ge [sflag:s8], $0x4000  }
0xf9: {  	[sflag:s8] =	ssyncset.done $0x0  }
0xfa: {  	[sflag:s8] =	ssyncadd.s32 $0xFFFFC000  }
0xfb: {  	[tilespmem:s10], [sflag:$0x2] =	stream.indirect.gather [hbm4b:s2+s9], $0x80, s18, s9, $0xb8;
	[tilespmem:$0x1C400] =	vst v63  }
0xfc: {  	_ = 	snop  }
0xfd: {  	[spmem:s3] =	stream.indirect.scatter.add.f32 [tilespmem:s7], [sflag:$0x3], $0x80, s20, s9, $0xb8;
	[tilespmem:$0x1C400] =	vst v63  }
0xfe: {  	_ =	swait.ge [sflag:s6], $0x4000  }
0xff: {  	[sflag:s6] =	ssyncset.done $0x0  }
0x100: {  	[sflag:s6] =	ssyncadd.s32 $0xFFFFC000  }
0x101: {  	_ =	swait.ge [sflag:s11], $0x4000  }
0x102: {  	[sflag:s11] =	ssyncset.done $0x0  }
0x103: {  	[sflag:s11] =	ssyncadd.s32 $0xFFFFC000  }
0x104: {  	[tilespmem:s7], [sflag:$0x1] =	stream.indirect.gather [hbm4b:s2+s9], $0x80, s21, s9, $0xb8;
	[tilespmem:$0x1C400] =	vst v63  }
0x105: {  	_ = 	snop  }
0x106: {  	[spmem:s3] =	stream.indirect.scatter.add.f32 [tilespmem:s10], [sflag:$0x3], $0x80, s22, s9, $0xb8;
	[tilespmem:$0x1C400] =	vst v63  }
0x107: {  	_ =	swait.ge [sflag:s6], $0x4000  }
0x108: {  	[sflag:s6] =	ssyncset.done $0x0  }
0x109: {  	[sflag:s6] =	ssyncadd.s32 $0xFFFFC000  }
0x10a: {  	_ =	swait.ge [sflag:s8], $0x4000  }
0x10b: {  	[sflag:s8] =	ssyncset.done $0x0  }
0x10c: {  	[sflag:s8] =	ssyncadd.s32 $0xFFFFC000  }
0x10d: {  	[tilespmem:s10], [sflag:$0x2] =	stream.indirect.gather [hbm4b:s2+s9], $0x80, s23, s9, $0xb8;
	[tilespmem:$0x1C400] =	vst v63  }
0x10e: {  	_ = 	snop  }
0x10f: {  	[spmem:s3] =	stream.indirect.scatter.add.f32 [tilespmem:s7], [sflag:$0x3], $0x80, s24, s9, $0xb8;
	[tilespmem:$0x1C400] =	vst v63  }
0x110: {  	_ =	swait.ge [sflag:s6], $0x4000  }
0x111: {  	[sflag:s6] =	ssyncset.done $0x0  }
0x112: {  	[sflag:s6] =	ssyncadd.s32 $0xFFFFC000  }
0x113: {  	_ =	swait.ge [sflag:s11], $0x4000  }
0x114: {  	[sflag:s11] =	ssyncset.done $0x0  }
0x115: {  	[sflag:s11] =	ssyncadd.s32 $0xFFFFC000  }
0x116: {  	[tilespmem:s7], [sflag:$0x1] =	stream.indirect.gather [hbm4b:s2+s9], $0x80, s25, s9, $0xb8;
	[tilespmem:$0x1C400] =	vst v63  }
0x117: {  	_ = 	snop  }
0x118: {  	[spmem:s3] =	stream.indirect.scatter.add.f32 [tilespmem:s10], [sflag:$0x3], $0x80, s26, s9, $0xb8;
	[tilespmem:$0x1C400] =	vst v63  }
0x119: {  	_ =	swait.ge [sflag:s6], $0x4000  }
0x11a: {  	[sflag:s6] =	ssyncset.done $0x0  }
0x11b: {  	[sflag:s6] =	ssyncadd.s32 $0xFFFFC000  }
0x11c: {  	_ =	swait.ge [sflag:s8], $0x4000  }
0x11d: {  	[sflag:s8] =	ssyncset.done $0x0  }
0x11e: {  	[sflag:s8] =	ssyncadd.s32 $0xFFFFC000  }
0x11f: {  	[tilespmem:s10], [sflag:$0x2] =	stream.indirect.gather [hbm4b:s2+s9], $0x80, s19, s9, $0xb8;
	[tilespmem:$0x1C400] =	vst v63  }
0x120: {  	_ = 	snop  }
0x121: {  	[spmem:s3] =	stream.indirect.scatter.add.f32 [tilespmem:s7], [sflag:$0x3], $0x80, s28, s9, $0xb8;
	[tilespmem:$0x1C400] =	vst v63  }
0x122: {  	_ =	swait.ge [sflag:s6], $0x4000  }
0x123: {  	[sflag:s6] =	ssyncset.done $0x0  }
0x124: {  	[sflag:s6] =	ssyncadd.s32 $0xFFFFC000  }
0x125: {  	_ =	swait.ge [sflag:s11], $0x4000  }
0x126: {  	[sflag:s11] =	ssyncset.done $0x0  }
0x127: {  	[sflag:s11] =	ssyncadd.s32 $0xFFFFC000  }
0x128: {  	[tilespmem:s7], [sflag:$0x1] =	stream.indirect.gather [hbm4b:s2+s9], $0x80, s19, s9, $0xb8;
	[tilespmem:$0x1C400] =	vst v63  }
0x129: {  	_ = 	snop  }
0x12a: {  	[spmem:s3] =	stream.indirect.scatter.add.f32 [tilespmem:s10], [sflag:$0x3], $0x80, s29, s9, $0xb8;
	[tilespmem:$0x1C400] =	vst v63  }
0x12b: {  	_ =	swait.ge [sflag:s6], $0x4000  }
0x12c: {  	[sflag:s6] =	ssyncset.done $0x0  }
0x12d: {  	[sflag:s6] =	ssyncadd.s32 $0xFFFFC000  }
0x12e: {  	_ =	swait.ge [sflag:s8], $0x4000  }
0x12f: {  	[sflag:s8] =	ssyncset.done $0x0  }
0x130: {  	s14 =	stileid.u32;
	[sflag:s8] =	ssyncadd.s32 $0xFFFFC000  }
0x131: {  	s1 =	sshrl.u32 s4, $0x3;
	s29 =	sshll.u32 s14, $0x6;
	[bflag:$0x0] =	sbarrier.arrive $0xFFFF  }
0x132: {  	s31 =	simm.s32 $0x3;
	s0 =	sor.u32 $0x1C03, s29;
	s30 =	rddreg [dreg:$0x4]  }
0x133: {  	[hbm:s30], [sflag:s0] =	dma.local [spmem:s1], $0x2780  }
0x134: {  	_ =	swait.ge [sflag:s31], $0x2780  }
0x135: {  	[sflag:s31] =	ssyncset.done $0x0  }
0x136: {  	[sflag:s31] =	ssyncadd.s32 $0xFFFFD880  }
0x137: {  	s4 =	rddreg [dreg:$0x3]  }
.LBB2_6:
0x138: {  	_ =	sfence.sel $0x180000  }
0x139: {  	[bflag:$0x0] =	sbarrier.arrive $0xFFFF  }
0x13a: {  	p0 =	sne.s32 s14, $0x0;
	_ =	strace $0x90000047  }
0x13b: {  	s0 =	sadd.s32 @!p0 $0x100000, s4;
	[bflag:$0x2] =	sbarrier.arrive $0xFFFF  }
0x13c: {  	[sflag:s0] =	ssyncadd.tile.s32 @!p0 $0x1;
	_ =	shalt  }
.Lfunc_end2:
_tile_overlayer_lowered:
.L_overlay_start_2:
0x13d: {  	(tag) =	ssettag $0x2  }
0x13e: {  	s0 =	rddreg [dreg:$0x0];
	s2 =	stileid.u32  }
0x13f: {  	s1 =	rddreg [dreg:$0x1];
	p0 =	sne.s32 s2, $0x0  }
0x140: {  	s3 =	rddreg [dreg:$0x2];
	[bflag:$0x3] =	sbarrier.arrive $0xFFFF;
	s2 =	simm.s32 @!p0 $0x1C03  }
0x141: {  	[timem:s3], [sflag:s2] =	dma.local @!p0 [hbm:s0], s1  }
0x142: {  	s0 =	simm.s32 @!p0 $0x3  }
0x143: {  	_ =	swait.ge @!p0 [sflag:s0], s1  }
0x144: {  	s1 =	ssub.s32 @!p0 $0x0, s1;
	[sflag:s0] =	ssyncset.done @!p0 $0x0  }
0x145: {  	[sflag:s0] =	ssyncadd.s32 @!p0 s1  }
0x146: {  	[bflag:$0x3] =	sbarrier.arrive $0xFFFF  }
0x147: {  	_ =	shalt  }

</sc_bundles>
